<compile_context>
chip_gen: v7x
topology: tpu7x:2x2x1
jax: 0.10.2.dev20260603
libtpu: 0.0.44.dev20260713+nightly
codegen_flags: <defaults>
</compile_context>

<pallas_src>
import functools

import jax
import jax.numpy as jnp
from jax import lax
from jax.experimental import pallas as pl
from jax.experimental.pallas import tpu as pltpu
from jax.experimental.pallas import tpu_sc as plsc

N = 10000
E = 320000
D = 128
H = 128
G = 64

N_PAD = 10240
BLK = 512
N_BLOCKS = N_PAD // BLK

NC = 2
NS = 16
CHUNK = 128
CPT = 80
STG = 40
T_CHUNKS = 2 * NS * CPT
NBUF = 2
E_PAD = T_CHUNKS * CHUNK
ROWS_PER_TILE = N_PAD // NS
DEG_CPT = T_CHUNKS // (NC * NS)

_sc_mesh = plsc.VectorSubcoreMesh(core_axis_name="c", subcore_axis_name="s")


@functools.partial(
    pl.kernel,
    out_type=[
        jax.ShapeDtypeStruct((N_PAD,), jnp.float32),
        jax.ShapeDtypeStruct((N_PAD,), jnp.float32),
    ],
    mesh=_sc_mesh,
    scratch_types=[
        pltpu.VMEM((DEG_CPT, CHUNK), jnp.int32),
        pltpu.VMEM((CHUNK,), jnp.float32),
        pltpu.VMEM((ROWS_PER_TILE,), jnp.float32),
        pltpu.VMEM_SHARED((N_PAD,), jnp.float32),
    ],
)
def _sc_degree(dst_hbm, deg0_hbm, deg1_hbm, idx_v, ones_v, zbuf_v, deg_sh):
    c = lax.axis_index("c")
    s = lax.axis_index("s")

    zeros16 = jnp.zeros((16,), jnp.float32)
    ones16 = jnp.ones((16,), jnp.float32)

    def fill_ones(i, _):
        ones_v[pl.ds(i * 16, 16)] = ones16
        return 0

    lax.fori_loop(0, CHUNK // 16, fill_ones, 0)

    def fill_zero(i, _):
        zbuf_v[pl.ds(i * 16, 16)] = zeros16
        return 0

    lax.fori_loop(0, ROWS_PER_TILE // 16, fill_zero, 0)

    pltpu.sync_copy(zbuf_v, deg_sh.at[pl.ds(s * ROWS_PER_TILE, ROWS_PER_TILE)])
    plsc.subcore_barrier()

    pltpu.sync_copy(
        dst_hbm.at[pl.ds((c * NS + s) * DEG_CPT, DEG_CPT)], idx_v)

    def step(j, _):
        pltpu.sync_copy(ones_v, deg_sh.at[idx_v.at[j]], add=True)
        return 0

    lax.fori_loop(0, DEG_CPT, step, 0)
    plsc.subcore_barrier()

    @pl.when(c == 0)
    def _():
        pltpu.sync_copy(
            deg_sh.at[pl.ds(s * ROWS_PER_TILE, ROWS_PER_TILE)],
            deg0_hbm.at[pl.ds(s * ROWS_PER_TILE, ROWS_PER_TILE)],
        )

    @pl.when(c == 1)
    def _():
        pltpu.sync_copy(
            deg_sh.at[pl.ds(s * ROWS_PER_TILE, ROWS_PER_TILE)],
            deg1_hbm.at[pl.ds(s * ROWS_PER_TILE, ROWS_PER_TILE)],
        )


@functools.partial(
    pl.kernel,
    out_type=[
        jax.ShapeDtypeStruct((N_PAD, H), jnp.float32),
        jax.ShapeDtypeStruct((N_PAD, H), jnp.float32),
    ],
    mesh=_sc_mesh,
    scratch_types=[
        pltpu.VMEM((STG, CHUNK), jnp.int32),
        pltpu.VMEM((STG, CHUNK), jnp.int32),
        pltpu.VMEM((NBUF, CHUNK, H), jnp.float32),
        [pltpu.SemaphoreType.DMA] * NBUF,
        pltpu.VMEM_SHARED((N_PAD, H), jnp.float32),
    ],
)
def _sc_edge(ht_hbm, src_hbm, dst_hbm, p0_hbm, p1_hbm,
             isrc_v, idst_v, rows_v, sem_g, agg_sh):
    c = lax.axis_index("c")
    s = lax.axis_index("s")
    zeros16 = jnp.zeros((16,), jnp.float32)

    def fill_zero(i, _):
        for j in range(H // 16):
            rows_v[0, i, pl.ds(j * 16, 16)] = zeros16
        return 0

    lax.fori_loop(0, CHUNK, fill_zero, 0)
    for k in range(ROWS_PER_TILE // CHUNK):
        pltpu.sync_copy(
            rows_v.at[0],
            agg_sh.at[pl.ds(s * ROWS_PER_TILE + k * CHUNK, CHUNK)],
        )
    plsc.subcore_barrier()

    base = (c * NS + s) * CPT

    def stage(st, _):
        off = pl.multiple_of(base + st * STG, 8)
        pltpu.sync_copy(src_hbm.at[pl.ds(off, STG)], isrc_v)
        pltpu.sync_copy(dst_hbm.at[pl.ds(off, STG)], idst_v)
        for b in range(NBUF):
            pltpu.async_copy(ht_hbm.at[isrc_v.at[b]], rows_v.at[b],
                             sem_g[b])

        def step(i, _):
            for b in range(NBUF):
                j = i * NBUF + b
                pltpu.make_async_copy(
                    ht_hbm.at[isrc_v.at[j]], rows_v.at[b], sem_g[b]
                ).wait()
                pltpu.sync_copy(
                    rows_v.at[b], agg_sh.at[idst_v.at[j]], add=True
                )

                @pl.when(i < STG // NBUF - 1)
                def _():
                    pltpu.async_copy(
                        ht_hbm.at[isrc_v.at[j + NBUF]], rows_v.at[b],
                        sem_g[b]
                    )
            return 0

        lax.fori_loop(0, STG // NBUF, step, 0)
        return 0

    lax.fori_loop(0, CPT // STG, stage, 0)
    plsc.subcore_barrier()

    @pl.when(c == 0)
    def _():
        pltpu.sync_copy(
            agg_sh.at[pl.ds(s * ROWS_PER_TILE, ROWS_PER_TILE)],
            p0_hbm.at[pl.ds(s * ROWS_PER_TILE, ROWS_PER_TILE)],
        )

    @pl.when(c == 1)
    def _():
        pltpu.sync_copy(
            agg_sh.at[pl.ds(s * ROWS_PER_TILE, ROWS_PER_TILE)],
            p1_hbm.at[pl.ds(s * ROWS_PER_TILE, ROWS_PER_TILE)],
        )


def _proj_body(data_ref, w_ref, b_ref, d0_ref, d1_ref, ht_ref, rs_ref):
    h = jnp.dot(data_ref[...], w_ref[...],
                preferred_element_type=jnp.float32) + b_ref[...]
    deg = jnp.maximum(d0_ref[...] + d1_ref[...], 1.0)
    row = (jax.lax.broadcasted_iota(jnp.int32, (BLK, 1), 0)
           + pl.program_id(0) * BLK)
    rs = jnp.where(row < N, jax.lax.rsqrt(deg), 0.0)
    ht_ref[...] = h * rs
    rs_ref[...] = rs


def _tc_proj(data, w_in, b_in, deg0, deg1):
    return pl.pallas_call(
        _proj_body,
        grid=(N_BLOCKS,),
        in_specs=[
            pl.BlockSpec((BLK, D), lambda i: (i, 0)),
            pl.BlockSpec((D, H), lambda i: (0, 0)),
            pl.BlockSpec((1, H), lambda i: (0, 0)),
            pl.BlockSpec((BLK, 1), lambda i: (i, 0)),
            pl.BlockSpec((BLK, 1), lambda i: (i, 0)),
        ],
        out_specs=[
            pl.BlockSpec((BLK, H), lambda i: (i, 0)),
            pl.BlockSpec((BLK, 1), lambda i: (i, 0)),
        ],
        out_shape=[
            jax.ShapeDtypeStruct((N_PAD, H), jnp.float32),
            jax.ShapeDtypeStruct((N_PAD, 1), jnp.float32),
        ],
    )(data, w_in, b_in, deg0, deg1)


def _layer_body(p0_ref, p1_ref, rs_ref, w_ref, b_ref, ht_ref):
    rs = rs_ref[...]
    agg = (p0_ref[...] + p1_ref[...]) * rs
    h = jnp.maximum(
        jnp.dot(agg, w_ref[...], preferred_element_type=jnp.float32)
        + b_ref[...], 0.0)
    ht_ref[...] = h * rs


def _tc_layer(p0, p1, rs, wg, bg):
    return pl.pallas_call(
        _layer_body,
        grid=(N_BLOCKS,),
        in_specs=[
            pl.BlockSpec((BLK, H), lambda i: (i, 0)),
            pl.BlockSpec((BLK, H), lambda i: (i, 0)),
            pl.BlockSpec((BLK, 1), lambda i: (i, 0)),
            pl.BlockSpec((H, H), lambda i: (0, 0)),
            pl.BlockSpec((1, H), lambda i: (0, 0)),
        ],
        out_specs=pl.BlockSpec((BLK, H), lambda i: (i, 0)),
        out_shape=jax.ShapeDtypeStruct((N_PAD, H), jnp.float32),
    )(p0, p1, rs, wg, bg)


def _final_body(p0_ref, p1_ref, rs_ref, wg_ref, bg_ref, batch_ref,
                w1_ref, b1_ref, w2_ref, b2_ref, w3_ref, b3_ref,
                out_ref, sums_acc, cnt_acc):
    i = pl.program_id(0)

    @pl.when(i == 0)
    def _():
        sums_acc[...] = jnp.zeros((G, H), jnp.float32)
        cnt_acc[...] = jnp.zeros((G, 1), jnp.float32)

    rs = rs_ref[...]
    agg = (p0_ref[...] + p1_ref[...]) * rs
    h3 = jnp.maximum(
        jnp.dot(agg, wg_ref[...], preferred_element_type=jnp.float32)
        + bg_ref[...], 0.0)

    gid = jax.lax.broadcasted_iota(jnp.int32, (BLK, G), 1)
    onehot = jnp.where(batch_ref[...] == gid, 1.0, 0.0)
    sums_acc[...] += jax.lax.dot_general(
        onehot, h3, (((0,), (0,)), ((), ())),
        preferred_element_type=jnp.float32)
    cnt_acc[...] += jax.lax.dot_general(
        onehot, jnp.ones((BLK, 1), jnp.float32), (((0,), (0,)), ((), ())),
        preferred_element_type=jnp.float32)

    @pl.when(i == N_BLOCKS - 1)
    def _():
        hg = sums_acc[...] / jnp.maximum(cnt_acc[...], 1.0)
        z = jnp.maximum(
            jnp.dot(hg, w1_ref[...], preferred_element_type=jnp.float32)
            + b1_ref[...], 0.0)
        z = jnp.maximum(
            jnp.dot(z, w2_ref[...], preferred_element_type=jnp.float32)
            + b2_ref[...], 0.0)
        out_ref[...] = (jnp.dot(z, w3_ref[...],
                                preferred_element_type=jnp.float32)
                        + b3_ref[...])


def _tc_final(p0, p1, rs, wg, bg, batch_col, w1, b1, w2, b2, w3, b3):
    return pl.pallas_call(
        _final_body,
        grid=(N_BLOCKS,),
        in_specs=[
            pl.BlockSpec((BLK, H), lambda i: (i, 0)),
            pl.BlockSpec((BLK, H), lambda i: (i, 0)),
            pl.BlockSpec((BLK, 1), lambda i: (i, 0)),
            pl.BlockSpec((H, H), lambda i: (0, 0)),
            pl.BlockSpec((1, H), lambda i: (0, 0)),
            pl.BlockSpec((BLK, 1), lambda i: (i, 0)),
            pl.BlockSpec((H, H), lambda i: (0, 0)),
            pl.BlockSpec((1, H), lambda i: (0, 0)),
            pl.BlockSpec((H, H // 2), lambda i: (0, 0)),
            pl.BlockSpec((1, H // 2), lambda i: (0, 0)),
            pl.BlockSpec((H // 2, 12), lambda i: (0, 0)),
            pl.BlockSpec((1, 12), lambda i: (0, 0)),
        ],
        out_specs=pl.BlockSpec((G, 12), lambda i: (0, 0)),
        out_shape=jax.ShapeDtypeStruct((G, 12), jnp.float32),
        scratch_shapes=[
            pltpu.VMEM((G, H), jnp.float32),
            pltpu.VMEM((G, 1), jnp.float32),
        ],
    )(p0, p1, rs, wg, bg, batch_col, w1, b1, w2, b2, w3, b3)


def kernel(data, edge_index, batch, W_in, b_in, Wg0, bg0, Wg1, bg1, Wg2, bg2,
           W1, b1, W2, b2, W3, b3):
    pad_e = E_PAD - E
    pad_idx = N + jnp.arange(pad_e, dtype=jnp.int32) % (N_PAD - N)
    src2d = jnp.concatenate(
        [edge_index[0].astype(jnp.int32), pad_idx]
    ).reshape(T_CHUNKS, CHUNK)
    dst2d = jnp.concatenate(
        [edge_index[1].astype(jnp.int32), pad_idx]
    ).reshape(T_CHUNKS, CHUNK)
    data_p = jnp.pad(data, ((0, N_PAD - N), (0, 0)))
    batch_col = jnp.concatenate(
        [batch.astype(jnp.int32), jnp.full((N_PAD - N,), G, jnp.int32)]
    ).reshape(N_PAD, 1)

    deg0, deg1 = _sc_degree(dst2d)
    ht, rs = _tc_proj(data_p, W_in, b_in.reshape(1, H),
                      deg0.reshape(N_PAD, 1), deg1.reshape(N_PAD, 1))
    for wg, bg in ((Wg0, bg0), (Wg1, bg1)):
        p0, p1 = _sc_edge(ht, src2d, dst2d)
        ht = _tc_layer(p0, p1, rs, wg, bg.reshape(1, H))
    p0, p1 = _sc_edge(ht, src2d, dst2d)
    return _tc_final(p0, p1, rs, Wg2, bg2.reshape(1, H), batch_col,
                     W1, b1.reshape(1, H), W2, b2.reshape(1, H // 2),
                     W3, b3.reshape(1, 12))

# --- scband reference (transcript-rebuilt; emitter-appended) ---
"""Pipeline reference for scband-astro-phot-gnn-87703232184708 (READ-ONLY COPY).

The authoritative reference and input builder live on the scoring server;
editing this copy changes nothing except your own understanding.
"""

import jax, jax.numpy as jnp
import numpy as np

N = 10000
E = 320000
D = 128
H = 128
G = 64


def setup_inputs(seed: int = 0):
    key = jax.random.key(seed)
    ks = jax.random.split(key, 16)
    inp = {}
    inp["data"] = jax.random.normal(ks[0], (N, D), jnp.float32)
    inp["edge_index"] = jax.random.randint(ks[1], (2, E), 0, N)
    inp["batch"] = jnp.sort(jax.random.randint(ks[2], (N,), 0, G))

    def lin(k, fi, fo):
        return (jax.random.normal(k, (fi, fo), jnp.float32) / np.sqrt(fi)).astype(jnp.float32)

    inp["W_in"] = lin(ks[3], D, H)
    inp["b_in"] = jnp.zeros((H,), jnp.float32)
    for i in range(3):
        inp["Wg%d" % i] = lin(ks[4 + i], H, H)
        inp["bg%d" % i] = jnp.zeros((H,), jnp.float32)
    inp["W1"] = lin(ks[7], H, H)
    inp["b1"] = jnp.zeros((H,), jnp.float32)
    inp["W2"] = lin(ks[8], H, H // 2)
    inp["b2"] = jnp.zeros((H // 2,), jnp.float32)
    inp["W3"] = lin(ks[9], H // 2, 12)
    inp["b3"] = jnp.zeros((12,), jnp.float32)
    return inp


def reference(data, edge_index, batch, W_in, b_in, Wg0, bg0, Wg1, bg1, Wg2, bg2, W1, b1, W2, b2, W3, b3):
    # input projection
    h = data @ W_in + b_in
    src = edge_index[0]
    dst = edge_index[1]
    # symmetric GCN normalization from in-degrees
    deg = jnp.zeros((N,), jnp.float32).at[dst].add(1.0)
    deg = jnp.clip(deg, 1.0)
    norm = (1.0 / jnp.sqrt(deg[src] * deg[dst]))[:, None]
    # 3 GCN message-passing layers: gather -> scatter-add -> linear -> relu
    for (Wg, bg) in ((Wg0, bg0), (Wg1, bg1), (Wg2, bg2)):
        msg = h[src] * norm
        agg = jnp.zeros((N, H), h.dtype).at[dst].add(msg)
        h = jax.nn.relu(agg @ Wg + bg)
    # mean pooling per graph (segment mean over batch ids)
    sums = jnp.zeros((G, H), h.dtype).at[batch].add(h)
    cnt = jnp.clip(jnp.zeros((G,), h.dtype).at[batch].add(1.0), 1.0)
    hg = sums / cnt[:, None]
    # global head MLP: [H] -> [H] -> [H//2] -> [12]
    z = jax.nn.relu(hg @ W1 + b1)
    z = jax.nn.relu(z @ W2 + b2)
    return z @ W3 + b3

if __name__ == "__main__":
    import jax
    _d = setup_inputs()
    print(jax.jit(kernel)(*tuple(_d.values())))

</pallas_src>

<mosaic_0001>
#map = affine_map<(d0, d1) -> (0, 0)>
#map1 = affine_map<(d0, d1) -> (0)>
module attributes {stable_mosaic.version = 14 : i64} {
  func.func @_sc_degree(%arg0: i32, %arg1: i32, %arg2: memref<2560x128xi32, #tpu.memory_space<hbm>>, %arg3: memref<10240xf32, #tpu.memory_space<hbm>>, %arg4: memref<10240xf32, #tpu.memory_space<hbm>>, %arg5: memref<80x128xi32, #tpu.memory_space<vmem>>, %arg6: memref<128xf32, #tpu.memory_space<vmem>>, %arg7: memref<640xf32, #tpu.memory_space<vmem>>, %arg8: memref<10240xf32, #tpu.memory_space<vmem_shared>>) attributes {dimension_semantics = [#tpu.dimension_semantics<core_parallel>, #tpu.dimension_semantics<subcore_parallel>], iteration_bounds = array<i64: 2, 16>, scalar_prefetch = 0 : i64, scratch_operands = 4 : i64, tpu.core_type = #tpu.core_type<sc_vector_subcore>, window_params = [{transform_indices = #map}, {transform_indices = #map1}, {transform_indices = #map1}]} {
    %broadcast_in_dim3A = arith.constant 0.000000e+00 : f32
    %broadcast_in_dim3A_0 = vector.broadcast %broadcast_in_dim3A : f32 to vector<16xf32>
    %broadcast_in_dim3A_1 = arith.constant 1.000000e+00 : f32
    %broadcast_in_dim3A_2 = vector.broadcast %broadcast_in_dim3A_1 : f32 to vector<16xf32>
    %scan3A = arith.constant 0 : i32
    %scan3A_3 = arith.constant 0 : i32
    %scan3A_4 = arith.constant 8 : i32
    %scan3A_5 = arith.addi %scan3A_3, %scan3A_4 : i32
    %scan3A_6 = arith.constant 1 : i32
    %scan3A_7 = scf.for %scan3A_36 = %scan3A_3 to %scan3A_5 step %scan3A_6 iter_args(%scan3A_37 = %scan3A) -> (i32)  : i32 {
      %mul3A_38 = arith.constant 16 : i32
      %mul3A_39 = arith.muli %scan3A_36, %mul3A_38 : i32
      %swap3A = arith.index_cast %mul3A_39 : i32 to index
      %swap3A_40 = tpu.vector_load %arg6[%swap3A] {strides = array<i32>} : memref<128xf32, #tpu.memory_space<vmem>>, vector<16xf32>,
      %swap3A_41 = vector.shape_cast %swap3A_40 : vector<16xf32> to vector<16xf32>
      %swap3A_42 = vector.shape_cast %broadcast_in_dim3A_2 : vector<16xf32> to vector<16xf32>
      tpu.vector_store %arg6[%swap3A], %swap3A_42 {strides = array<i32>} : memref<128xf32, #tpu.memory_space<vmem>>, vector<16xf32>,
      %scan3A_43 = arith.constant 0 : i32
      scf.yield %scan3A_43 : i32
    }
    %scan3A_8 = arith.constant 8 : i32
    %scan3A_9 = arith.constant 0 : i32
    %scan3A_10 = arith.constant 0 : i32
    %scan3A_11 = arith.constant 40 : i32
    %scan3A_12 = arith.addi %scan3A_10, %scan3A_11 : i32
    %scan3A_13 = arith.constant 1 : i32
    %scan3A_14 = scf.for %scan3A_36 = %scan3A_10 to %scan3A_12 step %scan3A_13 iter_args(%scan3A_37 = %scan3A_9) -> (i32)  : i32 {
      %mul3A_38 = arith.constant 16 : i32
      %mul3A_39 = arith.muli %scan3A_36, %mul3A_38 : i32
      %swap3A = arith.index_cast %mul3A_39 : i32 to index
      %swap3A_40 = tpu.vector_load %arg7[%swap3A] {strides = array<i32>} : memref<640xf32, #tpu.memory_space<vmem>>, vector<16xf32>,
      %swap3A_41 = vector.shape_cast %swap3A_40 : vector<16xf32> to vector<16xf32>
      %swap3A_42 = vector.shape_cast %broadcast_in_dim3A_0 : vector<16xf32> to vector<16xf32>
      tpu.vector_store %arg7[%swap3A], %swap3A_42 {strides = array<i32>} : memref<640xf32, #tpu.memory_space<vmem>>, vector<16xf32>,
      %scan3A_43 = arith.constant 0 : i32
      scf.yield %scan3A_43 : i32
    }
    %scan3A_15 = arith.constant 40 : i32
    %mul3A = arith.constant 640 : i32
    %mul3A_16 = arith.muli %arg1, %mul3A : i32
    "tpu.region"() ({
      %run_scoped3A = tpu.sem_alloc : memref<!tpu.dma_semaphore, #tpu.memory_space<semaphore_mem>>
      %dma_start3A = tpu.memref_slice %arg8[%mul3A_16] : memref<10240xf32, #tpu.memory_space<vmem_shared>> -> memref<640xf32, #tpu.memory_space<vmem_shared>>
      %dma_start3A_36 = tpu.memref_slice %arg8[%mul3A_16] : memref<10240xf32, #tpu.memory_space<vmem_shared>> -> memref<640xf32, #tpu.memory_space<vmem_shared>>
      tpu.enqueue_dma source(%arg7 : memref<640xf32, #tpu.memory_space<vmem>>) target(%dma_start3A_36 : memref<640xf32, #tpu.memory_space<vmem_shared>>) target_semaphore(%run_scoped3A : memref<!tpu.dma_semaphore, #tpu.memory_space<semaphore_mem>>)
      %dma_wait3A = tpu.memref_slice %arg8[%mul3A_16] : memref<10240xf32, #tpu.memory_space<vmem_shared>> -> memref<640xf32, #tpu.memory_space<vmem_shared>>
      %dma_wait3A_37 = tpu.memref_slice %arg8[%mul3A_16] : memref<10240xf32, #tpu.memory_space<vmem_shared>> -> memref<640xf32, #tpu.memory_space<vmem_shared>>
      tpu.wait_dma2 semaphore(%run_scoped3A : memref<!tpu.dma_semaphore, #tpu.memory_space<semaphore_mem>>) src(%arg7 : memref<640xf32, #tpu.memory_space<vmem>>) dst(%dma_wait3A_37 : memref<640xf32, #tpu.memory_space<vmem_shared>>)
      tpu.yield
    }) : () -> ()
    %barrier3A = arith.constant 0 : index
    tpu.barrier barrier_id(%barrier3A)
    %mul3A_17 = arith.constant 16 : i32
    %mul3A_18 = arith.muli %arg0, %mul3A_17 : i32
    %add3A = arith.addi %mul3A_18, %arg1 : i32
    %mul3A_19 = arith.constant 80 : i32
    %mul3A_20 = arith.muli %add3A, %mul3A_19 : i32
    "tpu.region"() ({
      %run_scoped3A = tpu.sem_alloc : memref<!tpu.dma_semaphore, #tpu.memory_space<semaphore_mem>>
      %dma_start3A = arith.constant 0 : i32
      %dma_start3A_36 = tpu.memref_slice %arg2[%mul3A_20, %dma_start3A] : memref<2560x128xi32, #tpu.memory_space<hbm>> -> memref<80x128xi32, #tpu.memory_space<hbm>>
      %dma_start3A_37 = arith.constant 0 : i32
      %dma_start3A_38 = tpu.memref_slice %arg2[%mul3A_20, %dma_start3A_37] : memref<2560x128xi32, #tpu.memory_space<hbm>> -> memref<80x128xi32, #tpu.memory_space<hbm>>
      tpu.enqueue_dma source(%dma_start3A_38 : memref<80x128xi32, #tpu.memory_space<hbm>>) target(%arg5 : memref<80x128xi32, #tpu.memory_space<vmem>>) target_semaphore(%run_scoped3A : memref<!tpu.dma_semaphore, #tpu.memory_space<semaphore_mem>>)
      %dma_wait3A = arith.constant 0 : i32
      %dma_wait3A_39 = tpu.memref_slice %arg2[%mul3A_20, %dma_wait3A] : memref<2560x128xi32, #tpu.memory_space<hbm>> -> memref<80x128xi32, #tpu.memory_space<hbm>>
      %dma_wait3A_40 = arith.constant 0 : i32
      %dma_wait3A_41 = tpu.memref_slice %arg2[%mul3A_20, %dma_wait3A_40] : memref<2560x128xi32, #tpu.memory_space<hbm>> -> memref<80x128xi32, #tpu.memory_space<hbm>>
      tpu.wait_dma2 semaphore(%run_scoped3A : memref<!tpu.dma_semaphore, #tpu.memory_space<semaphore_mem>>) src(%dma_wait3A_41 : memref<80x128xi32, #tpu.memory_space<hbm>>) dst(%arg5 : memref<80x128xi32, #tpu.memory_space<vmem>>)
      tpu.yield
    }) : () -> ()
    %scan3A_21 = arith.constant 0 : i32
    %scan3A_22 = arith.constant 0 : i32
    %scan3A_23 = arith.constant 80 : i32
    %scan3A_24 = arith.addi %scan3A_22, %scan3A_23 : i32
    %scan3A_25 = arith.constant 1 : i32
    %scan3A_26 = scf.for %scan3A_36 = %scan3A_22 to %scan3A_24 step %scan3A_25 iter_args(%scan3A_37 = %scan3A_21) -> (i32)  : i32 {
      "tpu.region"() ({
        %run_scoped3A = tpu.sem_alloc : memref<!tpu.dma_semaphore, #tpu.memory_space<semaphore_mem>>
        %dma_start3A = arith.constant 0 : i32
        %dma_start3A_39 = tpu.memref_slice %arg5[%scan3A_36, %dma_start3A] : memref<80x128xi32, #tpu.memory_space<vmem>> -> memref<1x128xi32, #tpu.memory_space<vmem>>
        %dma_start3A_40 = tpu.memref_squeeze %dma_start3A_39 : memref<1x128xi32, #tpu.memory_space<vmem>> -> memref<128xi32, #tpu.memory_space<vmem>>
        %dma_start3A_41 = arith.constant 0 : i32
        %dma_start3A_42 = tpu.memref_slice %arg8[%dma_start3A_41] : memref<10240xf32, #tpu.memory_space<vmem_shared>> -> memref<10240xf32, #tpu.memory_space<vmem_shared>>
        tpu.enqueue_indirect_dma source(%arg6 : memref<128xf32, #tpu.memory_space<vmem>>) target(%dma_start3A_42 : memref<10240xf32, #tpu.memory_space<vmem_shared>>) offsets(%dma_start3A_40 : memref<128xi32, #tpu.memory_space<vmem>>) semaphore(%run_scoped3A : memref<!tpu.dma_semaphore, #tpu.memory_space<semaphore_mem>>) {add = true}
        %dma_wait3A = arith.constant 0 : i32
        %dma_wait3A_43 = tpu.memref_slice %arg5[%scan3A_36, %dma_wait3A] : memref<80x128xi32, #tpu.memory_space<vmem>> -> memref<1x128xi32, #tpu.memory_space<vmem>>
        %dma_wait3A_44 = tpu.memref_squeeze %dma_wait3A_43 : memref<1x128xi32, #tpu.memory_space<vmem>> -> memref<128xi32, #tpu.memory_space<vmem>>
        %dma_wait3A_45 = arith.constant 0 : i32
        %dma_wait3A_46 = tpu.memref_slice %arg8[%dma_wait3A_45] : memref<10240xf32, #tpu.memory_space<vmem_shared>> -> memref<10240xf32, #tpu.memory_space<vmem_shared>>
        tpu.wait_indirect_dma semaphore(%run_scoped3A : memref<!tpu.dma_semaphore, #tpu.memory_space<semaphore_mem>>) src(%arg6 : memref<128xf32, #tpu.memory_space<vmem>>) dst(%dma_wait3A_46 : memref<10240xf32, #tpu.memory_space<vmem_shared>>)
        tpu.yield
      }) : () -> ()
      %scan3A_38 = arith.constant 0 : i32
      scf.yield %scan3A_38 : i32
    }
    %scan3A_27 = arith.constant 80 : i32
    %barrier3A_28 = arith.constant 0 : index
    tpu.barrier barrier_id(%barrier3A_28)
    %eq3A = arith.constant 0 : i32
    %eq3A_29 = arith.cmpi eq, %arg0, %eq3A : i32
    %convert_element_type3A = arith.extui %eq3A_29 : i1 to i32
    %cond3A = arith.constant 0 : i32
    %cond3A_30 = arith.cmpi ne, %convert_element_type3A, %cond3A : i32
    scf.if %cond3A_30 {
      %mul3A_36 = arith.constant 640 : i32
      %mul3A_37 = arith.muli %arg1, %mul3A_36 : i32
      %mul3A_38 = arith.constant 640 : i32
      %mul3A_39 = arith.muli %arg1, %mul3A_38 : i32
      "tpu.region"() ({
        %run_scoped3A = tpu.sem_alloc : memref<!tpu.dma_semaphore, #tpu.memory_space<semaphore_mem>>
        %dma_start3A = tpu.memref_slice %arg3[%mul3A_39] : memref<10240xf32, #tpu.memory_space<hbm>> -> memref<640xf32, #tpu.memory_space<hbm>>
        %dma_start3A_40 = tpu.memref_slice %arg8[%mul3A_37] : memref<10240xf32, #tpu.memory_space<vmem_shared>> -> memref<640xf32, #tpu.memory_space<vmem_shared>>
        tpu.enqueue_dma source(%dma_start3A_40 : memref<640xf32, #tpu.memory_space<vmem_shared>>) target(%dma_start3A : memref<640xf32, #tpu.memory_space<hbm>>) target_semaphore(%run_scoped3A : memref<!tpu.dma_semaphore, #tpu.memory_space<semaphore_mem>>)
        %dma_wait3A = tpu.memref_slice %arg3[%mul3A_39] : memref<10240xf32, #tpu.memory_space<hbm>> -> memref<640xf32, #tpu.memory_space<hbm>>
        %dma_wait3A_41 = tpu.memref_slice %arg8[%mul3A_37] : memref<10240xf32, #tpu.memory_space<vmem_shared>> -> memref<640xf32, #tpu.memory_space<vmem_shared>>
        tpu.wait_dma2 semaphore(%run_scoped3A : memref<!tpu.dma_semaphore, #tpu.memory_space<semaphore_mem>>) src(%dma_wait3A_41 : memref<640xf32, #tpu.memory_space<vmem_shared>>) dst(%dma_wait3A : memref<640xf32, #tpu.memory_space<hbm>>)
        tpu.yield
      }) : () -> ()
    } else {
    }
    %eq3A_31 = arith.constant 1 : i32
    %eq3A_32 = arith.cmpi eq, %arg0, %eq3A_31 : i32
    %convert_element_type3A_33 = arith.extui %eq3A_32 : i1 to i32
    %cond3A_34 = arith.constant 0 : i32
    %cond3A_35 = arith.cmpi ne, %convert_element_type3A_33, %cond3A_34 : i32
    scf.if %cond3A_35 {
      %mul3A_36 = arith.constant 640 : i32
      %mul3A_37 = arith.muli %arg1, %mul3A_36 : i32
      %mul3A_38 = arith.constant 640 : i32
      %mul3A_39 = arith.muli %arg1, %mul3A_38 : i32
      "tpu.region"() ({
        %run_scoped3A = tpu.sem_alloc : memref<!tpu.dma_semaphore, #tpu.memory_space<semaphore_mem>>
        %dma_start3A = tpu.memref_slice %arg4[%mul3A_39] : memref<10240xf32, #tpu.memory_space<hbm>> -> memref<640xf32, #tpu.memory_space<hbm>>
        %dma_start3A_40 = tpu.memref_slice %arg8[%mul3A_37] : memref<10240xf32, #tpu.memory_space<vmem_shared>> -> memref<640xf32, #tpu.memory_space<vmem_shared>>
        tpu.enqueue_dma source(%dma_start3A_40 : memref<640xf32, #tpu.memory_space<vmem_shared>>) target(%dma_start3A : memref<640xf32, #tpu.memory_space<hbm>>) target_semaphore(%run_scoped3A : memref<!tpu.dma_semaphore, #tpu.memory_space<semaphore_mem>>)
        %dma_wait3A = tpu.memref_slice %arg4[%mul3A_39] : memref<10240xf32, #tpu.memory_space<hbm>> -> memref<640xf32, #tpu.memory_space<hbm>>
        %dma_wait3A_41 = tpu.memref_slice %arg8[%mul3A_37] : memref<10240xf32, #tpu.memory_space<vmem_shared>> -> memref<640xf32, #tpu.memory_space<vmem_shared>>
        tpu.wait_dma2 semaphore(%run_scoped3A : memref<!tpu.dma_semaphore, #tpu.memory_space<semaphore_mem>>) src(%dma_wait3A_41 : memref<640xf32, #tpu.memory_space<vmem_shared>>) dst(%dma_wait3A : memref<640xf32, #tpu.memory_space<hbm>>)
        tpu.yield
      }) : () -> ()
    } else {
    }
    return
  }
}

#map = affine_map<(d0, d1) -> (0, 0)>
module attributes {stable_mosaic.version = 14 : i64} {
  func.func @_sc_edge(%arg0: i32, %arg1: i32, %arg2: memref<10240x128xf32, #tpu.memory_space<hbm>>, %arg3: memref<2560x128xi32, #tpu.memory_space<hbm>>, %arg4: memref<2560x128xi32, #tpu.memory_space<hbm>>, %arg5: memref<10240x128xf32, #tpu.memory_space<hbm>>, %arg6: memref<10240x128xf32, #tpu.memory_space<hbm>>, %arg7: memref<40x128xi32, #tpu.memory_space<vmem>>, %arg8: memref<40x128xi32, #tpu.memory_space<vmem>>, %arg9: memref<2x128x128xf32, #tpu.memory_space<vmem>>, %arg10: memref<!tpu.dma_semaphore, #tpu.memory_space<semaphore_mem>>, %arg11: memref<!tpu.dma_semaphore, #tpu.memory_space<semaphore_mem>>, %arg12: memref<10240x128xf32, #tpu.memory_space<vmem_shared>>) attributes {dimension_semantics = [#tpu.dimension_semantics<core_parallel>, #tpu.dimension_semantics<subcore_parallel>], iteration_bounds = array<i64: 2, 16>, scalar_prefetch = 0 : i64, scratch_operands = 6 : i64, tpu.core_type = #tpu.core_type<sc_vector_subcore>, window_params = [{transform_indices = #map}, {transform_indices = #map}, {transform_indices = #map}, {transform_indices = #map}, {transform_indices = #map}]} {
    %broadcast_in_dim3A = arith.constant 0.000000e+00 : f32
    %broadcast_in_dim3A_0 = vector.broadcast %broadcast_in_dim3A : f32 to vector<16xf32>
    %scan3A = arith.constant 0 : i32
    %scan3A_1 = arith.constant 0 : i32
    %scan3A_2 = arith.constant 128 : i32
    %scan3A_3 = arith.addi %scan3A_1, %scan3A_2 : i32
    %scan3A_4 = arith.constant 1 : i32
    %scan3A_5 = scf.for %scan3A_49 = %scan3A_1 to %scan3A_3 step %scan3A_4 iter_args(%scan3A_50 = %scan3A) -> (i32)  : i32 {
      %swap3A = arith.constant 0 : i32
      %swap3A_51 = arith.index_cast %swap3A : i32 to index
      %swap3A_52 = arith.index_cast %scan3A_49 : i32 to index
      %swap3A_53 = arith.constant 0 : index
      %swap3A_54 = tpu.vector_load %arg9[%swap3A_51, %swap3A_52, %swap3A_53] {strides = array<i32>} : memref<2x128x128xf32, #tpu.memory_space<vmem>>, vector<1x1x16xf32>,
      %swap3A_55 = vector.shape_cast %swap3A_54 : vector<1x1x16xf32> to vector<16xf32>
      %swap3A_56 = vector.shape_cast %broadcast_in_dim3A_0 : vector<16xf32> to vector<1x1x16xf32>
      tpu.vector_store %arg9[%swap3A_51, %swap3A_52, %swap3A_53], %swap3A_56 {strides = array<i32>} : memref<2x128x128xf32, #tpu.memory_space<vmem>>, vector<1x1x16xf32>,
      %swap3A_57 = arith.constant 0 : i32
      %swap3A_58 = arith.index_cast %swap3A_57 : i32 to index
      %swap3A_59 = arith.index_cast %scan3A_49 : i32 to index
      %swap3A_60 = arith.constant 16 : index
      %swap3A_61 = tpu.vector_load %arg9[%swap3A_58, %swap3A_59, %swap3A_60] {strides = array<i32>} : memref<2x128x128xf32, #tpu.memory_space<vmem>>, vector<1x1x16xf32>,
      %swap3A_62 = vector.shape_cast %swap3A_61 : vector<1x1x16xf32> to vector<16xf32>
      %swap3A_63 = vector.shape_cast %broadcast_in_dim3A_0 : vector<16xf32> to vector<1x1x16xf32>
      tpu.vector_store %arg9[%swap3A_58, %swap3A_59, %swap3A_60], %swap3A_63 {strides = array<i32>} : memref<2x128x128xf32, #tpu.memory_space<vmem>>, vector<1x1x16xf32>,
      %swap3A_64 = arith.constant 0 : i32
      %swap3A_65 = arith.index_cast %swap3A_64 : i32 to index
      %swap3A_66 = arith.index_cast %scan3A_49 : i32 to index
      %swap3A_67 = arith.constant 32 : index
      %swap3A_68 = tpu.vector_load %arg9[%swap3A_65, %swap3A_66, %swap3A_67] {strides = array<i32>} : memref<2x128x128xf32, #tpu.memory_space<vmem>>, vector<1x1x16xf32>,
      %swap3A_69 = vector.shape_cast %swap3A_68 : vector<1x1x16xf32> to vector<16xf32>
      %swap3A_70 = vector.shape_cast %broadcast_in_dim3A_0 : vector<16xf32> to vector<1x1x16xf32>
      tpu.vector_store %arg9[%swap3A_65, %swap3A_66, %swap3A_67], %swap3A_70 {strides = array<i32>} : memref<2x128x128xf32, #tpu.memory_space<vmem>>, vector<1x1x16xf32>,
      %swap3A_71 = arith.constant 0 : i32
      %swap3A_72 = arith.index_cast %swap3A_71 : i32 to index
      %swap3A_73 = arith.index_cast %scan3A_49 : i32 to index
      %swap3A_74 = arith.constant 48 : index
      %swap3A_75 = tpu.vector_load %arg9[%swap3A_72, %swap3A_73, %swap3A_74] {strides = array<i32>} : memref<2x128x128xf32, #tpu.memory_space<vmem>>, vector<1x1x16xf32>,
      %swap3A_76 = vector.shape_cast %swap3A_75 : vector<1x1x16xf32> to vector<16xf32>
      %swap3A_77 = vector.shape_cast %broadcast_in_dim3A_0 : vector<16xf32> to vector<1x1x16xf32>
      tpu.vector_store %arg9[%swap3A_72, %swap3A_73, %swap3A_74], %swap3A_77 {strides = array<i32>} : memref<2x128x128xf32, #tpu.memory_space<vmem>>, vector<1x1x16xf32>,
      %swap3A_78 = arith.constant 0 : i32
      %swap3A_79 = arith.index_cast %swap3A_78 : i32 to index
      %swap3A_80 = arith.index_cast %scan3A_49 : i32 to index
      %swap3A_81 = arith.constant 64 : index
      %swap3A_82 = tpu.vector_load %arg9[%swap3A_79, %swap3A_80, %swap3A_81] {strides = array<i32>} : memref<2x128x128xf32, #tpu.memory_space<vmem>>, vector<1x1x16xf32>,
      %swap3A_83 = vector.shape_cast %swap3A_82 : vector<1x1x16xf32> to vector<16xf32>
      %swap3A_84 = vector.shape_cast %broadcast_in_dim3A_0 : vector<16xf32> to vector<1x1x16xf32>
      tpu.vector_store %arg9[%swap3A_79, %swap3A_80, %swap3A_81], %swap3A_84 {strides = array<i32>} : memref<2x128x128xf32, #tpu.memory_space<vmem>>, vector<1x1x16xf32>,
      %swap3A_85 = arith.constant 0 : i32
      %swap3A_86 = arith.index_cast %swap3A_85 : i32 to index
      %swap3A_87 = arith.index_cast %scan3A_49 : i32 to index
      %swap3A_88 = arith.constant 80 : index
      %swap3A_89 = tpu.vector_load %arg9[%swap3A_86, %swap3A_87, %swap3A_88] {strides = array<i32>} : memref<2x128x128xf32, #tpu.memory_space<vmem>>, vector<1x1x16xf32>,
      %swap3A_90 = vector.shape_cast %swap3A_89 : vector<1x1x16xf32> to vector<16xf32>
      %swap3A_91 = vector.shape_cast %broadcast_in_dim3A_0 : vector<16xf32> to vector<1x1x16xf32>
      tpu.vector_store %arg9[%swap3A_86, %swap3A_87, %swap3A_88], %swap3A_91 {strides = array<i32>} : memref<2x128x128xf32, #tpu.memory_space<vmem>>, vector<1x1x16xf32>,
      %swap3A_92 = arith.constant 0 : i32
      %swap3A_93 = arith.index_cast %swap3A_92 : i32 to index
      %swap3A_94 = arith.index_cast %scan3A_49 : i32 to index
      %swap3A_95 = arith.constant 96 : index
      %swap3A_96 = tpu.vector_load %arg9[%swap3A_93, %swap3A_94, %swap3A_95] {strides = array<i32>} : memref<2x128x128xf32, #tpu.memory_space<vmem>>, vector<1x1x16xf32>,
      %swap3A_97 = vector.shape_cast %swap3A_96 : vector<1x1x16xf32> to vector<16xf32>
      %swap3A_98 = vector.shape_cast %broadcast_in_dim3A_0 : vector<16xf32> to vector<1x1x16xf32>
      tpu.vector_store %arg9[%swap3A_93, %swap3A_94, %swap3A_95], %swap3A_98 {strides = array<i32>} : memref<2x128x128xf32, #tpu.memory_space<vmem>>, vector<1x1x16xf32>,
      %swap3A_99 = arith.constant 0 : i32
      %swap3A_100 = arith.index_cast %swap3A_99 : i32 to index
      %swap3A_101 = arith.index_cast %scan3A_49 : i32 to index
      %swap3A_102 = arith.constant 112 : index
      %swap3A_103 = tpu.vector_load %arg9[%swap3A_100, %swap3A_101, %swap3A_102] {strides = array<i32>} : memref<2x128x128xf32, #tpu.memory_space<vmem>>, vector<1x1x16xf32>,
      %swap3A_104 = vector.shape_cast %swap3A_103 : vector<1x1x16xf32> to vector<16xf32>
      %swap3A_105 = vector.shape_cast %broadcast_in_dim3A_0 : vector<16xf32> to vector<1x1x16xf32>
      tpu.vector_store %arg9[%swap3A_100, %swap3A_101, %swap3A_102], %swap3A_105 {strides = array<i32>} : memref<2x128x128xf32, #tpu.memory_space<vmem>>, vector<1x1x16xf32>,
      %scan3A_106 = arith.constant 0 : i32
      scf.yield %scan3A_106 : i32
    }
    %scan3A_6 = arith.constant 128 : i32
    %mul3A = arith.constant 640 : i32
    %mul3A_7 = arith.muli %arg1, %mul3A : i32
    %add3A = arith.constant 0 : i32
    %add3A_8 = arith.addi %mul3A_7, %add3A : i32
    %run_scoped3A = arith.constant 0 : i32
    "tpu.region"() ({
      %run_scoped3A_49 = tpu.sem_alloc : memref<!tpu.dma_semaphore, #tpu.memory_space<semaphore_mem>>
      %dma_start3A = arith.constant 0 : i32
      %dma_start3A_50 = arith.constant 0 : i32
      %dma_start3A_51 = tpu.memref_slice %arg9[%run_scoped3A, %dma_start3A, %dma_start3A_50] : memref<2x128x128xf32, #tpu.memory_space<vmem>> -> memref<1x128x128xf32, #tpu.memory_space<vmem>>
      %dma_start3A_52 = tpu.memref_squeeze %dma_start3A_51 : memref<1x128x128xf32, #tpu.memory_space<vmem>> -> memref<128x128xf32, #tpu.memory_space<vmem>>
      %dma_start3A_53 = arith.constant 0 : i32
      %dma_start3A_54 = tpu.memref_slice %arg12[%add3A_8, %dma_start3A_53] : memref<10240x128xf32, #tpu.memory_space<vmem_shared>> -> memref<128x128xf32, #tpu.memory_space<vmem_shared>>
      %dma_start3A_55 = arith.constant 0 : i32
      %dma_start3A_56 = tpu.memref_slice %arg12[%add3A_8, %dma_start3A_55] : memref<10240x128xf32, #tpu.memory_space<vmem_shared>> -> memref<128x128xf32, #tpu.memory_space<vmem_shared>>
      %dma_start3A_57 = arith.constant 0 : i32
      %dma_start3A_58 = arith.constant 0 : i32
      %dma_start3A_59 = tpu.memref_slice %arg9[%run_scoped3A, %dma_start3A_57, %dma_start3A_58] : memref<2x128x128xf32, #tpu.memory_space<vmem>> -> memref<1x128x128xf32, #tpu.memory_space<vmem>>
      %dma_start3A_60 = tpu.memref_squeeze %dma_start3A_59 : memref<1x128x128xf32, #tpu.memory_space<vmem>> -> memref<128x128xf32, #tpu.memory_space<vmem>>
      tpu.enqueue_dma source(%dma_start3A_60 : memref<128x128xf32, #tpu.memory_space<vmem>>) target(%dma_start3A_56 : memref<128x128xf32, #tpu.memory_space<vmem_shared>>) target_semaphore(%run_scoped3A_49 : memref<!tpu.dma_semaphore, #tpu.memory_space<semaphore_mem>>)
      %dma_wait3A = arith.constant 0 : i32
      %dma_wait3A_61 = arith.constant 0 : i32
      %dma_wait3A_62 = tpu.memref_slice %arg9[%run_scoped3A, %dma_wait3A, %dma_wait3A_61] : memref<2x128x128xf32, #tpu.memory_space<vmem>> -> memref<1x128x128xf32, #tpu.memory_space<vmem>>
      %dma_wait3A_63 = tpu.memref_squeeze %dma_wait3A_62 : memref<1x128x128xf32, #tpu.memory_space<vmem>> -> memref<128x128xf32, #tpu.memory_space<vmem>>
      %dma_wait3A_64 = arith.constant 0 : i32
      %dma_wait3A_65 = tpu.memref_slice %arg12[%add3A_8, %dma_wait3A_64] : memref<10240x128xf32, #tpu.memory_space<vmem_shared>> -> memref<128x128xf32, #tpu.memory_space<vmem_shared>>
      %dma_wait3A_66 = arith.constant 0 : i32
      %dma_wait3A_67 = tpu.memref_slice %arg12[%add3A_8, %dma_wait3A_66] : memref<10240x128xf32, #tpu.memory_space<vmem_shared>> -> memref<128x128xf32, #tpu.memory_space<vmem_shared>>
      %dma_wait3A_68 = arith.constant 0 : i32
      %dma_wait3A_69 = arith.constant 0 : i32
      %dma_wait3A_70 = tpu.memref_slice %arg9[%run_scoped3A, %dma_wait3A_68, %dma_wait3A_69] : memref<2x128x128xf32, #tpu.memory_space<vmem>> -> memref<1x128x128xf32, #tpu.memory_space<vmem>>
      %dma_wait3A_71 = tpu.memref_squeeze %dma_wait3A_70 : memref<1x128x128xf32, #tpu.memory_space<vmem>> -> memref<128x128xf32, #tpu.memory_space<vmem>>
      tpu.wait_dma2 semaphore(%run_scoped3A_49 : memref<!tpu.dma_semaphore, #tpu.memory_space<semaphore_mem>>) src(%dma_wait3A_71 : memref<128x128xf32, #tpu.memory_space<vmem>>) dst(%dma_wait3A_67 : memref<128x128xf32, #tpu.memory_space<vmem_shared>>)
      tpu.yield
    }) : () -> ()
    %mul3A_9 = arith.constant 640 : i32
    %mul3A_10 = arith.muli %arg1, %mul3A_9 : i32
    %add3A_11 = arith.constant 128 : i32
    %add3A_12 = arith.addi %mul3A_10, %add3A_11 : i32
    %run_scoped3A_13 = arith.constant 0 : i32
    "tpu.region"() ({
      %run_scoped3A_49 = tpu.sem_alloc : memref<!tpu.dma_semaphore, #tpu.memory_space<semaphore_mem>>
      %dma_start3A = arith.constant 0 : i32
      %dma_start3A_50 = arith.constant 0 : i32
      %dma_start3A_51 = tpu.memref_slice %arg9[%run_scoped3A_13, %dma_start3A, %dma_start3A_50] : memref<2x128x128xf32, #tpu.memory_space<vmem>> -> memref<1x128x128xf32, #tpu.memory_space<vmem>>
      %dma_start3A_52 = tpu.memref_squeeze %dma_start3A_51 : memref<1x128x128xf32, #tpu.memory_space<vmem>> -> memref<128x128xf32, #tpu.memory_space<vmem>>
      %dma_start3A_53 = arith.constant 0 : i32
      %dma_start3A_54 = tpu.memref_slice %arg12[%add3A_12, %dma_start3A_53] : memref<10240x128xf32, #tpu.memory_space<vmem_shared>> -> memref<128x128xf32, #tpu.memory_space<vmem_shared>>
      %dma_start3A_55 = arith.constant 0 : i32
      %dma_start3A_56 = tpu.memref_slice %arg12[%add3A_12, %dma_start3A_55] : memref<10240x128xf32, #tpu.memory_space<vmem_shared>> -> memref<128x128xf32, #tpu.memory_space<vmem_shared>>
      %dma_start3A_57 = arith.constant 0 : i32
      %dma_start3A_58 = arith.constant 0 : i32
      %dma_start3A_59 = tpu.memref_slice %arg9[%run_scoped3A_13, %dma_start3A_57, %dma_start3A_58] : memref<2x128x128xf32, #tpu.memory_space<vmem>> -> memref<1x128x128xf32, #tpu.memory_space<vmem>>
      %dma_start3A_60 = tpu.memref_squeeze %dma_start3A_59 : memref<1x128x128xf32, #tpu.memory_space<vmem>> -> memref<128x128xf32, #tpu.memory_space<vmem>>
      tpu.enqueue_dma source(%dma_start3A_60 : memref<128x128xf32, #tpu.memory_space<vmem>>) target(%dma_start3A_56 : memref<128x128xf32, #tpu.memory_space<vmem_shared>>) target_semaphore(%run_scoped3A_49 : memref<!tpu.dma_semaphore, #tpu.memory_space<semaphore_mem>>)
      %dma_wait3A = arith.constant 0 : i32
      %dma_wait3A_61 = arith.constant 0 : i32
      %dma_wait3A_62 = tpu.memref_slice %arg9[%run_scoped3A_13, %dma_wait3A, %dma_wait3A_61] : memref<2x128x128xf32, #tpu.memory_space<vmem>> -> memref<1x128x128xf32, #tpu.memory_space<vmem>>
      %dma_wait3A_63 = tpu.memref_squeeze %dma_wait3A_62 : memref<1x128x128xf32, #tpu.memory_space<vmem>> -> memref<128x128xf32, #tpu.memory_space<vmem>>
      %dma_wait3A_64 = arith.constant 0 : i32
      %dma_wait3A_65 = tpu.memref_slice %arg12[%add3A_12, %dma_wait3A_64] : memref<10240x128xf32, #tpu.memory_space<vmem_shared>> -> memref<128x128xf32, #tpu.memory_space<vmem_shared>>
      %dma_wait3A_66 = arith.constant 0 : i32
      %dma_wait3A_67 = tpu.memref_slice %arg12[%add3A_12, %dma_wait3A_66] : memref<10240x128xf32, #tpu.memory_space<vmem_shared>> -> memref<128x128xf32, #tpu.memory_space<vmem_shared>>
      %dma_wait3A_68 = arith.constant 0 : i32
      %dma_wait3A_69 = arith.constant 0 : i32
      %dma_wait3A_70 = tpu.memref_slice %arg9[%run_scoped3A_13, %dma_wait3A_68, %dma_wait3A_69] : memref<2x128x128xf32, #tpu.memory_space<vmem>> -> memref<1x128x128xf32, #tpu.memory_space<vmem>>
      %dma_wait3A_71 = tpu.memref_squeeze %dma_wait3A_70 : memref<1x128x128xf32, #tpu.memory_space<vmem>> -> memref<128x128xf32, #tpu.memory_space<vmem>>
      tpu.wait_dma2 semaphore(%run_scoped3A_49 : memref<!tpu.dma_semaphore, #tpu.memory_space<semaphore_mem>>) src(%dma_wait3A_71 : memref<128x128xf32, #tpu.memory_space<vmem>>) dst(%dma_wait3A_67 : memref<128x128xf32, #tpu.memory_space<vmem_shared>>)
      tpu.yield
    }) : () -> ()
    %mul3A_14 = arith.constant 640 : i32
    %mul3A_15 = arith.muli %arg1, %mul3A_14 : i32
    %add3A_16 = arith.constant 256 : i32
    %add3A_17 = arith.addi %mul3A_15, %add3A_16 : i32
    %run_scoped3A_18 = arith.constant 0 : i32
    "tpu.region"() ({
      %run_scoped3A_49 = tpu.sem_alloc : memref<!tpu.dma_semaphore, #tpu.memory_space<semaphore_mem>>
      %dma_start3A = arith.constant 0 : i32
      %dma_start3A_50 = arith.constant 0 : i32
      %dma_start3A_51 = tpu.memref_slice %arg9[%run_scoped3A_18, %dma_start3A, %dma_start3A_50] : memref<2x128x128xf32, #tpu.memory_space<vmem>> -> memref<1x128x128xf32, #tpu.memory_space<vmem>>
      %dma_start3A_52 = tpu.memref_squeeze %dma_start3A_51 : memref<1x128x128xf32, #tpu.memory_space<vmem>> -> memref<128x128xf32, #tpu.memory_space<vmem>>
      %dma_start3A_53 = arith.constant 0 : i32
      %dma_start3A_54 = tpu.memref_slice %arg12[%add3A_17, %dma_start3A_53] : memref<10240x128xf32, #tpu.memory_space<vmem_shared>> -> memref<128x128xf32, #tpu.memory_space<vmem_shared>>
      %dma_start3A_55 = arith.constant 0 : i32
      %dma_start3A_56 = tpu.memref_slice %arg12[%add3A_17, %dma_start3A_55] : memref<10240x128xf32, #tpu.memory_space<vmem_shared>> -> memref<128x128xf32, #tpu.memory_space<vmem_shared>>
      %dma_start3A_57 = arith.constant 0 : i32
      %dma_start3A_58 = arith.constant 0 : i32
      %dma_start3A_59 = tpu.memref_slice %arg9[%run_scoped3A_18, %dma_start3A_57, %dma_start3A_58] : memref<2x128x128xf32, #tpu.memory_space<vmem>> -> memref<1x128x128xf32, #tpu.memory_space<vmem>>
      %dma_start3A_60 = tpu.memref_squeeze %dma_start3A_59 : memref<1x128x128xf32, #tpu.memory_space<vmem>> -> memref<128x128xf32, #tpu.memory_space<vmem>>
      tpu.enqueue_dma source(%dma_start3A_60 : memref<128x128xf32, #tpu.memory_space<vmem>>) target(%dma_start3A_56 : memref<128x128xf32, #tpu.memory_space<vmem_shared>>) target_semaphore(%run_scoped3A_49 : memref<!tpu.dma_semaphore, #tpu.memory_space<semaphore_mem>>)
      %dma_wait3A = arith.constant 0 : i32
      %dma_wait3A_61 = arith.constant 0 : i32
      %dma_wait3A_62 = tpu.memref_slice %arg9[%run_scoped3A_18, %dma_wait3A, %dma_wait3A_61] : memref<2x128x128xf32, #tpu.memory_space<vmem>> -> memref<1x128x128xf32, #tpu.memory_space<vmem>>
      %dma_wait3A_63 = tpu.memref_squeeze %dma_wait3A_62 : memref<1x128x128xf32, #tpu.memory_space<vmem>> -> memref<128x128xf32, #tpu.memory_space<vmem>>
      %dma_wait3A_64 = arith.constant 0 : i32
      %dma_wait3A_65 = tpu.memref_slice %arg12[%add3A_17, %dma_wait3A_64] : memref<10240x128xf32, #tpu.memory_space<vmem_shared>> -> memref<128x128xf32, #tpu.memory_space<vmem_shared>>
      %dma_wait3A_66 = arith.constant 0 : i32
      %dma_wait3A_67 = tpu.memref_slice %arg12[%add3A_17, %dma_wait3A_66] : memref<10240x128xf32, #tpu.memory_space<vmem_shared>> -> memref<128x128xf32, #tpu.memory_space<vmem_shared>>
      %dma_wait3A_68 = arith.constant 0 : i32
      %dma_wait3A_69 = arith.constant 0 : i32
      %dma_wait3A_70 = tpu.memref_slice %arg9[%run_scoped3A_18, %dma_wait3A_68, %dma_wait3A_69] : memref<2x128x128xf32, #tpu.memory_space<vmem>> -> memref<1x128x128xf32, #tpu.memory_space<vmem>>
      %dma_wait3A_71 = tpu.memref_squeeze %dma_wait3A_70 : memref<1x128x128xf32, #tpu.memory_space<vmem>> -> memref<128x128xf32, #tpu.memory_space<vmem>>
      tpu.wait_dma2 semaphore(%run_scoped3A_49 : memref<!tpu.dma_semaphore, #tpu.memory_space<semaphore_mem>>) src(%dma_wait3A_71 : memref<128x128xf32, #tpu.memory_space<vmem>>) dst(%dma_wait3A_67 : memref<128x128xf32, #tpu.memory_space<vmem_shared>>)
      tpu.yield
    }) : () -> ()
    %mul3A_19 = arith.constant 640 : i32
    %mul3A_20 = arith.muli %arg1, %mul3A_19 : i32
    %add3A_21 = arith.constant 384 : i32
    %add3A_22 = arith.addi %mul3A_20, %add3A_21 : i32
    %run_scoped3A_23 = arith.constant 0 : i32
    "tpu.region"() ({
      %run_scoped3A_49 = tpu.sem_alloc : memref<!tpu.dma_semaphore, #tpu.memory_space<semaphore_mem>>
      %dma_start3A = arith.constant 0 : i32
      %dma_start3A_50 = arith.constant 0 : i32
      %dma_start3A_51 = tpu.memref_slice %arg9[%run_scoped3A_23, %dma_start3A, %dma_start3A_50] : memref<2x128x128xf32, #tpu.memory_space<vmem>> -> memref<1x128x128xf32, #tpu.memory_space<vmem>>
      %dma_start3A_52 = tpu.memref_squeeze %dma_start3A_51 : memref<1x128x128xf32, #tpu.memory_space<vmem>> -> memref<128x128xf32, #tpu.memory_space<vmem>>
      %dma_start3A_53 = arith.constant 0 : i32
      %dma_start3A_54 = tpu.memref_slice %arg12[%add3A_22, %dma_start3A_53] : memref<10240x128xf32, #tpu.memory_space<vmem_shared>> -> memref<128x128xf32, #tpu.memory_space<vmem_shared>>
      %dma_start3A_55 = arith.constant 0 : i32
      %dma_start3A_56 = tpu.memref_slice %arg12[%add3A_22, %dma_start3A_55] : memref<10240x128xf32, #tpu.memory_space<vmem_shared>> -> memref<128x128xf32, #tpu.memory_space<vmem_shared>>
      %dma_start3A_57 = arith.constant 0 : i32
      %dma_start3A_58 = arith.constant 0 : i32
      %dma_start3A_59 = tpu.memref_slice %arg9[%run_scoped3A_23, %dma_start3A_57, %dma_start3A_58] : memref<2x128x128xf32, #tpu.memory_space<vmem>> -> memref<1x128x128xf32, #tpu.memory_space<vmem>>
      %dma_start3A_60 = tpu.memref_squeeze %dma_start3A_59 : memref<1x128x128xf32, #tpu.memory_space<vmem>> -> memref<128x128xf32, #tpu.memory_space<vmem>>
      tpu.enqueue_dma source(%dma_start3A_60 : memref<128x128xf32, #tpu.memory_space<vmem>>) target(%dma_start3A_56 : memref<128x128xf32, #tpu.memory_space<vmem_shared>>) target_semaphore(%run_scoped3A_49 : memref<!tpu.dma_semaphore, #tpu.memory_space<semaphore_mem>>)
      %dma_wait3A = arith.constant 0 : i32
      %dma_wait3A_61 = arith.constant 0 : i32
      %dma_wait3A_62 = tpu.memref_slice %arg9[%run_scoped3A_23, %dma_wait3A, %dma_wait3A_61] : memref<2x128x128xf32, #tpu.memory_space<vmem>> -> memref<1x128x128xf32, #tpu.memory_space<vmem>>
      %dma_wait3A_63 = tpu.memref_squeeze %dma_wait3A_62 : memref<1x128x128xf32, #tpu.memory_space<vmem>> -> memref<128x128xf32, #tpu.memory_space<vmem>>
      %dma_wait3A_64 = arith.constant 0 : i32
      %dma_wait3A_65 = tpu.memref_slice %arg12[%add3A_22, %dma_wait3A_64] : memref<10240x128xf32, #tpu.memory_space<vmem_shared>> -> memref<128x128xf32, #tpu.memory_space<vmem_shared>>
      %dma_wait3A_66 = arith.constant 0 : i32
      %dma_wait3A_67 = tpu.memref_slice %arg12[%add3A_22, %dma_wait3A_66] : memref<10240x128xf32, #tpu.memory_space<vmem_shared>> -> memref<128x128xf32, #tpu.memory_space<vmem_shared>>
      %dma_wait3A_68 = arith.constant 0 : i32
      %dma_wait3A_69 = arith.constant 0 : i32
      %dma_wait3A_70 = tpu.memref_slice %arg9[%run_scoped3A_23, %dma_wait3A_68, %dma_wait3A_69] : memref<2x128x128xf32, #tpu.memory_space<vmem>> -> memref<1x128x128xf32, #tpu.memory_space<vmem>>
      %dma_wait3A_71 = tpu.memref_squeeze %dma_wait3A_70 : memref<1x128x128xf32, #tpu.memory_space<vmem>> -> memref<128x128xf32, #tpu.memory_space<vmem>>
      tpu.wait_dma2 semaphore(%run_scoped3A_49 : memref<!tpu.dma_semaphore, #tpu.memory_space<semaphore_mem>>) src(%dma_wait3A_71 : memref<128x128xf32, #tpu.memory_space<vmem>>) dst(%dma_wait3A_67 : memref<128x128xf32, #tpu.memory_space<vmem_shared>>)
      tpu.yield
    }) : () -> ()
    %mul3A_24 = arith.constant 640 : i32
    %mul3A_25 = arith.muli %arg1, %mul3A_24 : i32
    %add3A_26 = arith.constant 512 : i32
    %add3A_27 = arith.addi %mul3A_25, %add3A_26 : i32
    %run_scoped3A_28 = arith.constant 0 : i32
    "tpu.region"() ({
      %run_scoped3A_49 = tpu.sem_alloc : memref<!tpu.dma_semaphore, #tpu.memory_space<semaphore_mem>>
      %dma_start3A = arith.constant 0 : i32
      %dma_start3A_50 = arith.constant 0 : i32
      %dma_start3A_51 = tpu.memref_slice %arg9[%run_scoped3A_28, %dma_start3A, %dma_start3A_50] : memref<2x128x128xf32, #tpu.memory_space<vmem>> -> memref<1x128x128xf32, #tpu.memory_space<vmem>>
      %dma_start3A_52 = tpu.memref_squeeze %dma_start3A_51 : memref<1x128x128xf32, #tpu.memory_space<vmem>> -> memref<128x128xf32, #tpu.memory_space<vmem>>
      %dma_start3A_53 = arith.constant 0 : i32
      %dma_start3A_54 = tpu.memref_slice %arg12[%add3A_27, %dma_start3A_53] : memref<10240x128xf32, #tpu.memory_space<vmem_shared>> -> memref<128x128xf32, #tpu.memory_space<vmem_shared>>
      %dma_start3A_55 = arith.constant 0 : i32
      %dma_start3A_56 = tpu.memref_slice %arg12[%add3A_27, %dma_start3A_55] : memref<10240x128xf32, #tpu.memory_space<vmem_shared>> -> memref<128x128xf32, #tpu.memory_space<vmem_shared>>
      %dma_start3A_57 = arith.constant 0 : i32
      %dma_start3A_58 = arith.constant 0 : i32
      %dma_start3A_59 = tpu.memref_slice %arg9[%run_scoped3A_28, %dma_start3A_57, %dma_start3A_58] : memref<2x128x128xf32, #tpu.memory_space<vmem>> -> memref<1x128x128xf32, #tpu.memory_space<vmem>>
      %dma_start3A_60 = tpu.memref_squeeze %dma_start3A_59 : memref<1x128x128xf32, #tpu.memory_space<vmem>> -> memref<128x128xf32, #tpu.memory_space<vmem>>
      tpu.enqueue_dma source(%dma_start3A_60 : memref<128x128xf32, #tpu.memory_space<vmem>>) target(%dma_start3A_56 : memref<128x128xf32, #tpu.memory_space<vmem_shared>>) target_semaphore(%run_scoped3A_49 : memref<!tpu.dma_semaphore, #tpu.memory_space<semaphore_mem>>)
      %dma_wait3A = arith.constant 0 : i32
      %dma_wait3A_61 = arith.constant 0 : i32
      %dma_wait3A_62 = tpu.memref_slice %arg9[%run_scoped3A_28, %dma_wait3A, %dma_wait3A_61] : memref<2x128x128xf32, #tpu.memory_space<vmem>> -> memref<1x128x128xf32, #tpu.memory_space<vmem>>
      %dma_wait3A_63 = tpu.memref_squeeze %dma_wait3A_62 : memref<1x128x128xf32, #tpu.memory_space<vmem>> -> memref<128x128xf32, #tpu.memory_space<vmem>>
      %dma_wait3A_64 = arith.constant 0 : i32
      %dma_wait3A_65 = tpu.memref_slice %arg12[%add3A_27, %dma_wait3A_64] : memref<10240x128xf32, #tpu.memory_space<vmem_shared>> -> memref<128x128xf32, #tpu.memory_space<vmem_shared>>
      %dma_wait3A_66 = arith.constant 0 : i32
      %dma_wait3A_67 = tpu.memref_slice %arg12[%add3A_27, %dma_wait3A_66] : memref<10240x128xf32, #tpu.memory_space<vmem_shared>> -> memref<128x128xf32, #tpu.memory_space<vmem_shared>>
      %dma_wait3A_68 = arith.constant 0 : i32
      %dma_wait3A_69 = arith.constant 0 : i32
      %dma_wait3A_70 = tpu.memref_slice %arg9[%run_scoped3A_28, %dma_wait3A_68, %dma_wait3A_69] : memref<2x128x128xf32, #tpu.memory_space<vmem>> -> memref<1x128x128xf32, #tpu.memory_space<vmem>>
      %dma_wait3A_71 = tpu.memref_squeeze %dma_wait3A_70 : memref<1x128x128xf32, #tpu.memory_space<vmem>> -> memref<128x128xf32, #tpu.memory_space<vmem>>
      tpu.wait_dma2 semaphore(%run_scoped3A_49 : memref<!tpu.dma_semaphore, #tpu.memory_space<semaphore_mem>>) src(%dma_wait3A_71 : memref<128x128xf32, #tpu.memory_space<vmem>>) dst(%dma_wait3A_67 : memref<128x128xf32, #tpu.memory_space<vmem_shared>>)
      tpu.yield
    }) : () -> ()
    %barrier3A = arith.constant 0 : index
    tpu.barrier barrier_id(%barrier3A)
    %mul3A_29 = arith.constant 16 : i32
    %mul3A_30 = arith.muli %arg0, %mul3A_29 : i32
    %add3A_31 = arith.addi %mul3A_30, %arg1 : i32
    %mul3A_32 = arith.constant 80 : i32
    %mul3A_33 = arith.muli %add3A_31, %mul3A_32 : i32
    %scan3A_34 = arith.constant 0 : i32
    %scan3A_35 = arith.constant 0 : i32
    %scan3A_36 = arith.constant 2 : i32
    %scan3A_37 = arith.addi %scan3A_35, %scan3A_36 : i32
    %scan3A_38 = arith.constant 1 : i32
    %scan3A_39 = scf.for %scan3A_49 = %scan3A_35 to %scan3A_37 step %scan3A_38 iter_args(%scan3A_50 = %scan3A_34) -> (i32)  : i32 {
      %mul3A_51 = arith.constant 40 : i32
      %mul3A_52 = arith.muli %scan3A_49, %mul3A_51 : i32
      %add3A_53 = arith.addi %mul3A_33, %mul3A_52 : i32
      %multiple_of3A = tpu.assume_multiple %add3A_53, 8 : i32
      "tpu.region"() ({
        %run_scoped3A_85 = tpu.sem_alloc : memref<!tpu.dma_semaphore, #tpu.memory_space<semaphore_mem>>
        %dma_start3A_86 = arith.constant 0 : i32
        %dma_start3A_87 = tpu.memref_slice %arg3[%multiple_of3A, %dma_start3A_86] : memref<2560x128xi32, #tpu.memory_space<hbm>> -> memref<40x128xi32, #tpu.memory_space<hbm>>
        %dma_start3A_88 = arith.constant 0 : i32
        %dma_start3A_89 = tpu.memref_slice %arg3[%multiple_of3A, %dma_start3A_88] : memref<2560x128xi32, #tpu.memory_space<hbm>> -> memref<40x128xi32, #tpu.memory_space<hbm>>
        tpu.enqueue_dma source(%dma_start3A_89 : memref<40x128xi32, #tpu.memory_space<hbm>>) target(%arg7 : memref<40x128xi32, #tpu.memory_space<vmem>>) target_semaphore(%run_scoped3A_85 : memref<!tpu.dma_semaphore, #tpu.memory_space<semaphore_mem>>)
        %dma_wait3A = arith.constant 0 : i32
        %dma_wait3A_90 = tpu.memref_slice %arg3[%multiple_of3A, %dma_wait3A] : memref<2560x128xi32, #tpu.memory_space<hbm>> -> memref<40x128xi32, #tpu.memory_space<hbm>>
        %dma_wait3A_91 = arith.constant 0 : i32
        %dma_wait3A_92 = tpu.memref_slice %arg3[%multiple_of3A, %dma_wait3A_91] : memref<2560x128xi32, #tpu.memory_space<hbm>> -> memref<40x128xi32, #tpu.memory_space<hbm>>
        tpu.wait_dma2 semaphore(%run_scoped3A_85 : memref<!tpu.dma_semaphore, #tpu.memory_space<semaphore_mem>>) src(%dma_wait3A_92 : memref<40x128xi32, #tpu.memory_space<hbm>>) dst(%arg7 : memref<40x128xi32, #tpu.memory_space<vmem>>)
        tpu.yield
      }) : () -> ()
      "tpu.region"() ({
        %run_scoped3A_85 = tpu.sem_alloc : memref<!tpu.dma_semaphore, #tpu.memory_space<semaphore_mem>>
        %dma_start3A_86 = arith.constant 0 : i32
        %dma_start3A_87 = tpu.memref_slice %arg4[%multiple_of3A, %dma_start3A_86] : memref<2560x128xi32, #tpu.memory_space<hbm>> -> memref<40x128xi32, #tpu.memory_space<hbm>>
        %dma_start3A_88 = arith.constant 0 : i32
        %dma_start3A_89 = tpu.memref_slice %arg4[%multiple_of3A, %dma_start3A_88] : memref<2560x128xi32, #tpu.memory_space<hbm>> -> memref<40x128xi32, #tpu.memory_space<hbm>>
        tpu.enqueue_dma source(%dma_start3A_89 : memref<40x128xi32, #tpu.memory_space<hbm>>) target(%arg8 : memref<40x128xi32, #tpu.memory_space<vmem>>) target_semaphore(%run_scoped3A_85 : memref<!tpu.dma_semaphore, #tpu.memory_space<semaphore_mem>>)
        %dma_wait3A = arith.constant 0 : i32
        %dma_wait3A_90 = tpu.memref_slice %arg4[%multiple_of3A, %dma_wait3A] : memref<2560x128xi32, #tpu.memory_space<hbm>> -> memref<40x128xi32, #tpu.memory_space<hbm>>
        %dma_wait3A_91 = arith.constant 0 : i32
        %dma_wait3A_92 = tpu.memref_slice %arg4[%multiple_of3A, %dma_wait3A_91] : memref<2560x128xi32, #tpu.memory_space<hbm>> -> memref<40x128xi32, #tpu.memory_space<hbm>>
        tpu.wait_dma2 semaphore(%run_scoped3A_85 : memref<!tpu.dma_semaphore, #tpu.memory_space<semaphore_mem>>) src(%dma_wait3A_92 : memref<40x128xi32, #tpu.memory_space<hbm>>) dst(%arg8 : memref<40x128xi32, #tpu.memory_space<vmem>>)
        tpu.yield
      }) : () -> ()
      %dma_start3A = arith.constant 0 : i32
      %dma_start3A_54 = arith.constant 0 : i32
      %dma_start3A_55 = arith.constant 0 : i32
      %dma_start3A_56 = arith.constant 0 : i32
      %dma_start3A_57 = tpu.memref_slice %arg9[%dma_start3A_54, %dma_start3A_55, %dma_start3A_56] : memref<2x128x128xf32, #tpu.memory_space<vmem>> -> memref<1x128x128xf32, #tpu.memory_space<vmem>>
      %dma_start3A_58 = tpu.memref_squeeze %dma_start3A_57 : memref<1x128x128xf32, #tpu.memory_space<vmem>> -> memref<128x128xf32, #tpu.memory_space<vmem>>
      %dma_start3A_59 = arith.constant 0 : i32
      %dma_start3A_60 = tpu.memref_slice %arg7[%dma_start3A, %dma_start3A_59] : memref<40x128xi32, #tpu.memory_space<vmem>> -> memref<1x128xi32, #tpu.memory_space<vmem>>
      %dma_start3A_61 = tpu.memref_squeeze %dma_start3A_60 : memref<1x128xi32, #tpu.memory_space<vmem>> -> memref<128xi32, #tpu.memory_space<vmem>>
      %dma_start3A_62 = arith.constant 0 : i32
      %dma_start3A_63 = arith.constant 0 : i32
      %dma_start3A_64 = tpu.memref_slice %arg2[%dma_start3A_62, %dma_start3A_63] : memref<10240x128xf32, #tpu.memory_space<hbm>> -> memref<10240x128xf32, #tpu.memory_space<hbm>>
      tpu.enqueue_indirect_dma source(%dma_start3A_64 : memref<10240x128xf32, #tpu.memory_space<hbm>>) target(%dma_start3A_58 : memref<128x128xf32, #tpu.memory_space<vmem>>) offsets(%dma_start3A_61 : memref<128xi32, #tpu.memory_space<vmem>>) semaphore(%arg10 : memref<!tpu.dma_semaphore, #tpu.memory_space<semaphore_mem>>)
      %dma_start3A_65 = arith.constant 1 : i32
      %dma_start3A_66 = arith.constant 1 : i32
      %dma_start3A_67 = arith.constant 0 : i32
      %dma_start3A_68 = arith.constant 0 : i32
      %dma_start3A_69 = tpu.memref_slice %arg9[%dma_start3A_66, %dma_start3A_67, %dma_start3A_68] : memref<2x128x128xf32, #tpu.memory_space<vmem>> -> memref<1x128x128xf32, #tpu.memory_space<vmem>>
      %dma_start3A_70 = tpu.memref_squeeze %dma_start3A_69 : memref<1x128x128xf32, #tpu.memory_space<vmem>> -> memref<128x128xf32, #tpu.memory_space<vmem>>
      %dma_start3A_71 = arith.constant 0 : i32
      %dma_start3A_72 = tpu.memref_slice %arg7[%dma_start3A_65, %dma_start3A_71] : memref<40x128xi32, #tpu.memory_space<vmem>> -> memref<1x128xi32, #tpu.memory_space<vmem>>
      %dma_start3A_73 = tpu.memref_squeeze %dma_start3A_72 : memref<1x128xi32, #tpu.memory_space<vmem>> -> memref<128xi32, #tpu.memory_space<vmem>>
      %dma_start3A_74 = arith.constant 0 : i32
      %dma_start3A_75 = arith.constant 0 : i32
      %dma_start3A_76 = tpu.memref_slice %arg2[%dma_start3A_74, %dma_start3A_75] : memref<10240x128xf32, #tpu.memory_space<hbm>> -> memref<10240x128xf32, #tpu.memory_space<hbm>>
      tpu.enqueue_indirect_dma source(%dma_start3A_76 : memref<10240x128xf32, #tpu.memory_space<hbm>>) target(%dma_start3A_70 : memref<128x128xf32, #tpu.memory_space<vmem>>) offsets(%dma_start3A_73 : memref<128xi32, #tpu.memory_space<vmem>>) semaphore(%arg11 : memref<!tpu.dma_semaphore, #tpu.memory_space<semaphore_mem>>)
      %scan3A_77 = arith.constant 0 : i32
      %scan3A_78 = arith.constant 0 : i32
      %scan3A_79 = arith.constant 20 : i32
      %scan3A_80 = arith.addi %scan3A_78, %scan3A_79 : i32
      %scan3A_81 = arith.constant 1 : i32
      %scan3A_82 = scf.for %scan3A_85 = %scan3A_78 to %scan3A_80 step %scan3A_81 iter_args(%scan3A_86 = %scan3A_77) -> (i32)  : i32 {
        %mul3A_87 = arith.constant 2 : i32
        %mul3A_88 = arith.muli %scan3A_85, %mul3A_87 : i32
        %add3A_89 = arith.constant 0 : i32
        %add3A_90 = arith.addi %mul3A_88, %add3A_89 : i32
        %dma_wait3A = arith.constant 0 : i32
        %dma_wait3A_91 = arith.constant 0 : i32
        %dma_wait3A_92 = arith.constant 0 : i32
        %dma_wait3A_93 = tpu.memref_slice %arg9[%dma_wait3A, %dma_wait3A_91, %dma_wait3A_92] : memref<2x128x128xf32, #tpu.memory_space<vmem>> -> memref<1x128x128xf32, #tpu.memory_space<vmem>>
        %dma_wait3A_94 = tpu.memref_squeeze %dma_wait3A_93 : memref<1x128x128xf32, #tpu.memory_space<vmem>> -> memref<128x128xf32, #tpu.memory_space<vmem>>
        %dma_wait3A_95 = arith.constant 0 : i32
        %dma_wait3A_96 = tpu.memref_slice %arg7[%add3A_90, %dma_wait3A_95] : memref<40x128xi32, #tpu.memory_space<vmem>> -> memref<1x128xi32, #tpu.memory_space<vmem>>
        %dma_wait3A_97 = tpu.memref_squeeze %dma_wait3A_96 : memref<1x128xi32, #tpu.memory_space<vmem>> -> memref<128xi32, #tpu.memory_space<vmem>>
        %dma_wait3A_98 = arith.constant 0 : i32
        %dma_wait3A_99 = arith.constant 0 : i32
        %dma_wait3A_100 = tpu.memref_slice %arg2[%dma_wait3A_98, %dma_wait3A_99] : memref<10240x128xf32, #tpu.memory_space<hbm>> -> memref<10240x128xf32, #tpu.memory_space<hbm>>
        tpu.wait_indirect_dma semaphore(%arg10 : memref<!tpu.dma_semaphore, #tpu.memory_space<semaphore_mem>>) src(%dma_wait3A_100 : memref<10240x128xf32, #tpu.memory_space<hbm>>) dst(%dma_wait3A_94 : memref<128x128xf32, #tpu.memory_space<vmem>>)
        %run_scoped3A_101 = arith.constant 0 : i32
        "tpu.region"() ({
          %run_scoped3A_128 = tpu.sem_alloc : memref<!tpu.dma_semaphore, #tpu.memory_space<semaphore_mem>>
          %dma_start3A_129 = arith.constant 0 : i32
          %dma_start3A_130 = arith.constant 0 : i32
          %dma_start3A_131 = tpu.memref_slice %arg9[%run_scoped3A_101, %dma_start3A_129, %dma_start3A_130] : memref<2x128x128xf32, #tpu.memory_space<vmem>> -> memref<1x128x128xf32, #tpu.memory_space<vmem>>
          %dma_start3A_132 = tpu.memref_squeeze %dma_start3A_131 : memref<1x128x128xf32, #tpu.memory_space<vmem>> -> memref<128x128xf32, #tpu.memory_space<vmem>>
          %dma_start3A_133 = arith.constant 0 : i32
          %dma_start3A_134 = tpu.memref_slice %arg8[%add3A_90, %dma_start3A_133] : memref<40x128xi32, #tpu.memory_space<vmem>> -> memref<1x128xi32, #tpu.memory_space<vmem>>
          %dma_start3A_135 = tpu.memref_squeeze %dma_start3A_134 : memref<1x128xi32, #tpu.memory_space<vmem>> -> memref<128xi32, #tpu.memory_space<vmem>>
          %dma_start3A_136 = arith.constant 0 : i32
          %dma_start3A_137 = arith.constant 0 : i32
          %dma_start3A_138 = tpu.memref_slice %arg12[%dma_start3A_136, %dma_start3A_137] : memref<10240x128xf32, #tpu.memory_space<vmem_shared>> -> memref<10240x128xf32, #tpu.memory_space<vmem_shared>>
          tpu.enqueue_indirect_dma source(%dma_start3A_132 : memref<128x128xf32, #tpu.memory_space<vmem>>) target(%dma_start3A_138 : memref<10240x128xf32, #tpu.memory_space<vmem_shared>>) offsets(%dma_start3A_135 : memref<128xi32, #tpu.memory_space<vmem>>) semaphore(%run_scoped3A_128 : memref<!tpu.dma_semaphore, #tpu.memory_space<semaphore_mem>>) {add = true}
          %dma_wait3A_139 = arith.constant 0 : i32
          %dma_wait3A_140 = arith.constant 0 : i32
          %dma_wait3A_141 = tpu.memref_slice %arg9[%run_scoped3A_101, %dma_wait3A_139, %dma_wait3A_140] : memref<2x128x128xf32, #tpu.memory_space<vmem>> -> memref<1x128x128xf32, #tpu.memory_space<vmem>>
          %dma_wait3A_142 = tpu.memref_squeeze %dma_wait3A_141 : memref<1x128x128xf32, #tpu.memory_space<vmem>> -> memref<128x128xf32, #tpu.memory_space<vmem>>
          %dma_wait3A_143 = arith.constant 0 : i32
          %dma_wait3A_144 = tpu.memref_slice %arg8[%add3A_90, %dma_wait3A_143] : memref<40x128xi32, #tpu.memory_space<vmem>> -> memref<1x128xi32, #tpu.memory_space<vmem>>
          %dma_wait3A_145 = tpu.memref_squeeze %dma_wait3A_144 : memref<1x128xi32, #tpu.memory_space<vmem>> -> memref<128xi32, #tpu.memory_space<vmem>>
          %dma_wait3A_146 = arith.constant 0 : i32
          %dma_wait3A_147 = arith.constant 0 : i32
          %dma_wait3A_148 = tpu.memref_slice %arg12[%dma_wait3A_146, %dma_wait3A_147] : memref<10240x128xf32, #tpu.memory_space<vmem_shared>> -> memref<10240x128xf32, #tpu.memory_space<vmem_shared>>
          tpu.wait_indirect_dma semaphore(%run_scoped3A_128 : memref<!tpu.dma_semaphore, #tpu.memory_space<semaphore_mem>>) src(%dma_wait3A_142 : memref<128x128xf32, #tpu.memory_space<vmem>>) dst(%dma_wait3A_148 : memref<10240x128xf32, #tpu.memory_space<vmem_shared>>)
          tpu.yield
        }) : () -> ()
        %lt3A = arith.constant 19 : i32
        %lt3A_102 = arith.cmpi slt, %scan3A_85, %lt3A : i32
        %convert_element_type3A_103 = arith.extui %lt3A_102 : i1 to i32
        %cond3A_104 = arith.constant 0 : i32
        %cond3A_105 = arith.cmpi ne, %convert_element_type3A_103, %cond3A_104 : i32
        scf.if %cond3A_105 {
          %add3A_128 = arith.constant 2 : i32
          %add3A_129 = arith.addi %add3A_90, %add3A_128 : i32
          %dma_start3A_130 = arith.constant 0 : i32
          %dma_start3A_131 = arith.constant 0 : i32
          %dma_start3A_132 = arith.constant 0 : i32
          %dma_start3A_133 = tpu.memref_slice %arg9[%dma_start3A_130, %dma_start3A_131, %dma_start3A_132] : memref<2x128x128xf32, #tpu.memory_space<vmem>> -> memref<1x128x128xf32, #tpu.memory_space<vmem>>
          %dma_start3A_134 = tpu.memref_squeeze %dma_start3A_133 : memref<1x128x128xf32, #tpu.memory_space<vmem>> -> memref<128x128xf32, #tpu.memory_space<vmem>>
          %dma_start3A_135 = arith.constant 0 : i32
          %dma_start3A_136 = tpu.memref_slice %arg7[%add3A_129, %dma_start3A_135] : memref<40x128xi32, #tpu.memory_space<vmem>> -> memref<1x128xi32, #tpu.memory_space<vmem>>
          %dma_start3A_137 = tpu.memref_squeeze %dma_start3A_136 : memref<1x128xi32, #tpu.memory_space<vmem>> -> memref<128xi32, #tpu.memory_space<vmem>>
          %dma_start3A_138 = arith.constant 0 : i32
          %dma_start3A_139 = arith.constant 0 : i32
          %dma_start3A_140 = tpu.memref_slice %arg2[%dma_start3A_138, %dma_start3A_139] : memref<10240x128xf32, #tpu.memory_space<hbm>> -> memref<10240x128xf32, #tpu.memory_space<hbm>>
          tpu.enqueue_indirect_dma source(%dma_start3A_140 : memref<10240x128xf32, #tpu.memory_space<hbm>>) target(%dma_start3A_134 : memref<128x128xf32, #tpu.memory_space<vmem>>) offsets(%dma_start3A_137 : memref<128xi32, #tpu.memory_space<vmem>>) semaphore(%arg10 : memref<!tpu.dma_semaphore, #tpu.memory_space<semaphore_mem>>)
        } else {
        }
        %mul3A_106 = arith.constant 2 : i32
        %mul3A_107 = arith.muli %scan3A_85, %mul3A_106 : i32
        %add3A_108 = arith.constant 1 : i32
        %add3A_109 = arith.addi %mul3A_107, %add3A_108 : i32
        %dma_wait3A_110 = arith.constant 1 : i32
        %dma_wait3A_111 = arith.constant 0 : i32
        %dma_wait3A_112 = arith.constant 0 : i32
        %dma_wait3A_113 = tpu.memref_slice %arg9[%dma_wait3A_110, %dma_wait3A_111, %dma_wait3A_112] : memref<2x128x128xf32, #tpu.memory_space<vmem>> -> memref<1x128x128xf32, #tpu.memory_space<vmem>>
        %dma_wait3A_114 = tpu.memref_squeeze %dma_wait3A_113 : memref<1x128x128xf32, #tpu.memory_space<vmem>> -> memref<128x128xf32, #tpu.memory_space<vmem>>
        %dma_wait3A_115 = arith.constant 0 : i32
        %dma_wait3A_116 = tpu.memref_slice %arg7[%add3A_109, %dma_wait3A_115] : memref<40x128xi32, #tpu.memory_space<vmem>> -> memref<1x128xi32, #tpu.memory_space<vmem>>
        %dma_wait3A_117 = tpu.memref_squeeze %dma_wait3A_116 : memref<1x128xi32, #tpu.memory_space<vmem>> -> memref<128xi32, #tpu.memory_space<vmem>>
        %dma_wait3A_118 = arith.constant 0 : i32
        %dma_wait3A_119 = arith.constant 0 : i32
        %dma_wait3A_120 = tpu.memref_slice %arg2[%dma_wait3A_118, %dma_wait3A_119] : memref<10240x128xf32, #tpu.memory_space<hbm>> -> memref<10240x128xf32, #tpu.memory_space<hbm>>
        tpu.wait_indirect_dma semaphore(%arg11 : memref<!tpu.dma_semaphore, #tpu.memory_space<semaphore_mem>>) src(%dma_wait3A_120 : memref<10240x128xf32, #tpu.memory_space<hbm>>) dst(%dma_wait3A_114 : memref<128x128xf32, #tpu.memory_space<vmem>>)
        %run_scoped3A_121 = arith.constant 1 : i32
        "tpu.region"() ({
          %run_scoped3A_128 = tpu.sem_alloc : memref<!tpu.dma_semaphore, #tpu.memory_space<semaphore_mem>>
          %dma_start3A_129 = arith.constant 0 : i32
          %dma_start3A_130 = arith.constant 0 : i32
          %dma_start3A_131 = tpu.memref_slice %arg9[%run_scoped3A_121, %dma_start3A_129, %dma_start3A_130] : memref<2x128x128xf32, #tpu.memory_space<vmem>> -> memref<1x128x128xf32, #tpu.memory_space<vmem>>
          %dma_start3A_132 = tpu.memref_squeeze %dma_start3A_131 : memref<1x128x128xf32, #tpu.memory_space<vmem>> -> memref<128x128xf32, #tpu.memory_space<vmem>>
          %dma_start3A_133 = arith.constant 0 : i32
          %dma_start3A_134 = tpu.memref_slice %arg8[%add3A_109, %dma_start3A_133] : memref<40x128xi32, #tpu.memory_space<vmem>> -> memref<1x128xi32, #tpu.memory_space<vmem>>
          %dma_start3A_135 = tpu.memref_squeeze %dma_start3A_134 : memref<1x128xi32, #tpu.memory_space<vmem>> -> memref<128xi32, #tpu.memory_space<vmem>>
          %dma_start3A_136 = arith.constant 0 : i32
          %dma_start3A_137 = arith.constant 0 : i32
          %dma_start3A_138 = tpu.memref_slice %arg12[%dma_start3A_136, %dma_start3A_137] : memref<10240x128xf32, #tpu.memory_space<vmem_shared>> -> memref<10240x128xf32, #tpu.memory_space<vmem_shared>>
          tpu.enqueue_indirect_dma source(%dma_start3A_132 : memref<128x128xf32, #tpu.memory_space<vmem>>) target(%dma_start3A_138 : memref<10240x128xf32, #tpu.memory_space<vmem_shared>>) offsets(%dma_start3A_135 : memref<128xi32, #tpu.memory_space<vmem>>) semaphore(%run_scoped3A_128 : memref<!tpu.dma_semaphore, #tpu.memory_space<semaphore_mem>>) {add = true}
          %dma_wait3A_139 = arith.constant 0 : i32
          %dma_wait3A_140 = arith.constant 0 : i32
          %dma_wait3A_141 = tpu.memref_slice %arg9[%run_scoped3A_121, %dma_wait3A_139, %dma_wait3A_140] : memref<2x128x128xf32, #tpu.memory_space<vmem>> -> memref<1x128x128xf32, #tpu.memory_space<vmem>>
          %dma_wait3A_142 = tpu.memref_squeeze %dma_wait3A_141 : memref<1x128x128xf32, #tpu.memory_space<vmem>> -> memref<128x128xf32, #tpu.memory_space<vmem>>
          %dma_wait3A_143 = arith.constant 0 : i32
          %dma_wait3A_144 = tpu.memref_slice %arg8[%add3A_109, %dma_wait3A_143] : memref<40x128xi32, #tpu.memory_space<vmem>> -> memref<1x128xi32, #tpu.memory_space<vmem>>
          %dma_wait3A_145 = tpu.memref_squeeze %dma_wait3A_144 : memref<1x128xi32, #tpu.memory_space<vmem>> -> memref<128xi32, #tpu.memory_space<vmem>>
          %dma_wait3A_146 = arith.constant 0 : i32
          %dma_wait3A_147 = arith.constant 0 : i32
          %dma_wait3A_148 = tpu.memref_slice %arg12[%dma_wait3A_146, %dma_wait3A_147] : memref<10240x128xf32, #tpu.memory_space<vmem_shared>> -> memref<10240x128xf32, #tpu.memory_space<vmem_shared>>
          tpu.wait_indirect_dma semaphore(%run_scoped3A_128 : memref<!tpu.dma_semaphore, #tpu.memory_space<semaphore_mem>>) src(%dma_wait3A_142 : memref<128x128xf32, #tpu.memory_space<vmem>>) dst(%dma_wait3A_148 : memref<10240x128xf32, #tpu.memory_space<vmem_shared>>)
          tpu.yield
        }) : () -> ()
        %lt3A_122 = arith.constant 19 : i32
        %lt3A_123 = arith.cmpi slt, %scan3A_85, %lt3A_122 : i32
        %convert_element_type3A_124 = arith.extui %lt3A_123 : i1 to i32
        %cond3A_125 = arith.constant 0 : i32
        %cond3A_126 = arith.cmpi ne, %convert_element_type3A_124, %cond3A_125 : i32
        scf.if %cond3A_126 {
          %add3A_128 = arith.constant 2 : i32
          %add3A_129 = arith.addi %add3A_109, %add3A_128 : i32
          %dma_start3A_130 = arith.constant 1 : i32
          %dma_start3A_131 = arith.constant 0 : i32
          %dma_start3A_132 = arith.constant 0 : i32
          %dma_start3A_133 = tpu.memref_slice %arg9[%dma_start3A_130, %dma_start3A_131, %dma_start3A_132] : memref<2x128x128xf32, #tpu.memory_space<vmem>> -> memref<1x128x128xf32, #tpu.memory_space<vmem>>
          %dma_start3A_134 = tpu.memref_squeeze %dma_start3A_133 : memref<1x128x128xf32, #tpu.memory_space<vmem>> -> memref<128x128xf32, #tpu.memory_space<vmem>>
          %dma_start3A_135 = arith.constant 0 : i32
          %dma_start3A_136 = tpu.memref_slice %arg7[%add3A_129, %dma_start3A_135] : memref<40x128xi32, #tpu.memory_space<vmem>> -> memref<1x128xi32, #tpu.memory_space<vmem>>
          %dma_start3A_137 = tpu.memref_squeeze %dma_start3A_136 : memref<1x128xi32, #tpu.memory_space<vmem>> -> memref<128xi32, #tpu.memory_space<vmem>>
          %dma_start3A_138 = arith.constant 0 : i32
          %dma_start3A_139 = arith.constant 0 : i32
          %dma_start3A_140 = tpu.memref_slice %arg2[%dma_start3A_138, %dma_start3A_139] : memref<10240x128xf32, #tpu.memory_space<hbm>> -> memref<10240x128xf32, #tpu.memory_space<hbm>>
          tpu.enqueue_indirect_dma source(%dma_start3A_140 : memref<10240x128xf32, #tpu.memory_space<hbm>>) target(%dma_start3A_134 : memref<128x128xf32, #tpu.memory_space<vmem>>) offsets(%dma_start3A_137 : memref<128xi32, #tpu.memory_space<vmem>>) semaphore(%arg11 : memref<!tpu.dma_semaphore, #tpu.memory_space<semaphore_mem>>)
        } else {
        }
        %scan3A_127 = arith.constant 0 : i32
        scf.yield %scan3A_127 : i32
      }
      %scan3A_83 = arith.constant 20 : i32
      %scan3A_84 = arith.constant 0 : i32
      scf.yield %scan3A_84 : i32
    }
    %scan3A_40 = arith.constant 2 : i32
    %barrier3A_41 = arith.constant 0 : index
    tpu.barrier barrier_id(%barrier3A_41)
    %eq3A = arith.constant 0 : i32
    %eq3A_42 = arith.cmpi eq, %arg0, %eq3A : i32
    %convert_element_type3A = arith.extui %eq3A_42 : i1 to i32
    %cond3A = arith.constant 0 : i32
    %cond3A_43 = arith.cmpi ne, %convert_element_type3A, %cond3A : i32
    scf.if %cond3A_43 {
      %mul3A_49 = arith.constant 640 : i32
      %mul3A_50 = arith.muli %arg1, %mul3A_49 : i32
      %mul3A_51 = arith.constant 640 : i32
      %mul3A_52 = arith.muli %arg1, %mul3A_51 : i32
      "tpu.region"() ({
        %run_scoped3A_53 = tpu.sem_alloc : memref<!tpu.dma_semaphore, #tpu.memory_space<semaphore_mem>>
        %dma_start3A = arith.constant 0 : i32
        %dma_start3A_54 = tpu.memref_slice %arg5[%mul3A_52, %dma_start3A] : memref<10240x128xf32, #tpu.memory_space<hbm>> -> memref<640x128xf32, #tpu.memory_space<hbm>>
        %dma_start3A_55 = arith.constant 0 : i32
        %dma_start3A_56 = tpu.memref_slice %arg12[%mul3A_50, %dma_start3A_55] : memref<10240x128xf32, #tpu.memory_space<vmem_shared>> -> memref<640x128xf32, #tpu.memory_space<vmem_shared>>
        tpu.enqueue_dma source(%dma_start3A_56 : memref<640x128xf32, #tpu.memory_space<vmem_shared>>) target(%dma_start3A_54 : memref<640x128xf32, #tpu.memory_space<hbm>>) target_semaphore(%run_scoped3A_53 : memref<!tpu.dma_semaphore, #tpu.memory_space<semaphore_mem>>)
        %dma_wait3A = arith.constant 0 : i32
        %dma_wait3A_57 = tpu.memref_slice %arg5[%mul3A_52, %dma_wait3A] : memref<10240x128xf32, #tpu.memory_space<hbm>> -> memref<640x128xf32, #tpu.memory_space<hbm>>
        %dma_wait3A_58 = arith.constant 0 : i32
        %dma_wait3A_59 = tpu.memref_slice %arg12[%mul3A_50, %dma_wait3A_58] : memref<10240x128xf32, #tpu.memory_space<vmem_shared>> -> memref<640x128xf32, #tpu.memory_space<vmem_shared>>
        tpu.wait_dma2 semaphore(%run_scoped3A_53 : memref<!tpu.dma_semaphore, #tpu.memory_space<semaphore_mem>>) src(%dma_wait3A_59 : memref<640x128xf32, #tpu.memory_space<vmem_shared>>) dst(%dma_wait3A_57 : memref<640x128xf32, #tpu.memory_space<hbm>>)
        tpu.yield
      }) : () -> ()
    } else {
    }
    %eq3A_44 = arith.constant 1 : i32
    %eq3A_45 = arith.cmpi eq, %arg0, %eq3A_44 : i32
    %convert_element_type3A_46 = arith.extui %eq3A_45 : i1 to i32
    %cond3A_47 = arith.constant 0 : i32
    %cond3A_48 = arith.cmpi ne, %convert_element_type3A_46, %cond3A_47 : i32
    scf.if %cond3A_48 {
      %mul3A_49 = arith.constant 640 : i32
      %mul3A_50 = arith.muli %arg1, %mul3A_49 : i32
      %mul3A_51 = arith.constant 640 : i32
      %mul3A_52 = arith.muli %arg1, %mul3A_51 : i32
      "tpu.region"() ({
        %run_scoped3A_53 = tpu.sem_alloc : memref<!tpu.dma_semaphore, #tpu.memory_space<semaphore_mem>>
        %dma_start3A = arith.constant 0 : i32
        %dma_start3A_54 = tpu.memref_slice %arg6[%mul3A_52, %dma_start3A] : memref<10240x128xf32, #tpu.memory_space<hbm>> -> memref<640x128xf32, #tpu.memory_space<hbm>>
        %dma_start3A_55 = arith.constant 0 : i32
        %dma_start3A_56 = tpu.memref_slice %arg12[%mul3A_50, %dma_start3A_55] : memref<10240x128xf32, #tpu.memory_space<vmem_shared>> -> memref<640x128xf32, #tpu.memory_space<vmem_shared>>
        tpu.enqueue_dma source(%dma_start3A_56 : memref<640x128xf32, #tpu.memory_space<vmem_shared>>) target(%dma_start3A_54 : memref<640x128xf32, #tpu.memory_space<hbm>>) target_semaphore(%run_scoped3A_53 : memref<!tpu.dma_semaphore, #tpu.memory_space<semaphore_mem>>)
        %dma_wait3A = arith.constant 0 : i32
        %dma_wait3A_57 = tpu.memref_slice %arg6[%mul3A_52, %dma_wait3A] : memref<10240x128xf32, #tpu.memory_space<hbm>> -> memref<640x128xf32, #tpu.memory_space<hbm>>
        %dma_wait3A_58 = arith.constant 0 : i32
        %dma_wait3A_59 = tpu.memref_slice %arg12[%mul3A_50, %dma_wait3A_58] : memref<10240x128xf32, #tpu.memory_space<vmem_shared>> -> memref<640x128xf32, #tpu.memory_space<vmem_shared>>
        tpu.wait_dma2 semaphore(%run_scoped3A_53 : memref<!tpu.dma_semaphore, #tpu.memory_space<semaphore_mem>>) src(%dma_wait3A_59 : memref<640x128xf32, #tpu.memory_space<vmem_shared>>) dst(%dma_wait3A_57 : memref<640x128xf32, #tpu.memory_space<hbm>>)
        tpu.yield
      }) : () -> ()
    } else {
    }
    return
  }
}

#map = affine_map<(d0, d1) -> (0, 0)>
module attributes {stable_mosaic.version = 14 : i64} {
  func.func @_sc_edge(%arg0: i32, %arg1: i32, %arg2: memref<10240x128xf32, #tpu.memory_space<hbm>>, %arg3: memref<2560x128xi32, #tpu.memory_space<hbm>>, %arg4: memref<2560x128xi32, #tpu.memory_space<hbm>>, %arg5: memref<10240x128xf32, #tpu.memory_space<hbm>>, %arg6: memref<10240x128xf32, #tpu.memory_space<hbm>>, %arg7: memref<40x128xi32, #tpu.memory_space<vmem>>, %arg8: memref<40x128xi32, #tpu.memory_space<vmem>>, %arg9: memref<2x128x128xf32, #tpu.memory_space<vmem>>, %arg10: memref<!tpu.dma_semaphore, #tpu.memory_space<semaphore_mem>>, %arg11: memref<!tpu.dma_semaphore, #tpu.memory_space<semaphore_mem>>, %arg12: memref<10240x128xf32, #tpu.memory_space<vmem_shared>>) attributes {dimension_semantics = [#tpu.dimension_semantics<core_parallel>, #tpu.dimension_semantics<subcore_parallel>], iteration_bounds = array<i64: 2, 16>, scalar_prefetch = 0 : i64, scratch_operands = 6 : i64, tpu.core_type = #tpu.core_type<sc_vector_subcore>, window_params = [{transform_indices = #map}, {transform_indices = #map}, {transform_indices = #map}, {transform_indices = #map}, {transform_indices = #map}]} {
    %broadcast_in_dim3A = arith.constant 0.000000e+00 : f32
    %broadcast_in_dim3A_0 = vector.broadcast %broadcast_in_dim3A : f32 to vector<16xf32>
    %scan3A = arith.constant 0 : i32
    %scan3A_1 = arith.constant 0 : i32
    %scan3A_2 = arith.constant 128 : i32
    %scan3A_3 = arith.addi %scan3A_1, %scan3A_2 : i32
    %scan3A_4 = arith.constant 1 : i32
    %scan3A_5 = scf.for %scan3A_49 = %scan3A_1 to %scan3A_3 step %scan3A_4 iter_args(%scan3A_50 = %scan3A) -> (i32)  : i32 {
      %swap3A = arith.constant 0 : i32
      %swap3A_51 = arith.index_cast %swap3A : i32 to index
      %swap3A_52 = arith.index_cast %scan3A_49 : i32 to index
      %swap3A_53 = arith.constant 0 : index
      %swap3A_54 = tpu.vector_load %arg9[%swap3A_51, %swap3A_52, %swap3A_53] {strides = array<i32>} : memref<2x128x128xf32, #tpu.memory_space<vmem>>, vector<1x1x16xf32>,
      %swap3A_55 = vector.shape_cast %swap3A_54 : vector<1x1x16xf32> to vector<16xf32>
      %swap3A_56 = vector.shape_cast %broadcast_in_dim3A_0 : vector<16xf32> to vector<1x1x16xf32>
      tpu.vector_store %arg9[%swap3A_51, %swap3A_52, %swap3A_53], %swap3A_56 {strides = array<i32>} : memref<2x128x128xf32, #tpu.memory_space<vmem>>, vector<1x1x16xf32>,
      %swap3A_57 = arith.constant 0 : i32
      %swap3A_58 = arith.index_cast %swap3A_57 : i32 to index
      %swap3A_59 = arith.index_cast %scan3A_49 : i32 to index
      %swap3A_60 = arith.constant 16 : index
      %swap3A_61 = tpu.vector_load %arg9[%swap3A_58, %swap3A_59, %swap3A_60] {strides = array<i32>} : memref<2x128x128xf32, #tpu.memory_space<vmem>>, vector<1x1x16xf32>,
      %swap3A_62 = vector.shape_cast %swap3A_61 : vector<1x1x16xf32> to vector<16xf32>
      %swap3A_63 = vector.shape_cast %broadcast_in_dim3A_0 : vector<16xf32> to vector<1x1x16xf32>
      tpu.vector_store %arg9[%swap3A_58, %swap3A_59, %swap3A_60], %swap3A_63 {strides = array<i32>} : memref<2x128x128xf32, #tpu.memory_space<vmem>>, vector<1x1x16xf32>,
      %swap3A_64 = arith.constant 0 : i32
      %swap3A_65 = arith.index_cast %swap3A_64 : i32 to index
      %swap3A_66 = arith.index_cast %scan3A_49 : i32 to index
      %swap3A_67 = arith.constant 32 : index
      %swap3A_68 = tpu.vector_load %arg9[%swap3A_65, %swap3A_66, %swap3A_67] {strides = array<i32>} : memref<2x128x128xf32, #tpu.memory_space<vmem>>, vector<1x1x16xf32>,
      %swap3A_69 = vector.shape_cast %swap3A_68 : vector<1x1x16xf32> to vector<16xf32>
      %swap3A_70 = vector.shape_cast %broadcast_in_dim3A_0 : vector<16xf32> to vector<1x1x16xf32>
      tpu.vector_store %arg9[%swap3A_65, %swap3A_66, %swap3A_67], %swap3A_70 {strides = array<i32>} : memref<2x128x128xf32, #tpu.memory_space<vmem>>, vector<1x1x16xf32>,
      %swap3A_71 = arith.constant 0 : i32
      %swap3A_72 = arith.index_cast %swap3A_71 : i32 to index
      %swap3A_73 = arith.index_cast %scan3A_49 : i32 to index
      %swap3A_74 = arith.constant 48 : index
      %swap3A_75 = tpu.vector_load %arg9[%swap3A_72, %swap3A_73, %swap3A_74] {strides = array<i32>} : memref<2x128x128xf32, #tpu.memory_space<vmem>>, vector<1x1x16xf32>,
      %swap3A_76 = vector.shape_cast %swap3A_75 : vector<1x1x16xf32> to vector<16xf32>
      %swap3A_77 = vector.shape_cast %broadcast_in_dim3A_0 : vector<16xf32> to vector<1x1x16xf32>
      tpu.vector_store %arg9[%swap3A_72, %swap3A_73, %swap3A_74], %swap3A_77 {strides = array<i32>} : memref<2x128x128xf32, #tpu.memory_space<vmem>>, vector<1x1x16xf32>,
      %swap3A_78 = arith.constant 0 : i32
      %swap3A_79 = arith.index_cast %swap3A_78 : i32 to index
      %swap3A_80 = arith.index_cast %scan3A_49 : i32 to index
      %swap3A_81 = arith.constant 64 : index
      %swap3A_82 = tpu.vector_load %arg9[%swap3A_79, %swap3A_80, %swap3A_81] {strides = array<i32>} : memref<2x128x128xf32, #tpu.memory_space<vmem>>, vector<1x1x16xf32>,
      %swap3A_83 = vector.shape_cast %swap3A_82 : vector<1x1x16xf32> to vector<16xf32>
      %swap3A_84 = vector.shape_cast %broadcast_in_dim3A_0 : vector<16xf32> to vector<1x1x16xf32>
      tpu.vector_store %arg9[%swap3A_79, %swap3A_80, %swap3A_81], %swap3A_84 {strides = array<i32>} : memref<2x128x128xf32, #tpu.memory_space<vmem>>, vector<1x1x16xf32>,
      %swap3A_85 = arith.constant 0 : i32
      %swap3A_86 = arith.index_cast %swap3A_85 : i32 to index
      %swap3A_87 = arith.index_cast %scan3A_49 : i32 to index
      %swap3A_88 = arith.constant 80 : index
      %swap3A_89 = tpu.vector_load %arg9[%swap3A_86, %swap3A_87, %swap3A_88] {strides = array<i32>} : memref<2x128x128xf32, #tpu.memory_space<vmem>>, vector<1x1x16xf32>,
      %swap3A_90 = vector.shape_cast %swap3A_89 : vector<1x1x16xf32> to vector<16xf32>
      %swap3A_91 = vector.shape_cast %broadcast_in_dim3A_0 : vector<16xf32> to vector<1x1x16xf32>
      tpu.vector_store %arg9[%swap3A_86, %swap3A_87, %swap3A_88], %swap3A_91 {strides = array<i32>} : memref<2x128x128xf32, #tpu.memory_space<vmem>>, vector<1x1x16xf32>,
      %swap3A_92 = arith.constant 0 : i32
      %swap3A_93 = arith.index_cast %swap3A_92 : i32 to index
      %swap3A_94 = arith.index_cast %scan3A_49 : i32 to index
      %swap3A_95 = arith.constant 96 : index
      %swap3A_96 = tpu.vector_load %arg9[%swap3A_93, %swap3A_94, %swap3A_95] {strides = array<i32>} : memref<2x128x128xf32, #tpu.memory_space<vmem>>, vector<1x1x16xf32>,
      %swap3A_97 = vector.shape_cast %swap3A_96 : vector<1x1x16xf32> to vector<16xf32>
      %swap3A_98 = vector.shape_cast %broadcast_in_dim3A_0 : vector<16xf32> to vector<1x1x16xf32>
      tpu.vector_store %arg9[%swap3A_93, %swap3A_94, %swap3A_95], %swap3A_98 {strides = array<i32>} : memref<2x128x128xf32, #tpu.memory_space<vmem>>, vector<1x1x16xf32>,
      %swap3A_99 = arith.constant 0 : i32
      %swap3A_100 = arith.index_cast %swap3A_99 : i32 to index
      %swap3A_101 = arith.index_cast %scan3A_49 : i32 to index
      %swap3A_102 = arith.constant 112 : index
      %swap3A_103 = tpu.vector_load %arg9[%swap3A_100, %swap3A_101, %swap3A_102] {strides = array<i32>} : memref<2x128x128xf32, #tpu.memory_space<vmem>>, vector<1x1x16xf32>,
      %swap3A_104 = vector.shape_cast %swap3A_103 : vector<1x1x16xf32> to vector<16xf32>
      %swap3A_105 = vector.shape_cast %broadcast_in_dim3A_0 : vector<16xf32> to vector<1x1x16xf32>
      tpu.vector_store %arg9[%swap3A_100, %swap3A_101, %swap3A_102], %swap3A_105 {strides = array<i32>} : memref<2x128x128xf32, #tpu.memory_space<vmem>>, vector<1x1x16xf32>,
      %scan3A_106 = arith.constant 0 : i32
      scf.yield %scan3A_106 : i32
    }
    %scan3A_6 = arith.constant 128 : i32
    %mul3A = arith.constant 640 : i32
    %mul3A_7 = arith.muli %arg1, %mul3A : i32
    %add3A = arith.constant 0 : i32
    %add3A_8 = arith.addi %mul3A_7, %add3A : i32
    %run_scoped3A = arith.constant 0 : i32
    "tpu.region"() ({
      %run_scoped3A_49 = tpu.sem_alloc : memref<!tpu.dma_semaphore, #tpu.memory_space<semaphore_mem>>
      %dma_start3A = arith.constant 0 : i32
      %dma_start3A_50 = arith.constant 0 : i32
      %dma_start3A_51 = tpu.memref_slice %arg9[%run_scoped3A, %dma_start3A, %dma_start3A_50] : memref<2x128x128xf32, #tpu.memory_space<vmem>> -> memref<1x128x128xf32, #tpu.memory_space<vmem>>
      %dma_start3A_52 = tpu.memref_squeeze %dma_start3A_51 : memref<1x128x128xf32, #tpu.memory_space<vmem>> -> memref<128x128xf32, #tpu.memory_space<vmem>>
      %dma_start3A_53 = arith.constant 0 : i32
      %dma_start3A_54 = tpu.memref_slice %arg12[%add3A_8, %dma_start3A_53] : memref<10240x128xf32, #tpu.memory_space<vmem_shared>> -> memref<128x128xf32, #tpu.memory_space<vmem_shared>>
      %dma_start3A_55 = arith.constant 0 : i32
      %dma_start3A_56 = tpu.memref_slice %arg12[%add3A_8, %dma_start3A_55] : memref<10240x128xf32, #tpu.memory_space<vmem_shared>> -> memref<128x128xf32, #tpu.memory_space<vmem_shared>>
      %dma_start3A_57 = arith.constant 0 : i32
      %dma_start3A_58 = arith.constant 0 : i32
      %dma_start3A_59 = tpu.memref_slice %arg9[%run_scoped3A, %dma_start3A_57, %dma_start3A_58] : memref<2x128x128xf32, #tpu.memory_space<vmem>> -> memref<1x128x128xf32, #tpu.memory_space<vmem>>
      %dma_start3A_60 = tpu.memref_squeeze %dma_start3A_59 : memref<1x128x128xf32, #tpu.memory_space<vmem>> -> memref<128x128xf32, #tpu.memory_space<vmem>>
      tpu.enqueue_dma source(%dma_start3A_60 : memref<128x128xf32, #tpu.memory_space<vmem>>) target(%dma_start3A_56 : memref<128x128xf32, #tpu.memory_space<vmem_shared>>) target_semaphore(%run_scoped3A_49 : memref<!tpu.dma_semaphore, #tpu.memory_space<semaphore_mem>>)
      %dma_wait3A = arith.constant 0 : i32
      %dma_wait3A_61 = arith.constant 0 : i32
      %dma_wait3A_62 = tpu.memref_slice %arg9[%run_scoped3A, %dma_wait3A, %dma_wait3A_61] : memref<2x128x128xf32, #tpu.memory_space<vmem>> -> memref<1x128x128xf32, #tpu.memory_space<vmem>>
      %dma_wait3A_63 = tpu.memref_squeeze %dma_wait3A_62 : memref<1x128x128xf32, #tpu.memory_space<vmem>> -> memref<128x128xf32, #tpu.memory_space<vmem>>
      %dma_wait3A_64 = arith.constant 0 : i32
      %dma_wait3A_65 = tpu.memref_slice %arg12[%add3A_8, %dma_wait3A_64] : memref<10240x128xf32, #tpu.memory_space<vmem_shared>> -> memref<128x128xf32, #tpu.memory_space<vmem_shared>>
      %dma_wait3A_66 = arith.constant 0 : i32
      %dma_wait3A_67 = tpu.memref_slice %arg12[%add3A_8, %dma_wait3A_66] : memref<10240x128xf32, #tpu.memory_space<vmem_shared>> -> memref<128x128xf32, #tpu.memory_space<vmem_shared>>
      %dma_wait3A_68 = arith.constant 0 : i32
      %dma_wait3A_69 = arith.constant 0 : i32
      %dma_wait3A_70 = tpu.memref_slice %arg9[%run_scoped3A, %dma_wait3A_68, %dma_wait3A_69] : memref<2x128x128xf32, #tpu.memory_space<vmem>> -> memref<1x128x128xf32, #tpu.memory_space<vmem>>
      %dma_wait3A_71 = tpu.memref_squeeze %dma_wait3A_70 : memref<1x128x128xf32, #tpu.memory_space<vmem>> -> memref<128x128xf32, #tpu.memory_space<vmem>>
      tpu.wait_dma2 semaphore(%run_scoped3A_49 : memref<!tpu.dma_semaphore, #tpu.memory_space<semaphore_mem>>) src(%dma_wait3A_71 : memref<128x128xf32, #tpu.memory_space<vmem>>) dst(%dma_wait3A_67 : memref<128x128xf32, #tpu.memory_space<vmem_shared>>)
      tpu.yield
    }) : () -> ()
    %mul3A_9 = arith.constant 640 : i32
    %mul3A_10 = arith.muli %arg1, %mul3A_9 : i32
    %add3A_11 = arith.constant 128 : i32
    %add3A_12 = arith.addi %mul3A_10, %add3A_11 : i32
    %run_scoped3A_13 = arith.constant 0 : i32
    "tpu.region"() ({
      %run_scoped3A_49 = tpu.sem_alloc : memref<!tpu.dma_semaphore, #tpu.memory_space<semaphore_mem>>
      %dma_start3A = arith.constant 0 : i32
      %dma_start3A_50 = arith.constant 0 : i32
      %dma_start3A_51 = tpu.memref_slice %arg9[%run_scoped3A_13, %dma_start3A, %dma_start3A_50] : memref<2x128x128xf32, #tpu.memory_space<vmem>> -> memref<1x128x128xf32, #tpu.memory_space<vmem>>
      %dma_start3A_52 = tpu.memref_squeeze %dma_start3A_51 : memref<1x128x128xf32, #tpu.memory_space<vmem>> -> memref<128x128xf32, #tpu.memory_space<vmem>>
      %dma_start3A_53 = arith.constant 0 : i32
      %dma_start3A_54 = tpu.memref_slice %arg12[%add3A_12, %dma_start3A_53] : memref<10240x128xf32, #tpu.memory_space<vmem_shared>> -> memref<128x128xf32, #tpu.memory_space<vmem_shared>>
      %dma_start3A_55 = arith.constant 0 : i32
      %dma_start3A_56 = tpu.memref_slice %arg12[%add3A_12, %dma_start3A_55] : memref<10240x128xf32, #tpu.memory_space<vmem_shared>> -> memref<128x128xf32, #tpu.memory_space<vmem_shared>>
      %dma_start3A_57 = arith.constant 0 : i32
      %dma_start3A_58 = arith.constant 0 : i32
      %dma_start3A_59 = tpu.memref_slice %arg9[%run_scoped3A_13, %dma_start3A_57, %dma_start3A_58] : memref<2x128x128xf32, #tpu.memory_space<vmem>> -> memref<1x128x128xf32, #tpu.memory_space<vmem>>
      %dma_start3A_60 = tpu.memref_squeeze %dma_start3A_59 : memref<1x128x128xf32, #tpu.memory_space<vmem>> -> memref<128x128xf32, #tpu.memory_space<vmem>>
      tpu.enqueue_dma source(%dma_start3A_60 : memref<128x128xf32, #tpu.memory_space<vmem>>) target(%dma_start3A_56 : memref<128x128xf32, #tpu.memory_space<vmem_shared>>) target_semaphore(%run_scoped3A_49 : memref<!tpu.dma_semaphore, #tpu.memory_space<semaphore_mem>>)
      %dma_wait3A = arith.constant 0 : i32
      %dma_wait3A_61 = arith.constant 0 : i32
      %dma_wait3A_62 = tpu.memref_slice %arg9[%run_scoped3A_13, %dma_wait3A, %dma_wait3A_61] : memref<2x128x128xf32, #tpu.memory_space<vmem>> -> memref<1x128x128xf32, #tpu.memory_space<vmem>>
      %dma_wait3A_63 = tpu.memref_squeeze %dma_wait3A_62 : memref<1x128x128xf32, #tpu.memory_space<vmem>> -> memref<128x128xf32, #tpu.memory_space<vmem>>
      %dma_wait3A_64 = arith.constant 0 : i32
      %dma_wait3A_65 = tpu.memref_slice %arg12[%add3A_12, %dma_wait3A_64] : memref<10240x128xf32, #tpu.memory_space<vmem_shared>> -> memref<128x128xf32, #tpu.memory_space<vmem_shared>>
      %dma_wait3A_66 = arith.constant 0 : i32
      %dma_wait3A_67 = tpu.memref_slice %arg12[%add3A_12, %dma_wait3A_66] : memref<10240x128xf32, #tpu.memory_space<vmem_shared>> -> memref<128x128xf32, #tpu.memory_space<vmem_shared>>
      %dma_wait3A_68 = arith.constant 0 : i32
      %dma_wait3A_69 = arith.constant 0 : i32
      %dma_wait3A_70 = tpu.memref_slice %arg9[%run_scoped3A_13, %dma_wait3A_68, %dma_wait3A_69] : memref<2x128x128xf32, #tpu.memory_space<vmem>> -> memref<1x128x128xf32, #tpu.memory_space<vmem>>
      %dma_wait3A_71 = tpu.memref_squeeze %dma_wait3A_70 : memref<1x128x128xf32, #tpu.memory_space<vmem>> -> memref<128x128xf32, #tpu.memory_space<vmem>>
      tpu.wait_dma2 semaphore(%run_scoped3A_49 : memref<!tpu.dma_semaphore, #tpu.memory_space<semaphore_mem>>) src(%dma_wait3A_71 : memref<128x128xf32, #tpu.memory_space<vmem>>) dst(%dma_wait3A_67 : memref<128x128xf32, #tpu.memory_space<vmem_shared>>)
      tpu.yield
    }) : () -> ()
    %mul3A_14 = arith.constant 640 : i32
    %mul3A_15 = arith.muli %arg1, %mul3A_14 : i32
    %add3A_16 = arith.constant 256 : i32
    %add3A_17 = arith.addi %mul3A_15, %add3A_16 : i32
    %run_scoped3A_18 = arith.constant 0 : i32
    "tpu.region"() ({
      %run_scoped3A_49 = tpu.sem_alloc : memref<!tpu.dma_semaphore, #tpu.memory_space<semaphore_mem>>
      %dma_start3A = arith.constant 0 : i32
      %dma_start3A_50 = arith.constant 0 : i32
      %dma_start3A_51 = tpu.memref_slice %arg9[%run_scoped3A_18, %dma_start3A, %dma_start3A_50] : memref<2x128x128xf32, #tpu.memory_space<vmem>> -> memref<1x128x128xf32, #tpu.memory_space<vmem>>
      %dma_start3A_52 = tpu.memref_squeeze %dma_start3A_51 : memref<1x128x128xf32, #tpu.memory_space<vmem>> -> memref<128x128xf32, #tpu.memory_space<vmem>>
      %dma_start3A_53 = arith.constant 0 : i32
      %dma_start3A_54 = tpu.memref_slice %arg12[%add3A_17, %dma_start3A_53] : memref<10240x128xf32, #tpu.memory_space<vmem_shared>> -> memref<128x128xf32, #tpu.memory_space<vmem_shared>>
      %dma_start3A_55 = arith.constant 0 : i32
      %dma_start3A_56 = tpu.memref_slice %arg12[%add3A_17, %dma_start3A_55] : memref<10240x128xf32, #tpu.memory_space<vmem_shared>> -> memref<128x128xf32, #tpu.memory_space<vmem_shared>>
      %dma_start3A_57 = arith.constant 0 : i32
      %dma_start3A_58 = arith.constant 0 : i32
      %dma_start3A_59 = tpu.memref_slice %arg9[%run_scoped3A_18, %dma_start3A_57, %dma_start3A_58] : memref<2x128x128xf32, #tpu.memory_space<vmem>> -> memref<1x128x128xf32, #tpu.memory_space<vmem>>
      %dma_start3A_60 = tpu.memref_squeeze %dma_start3A_59 : memref<1x128x128xf32, #tpu.memory_space<vmem>> -> memref<128x128xf32, #tpu.memory_space<vmem>>
      tpu.enqueue_dma source(%dma_start3A_60 : memref<128x128xf32, #tpu.memory_space<vmem>>) target(%dma_start3A_56 : memref<128x128xf32, #tpu.memory_space<vmem_shared>>) target_semaphore(%run_scoped3A_49 : memref<!tpu.dma_semaphore, #tpu.memory_space<semaphore_mem>>)
      %dma_wait3A = arith.constant 0 : i32
      %dma_wait3A_61 = arith.constant 0 : i32
      %dma_wait3A_62 = tpu.memref_slice %arg9[%run_scoped3A_18, %dma_wait3A, %dma_wait3A_61] : memref<2x128x128xf32, #tpu.memory_space<vmem>> -> memref<1x128x128xf32, #tpu.memory_space<vmem>>
      %dma_wait3A_63 = tpu.memref_squeeze %dma_wait3A_62 : memref<1x128x128xf32, #tpu.memory_space<vmem>> -> memref<128x128xf32, #tpu.memory_space<vmem>>
      %dma_wait3A_64 = arith.constant 0 : i32
      %dma_wait3A_65 = tpu.memref_slice %arg12[%add3A_17, %dma_wait3A_64] : memref<10240x128xf32, #tpu.memory_space<vmem_shared>> -> memref<128x128xf32, #tpu.memory_space<vmem_shared>>
      %dma_wait3A_66 = arith.constant 0 : i32
      %dma_wait3A_67 = tpu.memref_slice %arg12[%add3A_17, %dma_wait3A_66] : memref<10240x128xf32, #tpu.memory_space<vmem_shared>> -> memref<128x128xf32, #tpu.memory_space<vmem_shared>>
      %dma_wait3A_68 = arith.constant 0 : i32
      %dma_wait3A_69 = arith.constant 0 : i32
      %dma_wait3A_70 = tpu.memref_slice %arg9[%run_scoped3A_18, %dma_wait3A_68, %dma_wait3A_69] : memref<2x128x128xf32, #tpu.memory_space<vmem>> -> memref<1x128x128xf32, #tpu.memory_space<vmem>>
      %dma_wait3A_71 = tpu.memref_squeeze %dma_wait3A_70 : memref<1x128x128xf32, #tpu.memory_space<vmem>> -> memref<128x128xf32, #tpu.memory_space<vmem>>
      tpu.wait_dma2 semaphore(%run_scoped3A_49 : memref<!tpu.dma_semaphore, #tpu.memory_space<semaphore_mem>>) src(%dma_wait3A_71 : memref<128x128xf32, #tpu.memory_space<vmem>>) dst(%dma_wait3A_67 : memref<128x128xf32, #tpu.memory_space<vmem_shared>>)
      tpu.yield
    }) : () -> ()
    %mul3A_19 = arith.constant 640 : i32
    %mul3A_20 = arith.muli %arg1, %mul3A_19 : i32
    %add3A_21 = arith.constant 384 : i32
    %add3A_22 = arith.addi %mul3A_20, %add3A_21 : i32
    %run_scoped3A_23 = arith.constant 0 : i32
    "tpu.region"() ({
      %run_scoped3A_49 = tpu.sem_alloc : memref<!tpu.dma_semaphore, #tpu.memory_space<semaphore_mem>>
      %dma_start3A = arith.constant 0 : i32
      %dma_start3A_50 = arith.constant 0 : i32
      %dma_start3A_51 = tpu.memref_slice %arg9[%run_scoped3A_23, %dma_start3A, %dma_start3A_50] : memref<2x128x128xf32, #tpu.memory_space<vmem>> -> memref<1x128x128xf32, #tpu.memory_space<vmem>>
      %dma_start3A_52 = tpu.memref_squeeze %dma_start3A_51 : memref<1x128x128xf32, #tpu.memory_space<vmem>> -> memref<128x128xf32, #tpu.memory_space<vmem>>
      %dma_start3A_53 = arith.constant 0 : i32
      %dma_start3A_54 = tpu.memref_slice %arg12[%add3A_22, %dma_start3A_53] : memref<10240x128xf32, #tpu.memory_space<vmem_shared>> -> memref<128x128xf32, #tpu.memory_space<vmem_shared>>
      %dma_start3A_55 = arith.constant 0 : i32
      %dma_start3A_56 = tpu.memref_slice %arg12[%add3A_22, %dma_start3A_55] : memref<10240x128xf32, #tpu.memory_space<vmem_shared>> -> memref<128x128xf32, #tpu.memory_space<vmem_shared>>
      %dma_start3A_57 = arith.constant 0 : i32
      %dma_start3A_58 = arith.constant 0 : i32
      %dma_start3A_59 = tpu.memref_slice %arg9[%run_scoped3A_23, %dma_start3A_57, %dma_start3A_58] : memref<2x128x128xf32, #tpu.memory_space<vmem>> -> memref<1x128x128xf32, #tpu.memory_space<vmem>>
      %dma_start3A_60 = tpu.memref_squeeze %dma_start3A_59 : memref<1x128x128xf32, #tpu.memory_space<vmem>> -> memref<128x128xf32, #tpu.memory_space<vmem>>
      tpu.enqueue_dma source(%dma_start3A_60 : memref<128x128xf32, #tpu.memory_space<vmem>>) target(%dma_start3A_56 : memref<128x128xf32, #tpu.memory_space<vmem_shared>>) target_semaphore(%run_scoped3A_49 : memref<!tpu.dma_semaphore, #tpu.memory_space<semaphore_mem>>)
      %dma_wait3A = arith.constant 0 : i32
      %dma_wait3A_61 = arith.constant 0 : i32
      %dma_wait3A_62 = tpu.memref_slice %arg9[%run_scoped3A_23, %dma_wait3A, %dma_wait3A_61] : memref<2x128x128xf32, #tpu.memory_space<vmem>> -> memref<1x128x128xf32, #tpu.memory_space<vmem>>
      %dma_wait3A_63 = tpu.memref_squeeze %dma_wait3A_62 : memref<1x128x128xf32, #tpu.memory_space<vmem>> -> memref<128x128xf32, #tpu.memory_space<vmem>>
      %dma_wait3A_64 = arith.constant 0 : i32
      %dma_wait3A_65 = tpu.memref_slice %arg12[%add3A_22, %dma_wait3A_64] : memref<10240x128xf32, #tpu.memory_space<vmem_shared>> -> memref<128x128xf32, #tpu.memory_space<vmem_shared>>
      %dma_wait3A_66 = arith.constant 0 : i32
      %dma_wait3A_67 = tpu.memref_slice %arg12[%add3A_22, %dma_wait3A_66] : memref<10240x128xf32, #tpu.memory_space<vmem_shared>> -> memref<128x128xf32, #tpu.memory_space<vmem_shared>>
      %dma_wait3A_68 = arith.constant 0 : i32
      %dma_wait3A_69 = arith.constant 0 : i32
      %dma_wait3A_70 = tpu.memref_slice %arg9[%run_scoped3A_23, %dma_wait3A_68, %dma_wait3A_69] : memref<2x128x128xf32, #tpu.memory_space<vmem>> -> memref<1x128x128xf32, #tpu.memory_space<vmem>>
      %dma_wait3A_71 = tpu.memref_squeeze %dma_wait3A_70 : memref<1x128x128xf32, #tpu.memory_space<vmem>> -> memref<128x128xf32, #tpu.memory_space<vmem>>
      tpu.wait_dma2 semaphore(%run_scoped3A_49 : memref<!tpu.dma_semaphore, #tpu.memory_space<semaphore_mem>>) src(%dma_wait3A_71 : memref<128x128xf32, #tpu.memory_space<vmem>>) dst(%dma_wait3A_67 : memref<128x128xf32, #tpu.memory_space<vmem_shared>>)
      tpu.yield
    }) : () -> ()
    %mul3A_24 = arith.constant 640 : i32
    %mul3A_25 = arith.muli %arg1, %mul3A_24 : i32
    %add3A_26 = arith.constant 512 : i32
    %add3A_27 = arith.addi %mul3A_25, %add3A_26 : i32
    %run_scoped3A_28 = arith.constant 0 : i32
    "tpu.region"() ({
      %run_scoped3A_49 = tpu.sem_alloc : memref<!tpu.dma_semaphore, #tpu.memory_space<semaphore_mem>>
      %dma_start3A = arith.constant 0 : i32
      %dma_start3A_50 = arith.constant 0 : i32
      %dma_start3A_51 = tpu.memref_slice %arg9[%run_scoped3A_28, %dma_start3A, %dma_start3A_50] : memref<2x128x128xf32, #tpu.memory_space<vmem>> -> memref<1x128x128xf32, #tpu.memory_space<vmem>>
      %dma_start3A_52 = tpu.memref_squeeze %dma_start3A_51 : memref<1x128x128xf32, #tpu.memory_space<vmem>> -> memref<128x128xf32, #tpu.memory_space<vmem>>
      %dma_start3A_53 = arith.constant 0 : i32
      %dma_start3A_54 = tpu.memref_slice %arg12[%add3A_27, %dma_start3A_53] : memref<10240x128xf32, #tpu.memory_space<vmem_shared>> -> memref<128x128xf32, #tpu.memory_space<vmem_shared>>
      %dma_start3A_55 = arith.constant 0 : i32
      %dma_start3A_56 = tpu.memref_slice %arg12[%add3A_27, %dma_start3A_55] : memref<10240x128xf32, #tpu.memory_space<vmem_shared>> -> memref<128x128xf32, #tpu.memory_space<vmem_shared>>
      %dma_start3A_57 = arith.constant 0 : i32
      %dma_start3A_58 = arith.constant 0 : i32
      %dma_start3A_59 = tpu.memref_slice %arg9[%run_scoped3A_28, %dma_start3A_57, %dma_start3A_58] : memref<2x128x128xf32, #tpu.memory_space<vmem>> -> memref<1x128x128xf32, #tpu.memory_space<vmem>>
      %dma_start3A_60 = tpu.memref_squeeze %dma_start3A_59 : memref<1x128x128xf32, #tpu.memory_space<vmem>> -> memref<128x128xf32, #tpu.memory_space<vmem>>
      tpu.enqueue_dma source(%dma_start3A_60 : memref<128x128xf32, #tpu.memory_space<vmem>>) target(%dma_start3A_56 : memref<128x128xf32, #tpu.memory_space<vmem_shared>>) target_semaphore(%run_scoped3A_49 : memref<!tpu.dma_semaphore, #tpu.memory_space<semaphore_mem>>)
      %dma_wait3A = arith.constant 0 : i32
      %dma_wait3A_61 = arith.constant 0 : i32
      %dma_wait3A_62 = tpu.memref_slice %arg9[%run_scoped3A_28, %dma_wait3A, %dma_wait3A_61] : memref<2x128x128xf32, #tpu.memory_space<vmem>> -> memref<1x128x128xf32, #tpu.memory_space<vmem>>
      %dma_wait3A_63 = tpu.memref_squeeze %dma_wait3A_62 : memref<1x128x128xf32, #tpu.memory_space<vmem>> -> memref<128x128xf32, #tpu.memory_space<vmem>>
      %dma_wait3A_64 = arith.constant 0 : i32
      %dma_wait3A_65 = tpu.memref_slice %arg12[%add3A_27, %dma_wait3A_64] : memref<10240x128xf32, #tpu.memory_space<vmem_shared>> -> memref<128x128xf32, #tpu.memory_space<vmem_shared>>
      %dma_wait3A_66 = arith.constant 0 : i32
      %dma_wait3A_67 = tpu.memref_slice %arg12[%add3A_27, %dma_wait3A_66] : memref<10240x128xf32, #tpu.memory_space<vmem_shared>> -> memref<128x128xf32, #tpu.memory_space<vmem_shared>>
      %dma_wait3A_68 = arith.constant 0 : i32
      %dma_wait3A_69 = arith.constant 0 : i32
      %dma_wait3A_70 = tpu.memref_slice %arg9[%run_scoped3A_28, %dma_wait3A_68, %dma_wait3A_69] : memref<2x128x128xf32, #tpu.memory_space<vmem>> -> memref<1x128x128xf32, #tpu.memory_space<vmem>>
      %dma_wait3A_71 = tpu.memref_squeeze %dma_wait3A_70 : memref<1x128x128xf32, #tpu.memory_space<vmem>> -> memref<128x128xf32, #tpu.memory_space<vmem>>
      tpu.wait_dma2 semaphore(%run_scoped3A_49 : memref<!tpu.dma_semaphore, #tpu.memory_space<semaphore_mem>>) src(%dma_wait3A_71 : memref<128x128xf32, #tpu.memory_space<vmem>>) dst(%dma_wait3A_67 : memref<128x128xf32, #tpu.memory_space<vmem_shared>>)
      tpu.yield
    }) : () -> ()
    %barrier3A = arith.constant 0 : index
    tpu.barrier barrier_id(%barrier3A)
    %mul3A_29 = arith.constant 16 : i32
    %mul3A_30 = arith.muli %arg0, %mul3A_29 : i32
    %add3A_31 = arith.addi %mul3A_30, %arg1 : i32
    %mul3A_32 = arith.constant 80 : i32
    %mul3A_33 = arith.muli %add3A_31, %mul3A_32 : i32
    %scan3A_34 = arith.constant 0 : i32
    %scan3A_35 = arith.constant 0 : i32
    %scan3A_36 = arith.constant 2 : i32
    %scan3A_37 = arith.addi %scan3A_35, %scan3A_36 : i32
    %scan3A_38 = arith.constant 1 : i32
    %scan3A_39 = scf.for %scan3A_49 = %scan3A_35 to %scan3A_37 step %scan3A_38 iter_args(%scan3A_50 = %scan3A_34) -> (i32)  : i32 {
      %mul3A_51 = arith.constant 40 : i32
      %mul3A_52 = arith.muli %scan3A_49, %mul3A_51 : i32
      %add3A_53 = arith.addi %mul3A_33, %mul3A_52 : i32
      %multiple_of3A = tpu.assume_multiple %add3A_53, 8 : i32
      "tpu.region"() ({
        %run_scoped3A_85 = tpu.sem_alloc : memref<!tpu.dma_semaphore, #tpu.memory_space<semaphore_mem>>
        %dma_start3A_86 = arith.constant 0 : i32
        %dma_start3A_87 = tpu.memref_slice %arg3[%multiple_of3A, %dma_start3A_86] : memref<2560x128xi32, #tpu.memory_space<hbm>> -> memref<40x128xi32, #tpu.memory_space<hbm>>
        %dma_start3A_88 = arith.constant 0 : i32
        %dma_start3A_89 = tpu.memref_slice %arg3[%multiple_of3A, %dma_start3A_88] : memref<2560x128xi32, #tpu.memory_space<hbm>> -> memref<40x128xi32, #tpu.memory_space<hbm>>
        tpu.enqueue_dma source(%dma_start3A_89 : memref<40x128xi32, #tpu.memory_space<hbm>>) target(%arg7 : memref<40x128xi32, #tpu.memory_space<vmem>>) target_semaphore(%run_scoped3A_85 : memref<!tpu.dma_semaphore, #tpu.memory_space<semaphore_mem>>)
        %dma_wait3A = arith.constant 0 : i32
        %dma_wait3A_90 = tpu.memref_slice %arg3[%multiple_of3A, %dma_wait3A] : memref<2560x128xi32, #tpu.memory_space<hbm>> -> memref<40x128xi32, #tpu.memory_space<hbm>>
        %dma_wait3A_91 = arith.constant 0 : i32
        %dma_wait3A_92 = tpu.memref_slice %arg3[%multiple_of3A, %dma_wait3A_91] : memref<2560x128xi32, #tpu.memory_space<hbm>> -> memref<40x128xi32, #tpu.memory_space<hbm>>
        tpu.wait_dma2 semaphore(%run_scoped3A_85 : memref<!tpu.dma_semaphore, #tpu.memory_space<semaphore_mem>>) src(%dma_wait3A_92 : memref<40x128xi32, #tpu.memory_space<hbm>>) dst(%arg7 : memref<40x128xi32, #tpu.memory_space<vmem>>)
        tpu.yield
      }) : () -> ()
      "tpu.region"() ({
        %run_scoped3A_85 = tpu.sem_alloc : memref<!tpu.dma_semaphore, #tpu.memory_space<semaphore_mem>>
        %dma_start3A_86 = arith.constant 0 : i32
        %dma_start3A_87 = tpu.memref_slice %arg4[%multiple_of3A, %dma_start3A_86] : memref<2560x128xi32, #tpu.memory_space<hbm>> -> memref<40x128xi32, #tpu.memory_space<hbm>>
        %dma_start3A_88 = arith.constant 0 : i32
        %dma_start3A_89 = tpu.memref_slice %arg4[%multiple_of3A, %dma_start3A_88] : memref<2560x128xi32, #tpu.memory_space<hbm>> -> memref<40x128xi32, #tpu.memory_space<hbm>>
        tpu.enqueue_dma source(%dma_start3A_89 : memref<40x128xi32, #tpu.memory_space<hbm>>) target(%arg8 : memref<40x128xi32, #tpu.memory_space<vmem>>) target_semaphore(%run_scoped3A_85 : memref<!tpu.dma_semaphore, #tpu.memory_space<semaphore_mem>>)
        %dma_wait3A = arith.constant 0 : i32
        %dma_wait3A_90 = tpu.memref_slice %arg4[%multiple_of3A, %dma_wait3A] : memref<2560x128xi32, #tpu.memory_space<hbm>> -> memref<40x128xi32, #tpu.memory_space<hbm>>
        %dma_wait3A_91 = arith.constant 0 : i32
        %dma_wait3A_92 = tpu.memref_slice %arg4[%multiple_of3A, %dma_wait3A_91] : memref<2560x128xi32, #tpu.memory_space<hbm>> -> memref<40x128xi32, #tpu.memory_space<hbm>>
        tpu.wait_dma2 semaphore(%run_scoped3A_85 : memref<!tpu.dma_semaphore, #tpu.memory_space<semaphore_mem>>) src(%dma_wait3A_92 : memref<40x128xi32, #tpu.memory_space<hbm>>) dst(%arg8 : memref<40x128xi32, #tpu.memory_space<vmem>>)
        tpu.yield
      }) : () -> ()
      %dma_start3A = arith.constant 0 : i32
      %dma_start3A_54 = arith.constant 0 : i32
      %dma_start3A_55 = arith.constant 0 : i32
      %dma_start3A_56 = arith.constant 0 : i32
      %dma_start3A_57 = tpu.memref_slice %arg9[%dma_start3A_54, %dma_start3A_55, %dma_start3A_56] : memref<2x128x128xf32, #tpu.memory_space<vmem>> -> memref<1x128x128xf32, #tpu.memory_space<vmem>>
      %dma_start3A_58 = tpu.memref_squeeze %dma_start3A_57 : memref<1x128x128xf32, #tpu.memory_space<vmem>> -> memref<128x128xf32, #tpu.memory_space<vmem>>
      %dma_start3A_59 = arith.constant 0 : i32
      %dma_start3A_60 = tpu.memref_slice %arg7[%dma_start3A, %dma_start3A_59] : memref<40x128xi32, #tpu.memory_space<vmem>> -> memref<1x128xi32, #tpu.memory_space<vmem>>
      %dma_start3A_61 = tpu.memref_squeeze %dma_start3A_60 : memref<1x128xi32, #tpu.memory_space<vmem>> -> memref<128xi32, #tpu.memory_space<vmem>>
      %dma_start3A_62 = arith.constant 0 : i32
      %dma_start3A_63 = arith.constant 0 : i32
      %dma_start3A_64 = tpu.memref_slice %arg2[%dma_start3A_62, %dma_start3A_63] : memref<10240x128xf32, #tpu.memory_space<hbm>> -> memref<10240x128xf32, #tpu.memory_space<hbm>>
      tpu.enqueue_indirect_dma source(%dma_start3A_64 : memref<10240x128xf32, #tpu.memory_space<hbm>>) target(%dma_start3A_58 : memref<128x128xf32, #tpu.memory_space<vmem>>) offsets(%dma_start3A_61 : memref<128xi32, #tpu.memory_space<vmem>>) semaphore(%arg10 : memref<!tpu.dma_semaphore, #tpu.memory_space<semaphore_mem>>)
      %dma_start3A_65 = arith.constant 1 : i32
      %dma_start3A_66 = arith.constant 1 : i32
      %dma_start3A_67 = arith.constant 0 : i32
      %dma_start3A_68 = arith.constant 0 : i32
      %dma_start3A_69 = tpu.memref_slice %arg9[%dma_start3A_66, %dma_start3A_67, %dma_start3A_68] : memref<2x128x128xf32, #tpu.memory_space<vmem>> -> memref<1x128x128xf32, #tpu.memory_space<vmem>>
      %dma_start3A_70 = tpu.memref_squeeze %dma_start3A_69 : memref<1x128x128xf32, #tpu.memory_space<vmem>> -> memref<128x128xf32, #tpu.memory_space<vmem>>
      %dma_start3A_71 = arith.constant 0 : i32
      %dma_start3A_72 = tpu.memref_slice %arg7[%dma_start3A_65, %dma_start3A_71] : memref<40x128xi32, #tpu.memory_space<vmem>> -> memref<1x128xi32, #tpu.memory_space<vmem>>
      %dma_start3A_73 = tpu.memref_squeeze %dma_start3A_72 : memref<1x128xi32, #tpu.memory_space<vmem>> -> memref<128xi32, #tpu.memory_space<vmem>>
      %dma_start3A_74 = arith.constant 0 : i32
      %dma_start3A_75 = arith.constant 0 : i32
      %dma_start3A_76 = tpu.memref_slice %arg2[%dma_start3A_74, %dma_start3A_75] : memref<10240x128xf32, #tpu.memory_space<hbm>> -> memref<10240x128xf32, #tpu.memory_space<hbm>>
      tpu.enqueue_indirect_dma source(%dma_start3A_76 : memref<10240x128xf32, #tpu.memory_space<hbm>>) target(%dma_start3A_70 : memref<128x128xf32, #tpu.memory_space<vmem>>) offsets(%dma_start3A_73 : memref<128xi32, #tpu.memory_space<vmem>>) semaphore(%arg11 : memref<!tpu.dma_semaphore, #tpu.memory_space<semaphore_mem>>)
      %scan3A_77 = arith.constant 0 : i32
      %scan3A_78 = arith.constant 0 : i32
      %scan3A_79 = arith.constant 20 : i32
      %scan3A_80 = arith.addi %scan3A_78, %scan3A_79 : i32
      %scan3A_81 = arith.constant 1 : i32
      %scan3A_82 = scf.for %scan3A_85 = %scan3A_78 to %scan3A_80 step %scan3A_81 iter_args(%scan3A_86 = %scan3A_77) -> (i32)  : i32 {
        %mul3A_87 = arith.constant 2 : i32
        %mul3A_88 = arith.muli %scan3A_85, %mul3A_87 : i32
        %add3A_89 = arith.constant 0 : i32
        %add3A_90 = arith.addi %mul3A_88, %add3A_89 : i32
        %dma_wait3A = arith.constant 0 : i32
        %dma_wait3A_91 = arith.constant 0 : i32
        %dma_wait3A_92 = arith.constant 0 : i32
        %dma_wait3A_93 = tpu.memref_slice %arg9[%dma_wait3A, %dma_wait3A_91, %dma_wait3A_92] : memref<2x128x128xf32, #tpu.memory_space<vmem>> -> memref<1x128x128xf32, #tpu.memory_space<vmem>>
        %dma_wait3A_94 = tpu.memref_squeeze %dma_wait3A_93 : memref<1x128x128xf32, #tpu.memory_space<vmem>> -> memref<128x128xf32, #tpu.memory_space<vmem>>
        %dma_wait3A_95 = arith.constant 0 : i32
        %dma_wait3A_96 = tpu.memref_slice %arg7[%add3A_90, %dma_wait3A_95] : memref<40x128xi32, #tpu.memory_space<vmem>> -> memref<1x128xi32, #tpu.memory_space<vmem>>
        %dma_wait3A_97 = tpu.memref_squeeze %dma_wait3A_96 : memref<1x128xi32, #tpu.memory_space<vmem>> -> memref<128xi32, #tpu.memory_space<vmem>>
        %dma_wait3A_98 = arith.constant 0 : i32
        %dma_wait3A_99 = arith.constant 0 : i32
        %dma_wait3A_100 = tpu.memref_slice %arg2[%dma_wait3A_98, %dma_wait3A_99] : memref<10240x128xf32, #tpu.memory_space<hbm>> -> memref<10240x128xf32, #tpu.memory_space<hbm>>
        tpu.wait_indirect_dma semaphore(%arg10 : memref<!tpu.dma_semaphore, #tpu.memory_space<semaphore_mem>>) src(%dma_wait3A_100 : memref<10240x128xf32, #tpu.memory_space<hbm>>) dst(%dma_wait3A_94 : memref<128x128xf32, #tpu.memory_space<vmem>>)
        %run_scoped3A_101 = arith.constant 0 : i32
        "tpu.region"() ({
          %run_scoped3A_128 = tpu.sem_alloc : memref<!tpu.dma_semaphore, #tpu.memory_space<semaphore_mem>>
          %dma_start3A_129 = arith.constant 0 : i32
          %dma_start3A_130 = arith.constant 0 : i32
          %dma_start3A_131 = tpu.memref_slice %arg9[%run_scoped3A_101, %dma_start3A_129, %dma_start3A_130] : memref<2x128x128xf32, #tpu.memory_space<vmem>> -> memref<1x128x128xf32, #tpu.memory_space<vmem>>
          %dma_start3A_132 = tpu.memref_squeeze %dma_start3A_131 : memref<1x128x128xf32, #tpu.memory_space<vmem>> -> memref<128x128xf32, #tpu.memory_space<vmem>>
          %dma_start3A_133 = arith.constant 0 : i32
          %dma_start3A_134 = tpu.memref_slice %arg8[%add3A_90, %dma_start3A_133] : memref<40x128xi32, #tpu.memory_space<vmem>> -> memref<1x128xi32, #tpu.memory_space<vmem>>
          %dma_start3A_135 = tpu.memref_squeeze %dma_start3A_134 : memref<1x128xi32, #tpu.memory_space<vmem>> -> memref<128xi32, #tpu.memory_space<vmem>>
          %dma_start3A_136 = arith.constant 0 : i32
          %dma_start3A_137 = arith.constant 0 : i32
          %dma_start3A_138 = tpu.memref_slice %arg12[%dma_start3A_136, %dma_start3A_137] : memref<10240x128xf32, #tpu.memory_space<vmem_shared>> -> memref<10240x128xf32, #tpu.memory_space<vmem_shared>>
          tpu.enqueue_indirect_dma source(%dma_start3A_132 : memref<128x128xf32, #tpu.memory_space<vmem>>) target(%dma_start3A_138 : memref<10240x128xf32, #tpu.memory_space<vmem_shared>>) offsets(%dma_start3A_135 : memref<128xi32, #tpu.memory_space<vmem>>) semaphore(%run_scoped3A_128 : memref<!tpu.dma_semaphore, #tpu.memory_space<semaphore_mem>>) {add = true}
          %dma_wait3A_139 = arith.constant 0 : i32
          %dma_wait3A_140 = arith.constant 0 : i32
          %dma_wait3A_141 = tpu.memref_slice %arg9[%run_scoped3A_101, %dma_wait3A_139, %dma_wait3A_140] : memref<2x128x128xf32, #tpu.memory_space<vmem>> -> memref<1x128x128xf32, #tpu.memory_space<vmem>>
          %dma_wait3A_142 = tpu.memref_squeeze %dma_wait3A_141 : memref<1x128x128xf32, #tpu.memory_space<vmem>> -> memref<128x128xf32, #tpu.memory_space<vmem>>
          %dma_wait3A_143 = arith.constant 0 : i32
          %dma_wait3A_144 = tpu.memref_slice %arg8[%add3A_90, %dma_wait3A_143] : memref<40x128xi32, #tpu.memory_space<vmem>> -> memref<1x128xi32, #tpu.memory_space<vmem>>
          %dma_wait3A_145 = tpu.memref_squeeze %dma_wait3A_144 : memref<1x128xi32, #tpu.memory_space<vmem>> -> memref<128xi32, #tpu.memory_space<vmem>>
          %dma_wait3A_146 = arith.constant 0 : i32
          %dma_wait3A_147 = arith.constant 0 : i32
          %dma_wait3A_148 = tpu.memref_slice %arg12[%dma_wait3A_146, %dma_wait3A_147] : memref<10240x128xf32, #tpu.memory_space<vmem_shared>> -> memref<10240x128xf32, #tpu.memory_space<vmem_shared>>
          tpu.wait_indirect_dma semaphore(%run_scoped3A_128 : memref<!tpu.dma_semaphore, #tpu.memory_space<semaphore_mem>>) src(%dma_wait3A_142 : memref<128x128xf32, #tpu.memory_space<vmem>>) dst(%dma_wait3A_148 : memref<10240x128xf32, #tpu.memory_space<vmem_shared>>)
          tpu.yield
        }) : () -> ()
        %lt3A = arith.constant 19 : i32
        %lt3A_102 = arith.cmpi slt, %scan3A_85, %lt3A : i32
        %convert_element_type3A_103 = arith.extui %lt3A_102 : i1 to i32
        %cond3A_104 = arith.constant 0 : i32
        %cond3A_105 = arith.cmpi ne, %convert_element_type3A_103, %cond3A_104 : i32
        scf.if %cond3A_105 {
          %add3A_128 = arith.constant 2 : i32
          %add3A_129 = arith.addi %add3A_90, %add3A_128 : i32
          %dma_start3A_130 = arith.constant 0 : i32
          %dma_start3A_131 = arith.constant 0 : i32
          %dma_start3A_132 = arith.constant 0 : i32
          %dma_start3A_133 = tpu.memref_slice %arg9[%dma_start3A_130, %dma_start3A_131, %dma_start3A_132] : memref<2x128x128xf32, #tpu.memory_space<vmem>> -> memref<1x128x128xf32, #tpu.memory_space<vmem>>
          %dma_start3A_134 = tpu.memref_squeeze %dma_start3A_133 : memref<1x128x128xf32, #tpu.memory_space<vmem>> -> memref<128x128xf32, #tpu.memory_space<vmem>>
          %dma_start3A_135 = arith.constant 0 : i32
          %dma_start3A_136 = tpu.memref_slice %arg7[%add3A_129, %dma_start3A_135] : memref<40x128xi32, #tpu.memory_space<vmem>> -> memref<1x128xi32, #tpu.memory_space<vmem>>
          %dma_start3A_137 = tpu.memref_squeeze %dma_start3A_136 : memref<1x128xi32, #tpu.memory_space<vmem>> -> memref<128xi32, #tpu.memory_space<vmem>>
          %dma_start3A_138 = arith.constant 0 : i32
          %dma_start3A_139 = arith.constant 0 : i32
          %dma_start3A_140 = tpu.memref_slice %arg2[%dma_start3A_138, %dma_start3A_139] : memref<10240x128xf32, #tpu.memory_space<hbm>> -> memref<10240x128xf32, #tpu.memory_space<hbm>>
          tpu.enqueue_indirect_dma source(%dma_start3A_140 : memref<10240x128xf32, #tpu.memory_space<hbm>>) target(%dma_start3A_134 : memref<128x128xf32, #tpu.memory_space<vmem>>) offsets(%dma_start3A_137 : memref<128xi32, #tpu.memory_space<vmem>>) semaphore(%arg10 : memref<!tpu.dma_semaphore, #tpu.memory_space<semaphore_mem>>)
        } else {
        }
        %mul3A_106 = arith.constant 2 : i32
        %mul3A_107 = arith.muli %scan3A_85, %mul3A_106 : i32
        %add3A_108 = arith.constant 1 : i32
        %add3A_109 = arith.addi %mul3A_107, %add3A_108 : i32
        %dma_wait3A_110 = arith.constant 1 : i32
        %dma_wait3A_111 = arith.constant 0 : i32
        %dma_wait3A_112 = arith.constant 0 : i32
        %dma_wait3A_113 = tpu.memref_slice %arg9[%dma_wait3A_110, %dma_wait3A_111, %dma_wait3A_112] : memref<2x128x128xf32, #tpu.memory_space<vmem>> -> memref<1x128x128xf32, #tpu.memory_space<vmem>>
        %dma_wait3A_114 = tpu.memref_squeeze %dma_wait3A_113 : memref<1x128x128xf32, #tpu.memory_space<vmem>> -> memref<128x128xf32, #tpu.memory_space<vmem>>
        %dma_wait3A_115 = arith.constant 0 : i32
        %dma_wait3A_116 = tpu.memref_slice %arg7[%add3A_109, %dma_wait3A_115] : memref<40x128xi32, #tpu.memory_space<vmem>> -> memref<1x128xi32, #tpu.memory_space<vmem>>
        %dma_wait3A_117 = tpu.memref_squeeze %dma_wait3A_116 : memref<1x128xi32, #tpu.memory_space<vmem>> -> memref<128xi32, #tpu.memory_space<vmem>>
        %dma_wait3A_118 = arith.constant 0 : i32
        %dma_wait3A_119 = arith.constant 0 : i32
        %dma_wait3A_120 = tpu.memref_slice %arg2[%dma_wait3A_118, %dma_wait3A_119] : memref<10240x128xf32, #tpu.memory_space<hbm>> -> memref<10240x128xf32, #tpu.memory_space<hbm>>
        tpu.wait_indirect_dma semaphore(%arg11 : memref<!tpu.dma_semaphore, #tpu.memory_space<semaphore_mem>>) src(%dma_wait3A_120 : memref<10240x128xf32, #tpu.memory_space<hbm>>) dst(%dma_wait3A_114 : memref<128x128xf32, #tpu.memory_space<vmem>>)
        %run_scoped3A_121 = arith.constant 1 : i32
        "tpu.region"() ({
          %run_scoped3A_128 = tpu.sem_alloc : memref<!tpu.dma_semaphore, #tpu.memory_space<semaphore_mem>>
          %dma_start3A_129 = arith.constant 0 : i32
          %dma_start3A_130 = arith.constant 0 : i32
          %dma_start3A_131 = tpu.memref_slice %arg9[%run_scoped3A_121, %dma_start3A_129, %dma_start3A_130] : memref<2x128x128xf32, #tpu.memory_space<vmem>> -> memref<1x128x128xf32, #tpu.memory_space<vmem>>
          %dma_start3A_132 = tpu.memref_squeeze %dma_start3A_131 : memref<1x128x128xf32, #tpu.memory_space<vmem>> -> memref<128x128xf32, #tpu.memory_space<vmem>>
          %dma_start3A_133 = arith.constant 0 : i32
          %dma_start3A_134 = tpu.memref_slice %arg8[%add3A_109, %dma_start3A_133] : memref<40x128xi32, #tpu.memory_space<vmem>> -> memref<1x128xi32, #tpu.memory_space<vmem>>
          %dma_start3A_135 = tpu.memref_squeeze %dma_start3A_134 : memref<1x128xi32, #tpu.memory_space<vmem>> -> memref<128xi32, #tpu.memory_space<vmem>>
          %dma_start3A_136 = arith.constant 0 : i32
          %dma_start3A_137 = arith.constant 0 : i32
          %dma_start3A_138 = tpu.memref_slice %arg12[%dma_start3A_136, %dma_start3A_137] : memref<10240x128xf32, #tpu.memory_space<vmem_shared>> -> memref<10240x128xf32, #tpu.memory_space<vmem_shared>>
          tpu.enqueue_indirect_dma source(%dma_start3A_132 : memref<128x128xf32, #tpu.memory_space<vmem>>) target(%dma_start3A_138 : memref<10240x128xf32, #tpu.memory_space<vmem_shared>>) offsets(%dma_start3A_135 : memref<128xi32, #tpu.memory_space<vmem>>) semaphore(%run_scoped3A_128 : memref<!tpu.dma_semaphore, #tpu.memory_space<semaphore_mem>>) {add = true}
          %dma_wait3A_139 = arith.constant 0 : i32
          %dma_wait3A_140 = arith.constant 0 : i32
          %dma_wait3A_141 = tpu.memref_slice %arg9[%run_scoped3A_121, %dma_wait3A_139, %dma_wait3A_140] : memref<2x128x128xf32, #tpu.memory_space<vmem>> -> memref<1x128x128xf32, #tpu.memory_space<vmem>>
          %dma_wait3A_142 = tpu.memref_squeeze %dma_wait3A_141 : memref<1x128x128xf32, #tpu.memory_space<vmem>> -> memref<128x128xf32, #tpu.memory_space<vmem>>
          %dma_wait3A_143 = arith.constant 0 : i32
          %dma_wait3A_144 = tpu.memref_slice %arg8[%add3A_109, %dma_wait3A_143] : memref<40x128xi32, #tpu.memory_space<vmem>> -> memref<1x128xi32, #tpu.memory_space<vmem>>
          %dma_wait3A_145 = tpu.memref_squeeze %dma_wait3A_144 : memref<1x128xi32, #tpu.memory_space<vmem>> -> memref<128xi32, #tpu.memory_space<vmem>>
          %dma_wait3A_146 = arith.constant 0 : i32
          %dma_wait3A_147 = arith.constant 0 : i32
          %dma_wait3A_148 = tpu.memref_slice %arg12[%dma_wait3A_146, %dma_wait3A_147] : memref<10240x128xf32, #tpu.memory_space<vmem_shared>> -> memref<10240x128xf32, #tpu.memory_space<vmem_shared>>
          tpu.wait_indirect_dma semaphore(%run_scoped3A_128 : memref<!tpu.dma_semaphore, #tpu.memory_space<semaphore_mem>>) src(%dma_wait3A_142 : memref<128x128xf32, #tpu.memory_space<vmem>>) dst(%dma_wait3A_148 : memref<10240x128xf32, #tpu.memory_space<vmem_shared>>)
          tpu.yield
        }) : () -> ()
        %lt3A_122 = arith.constant 19 : i32
        %lt3A_123 = arith.cmpi slt, %scan3A_85, %lt3A_122 : i32
        %convert_element_type3A_124 = arith.extui %lt3A_123 : i1 to i32
        %cond3A_125 = arith.constant 0 : i32
        %cond3A_126 = arith.cmpi ne, %convert_element_type3A_124, %cond3A_125 : i32
        scf.if %cond3A_126 {
          %add3A_128 = arith.constant 2 : i32
          %add3A_129 = arith.addi %add3A_109, %add3A_128 : i32
          %dma_start3A_130 = arith.constant 1 : i32
          %dma_start3A_131 = arith.constant 0 : i32
          %dma_start3A_132 = arith.constant 0 : i32
          %dma_start3A_133 = tpu.memref_slice %arg9[%dma_start3A_130, %dma_start3A_131, %dma_start3A_132] : memref<2x128x128xf32, #tpu.memory_space<vmem>> -> memref<1x128x128xf32, #tpu.memory_space<vmem>>
          %dma_start3A_134 = tpu.memref_squeeze %dma_start3A_133 : memref<1x128x128xf32, #tpu.memory_space<vmem>> -> memref<128x128xf32, #tpu.memory_space<vmem>>
          %dma_start3A_135 = arith.constant 0 : i32
          %dma_start3A_136 = tpu.memref_slice %arg7[%add3A_129, %dma_start3A_135] : memref<40x128xi32, #tpu.memory_space<vmem>> -> memref<1x128xi32, #tpu.memory_space<vmem>>
          %dma_start3A_137 = tpu.memref_squeeze %dma_start3A_136 : memref<1x128xi32, #tpu.memory_space<vmem>> -> memref<128xi32, #tpu.memory_space<vmem>>
          %dma_start3A_138 = arith.constant 0 : i32
          %dma_start3A_139 = arith.constant 0 : i32
          %dma_start3A_140 = tpu.memref_slice %arg2[%dma_start3A_138, %dma_start3A_139] : memref<10240x128xf32, #tpu.memory_space<hbm>> -> memref<10240x128xf32, #tpu.memory_space<hbm>>
          tpu.enqueue_indirect_dma source(%dma_start3A_140 : memref<10240x128xf32, #tpu.memory_space<hbm>>) target(%dma_start3A_134 : memref<128x128xf32, #tpu.memory_space<vmem>>) offsets(%dma_start3A_137 : memref<128xi32, #tpu.memory_space<vmem>>) semaphore(%arg11 : memref<!tpu.dma_semaphore, #tpu.memory_space<semaphore_mem>>)
        } else {
        }
        %scan3A_127 = arith.constant 0 : i32
        scf.yield %scan3A_127 : i32
      }
      %scan3A_83 = arith.constant 20 : i32
      %scan3A_84 = arith.constant 0 : i32
      scf.yield %scan3A_84 : i32
    }
    %scan3A_40 = arith.constant 2 : i32
    %barrier3A_41 = arith.constant 0 : index
    tpu.barrier barrier_id(%barrier3A_41)
    %eq3A = arith.constant 0 : i32
    %eq3A_42 = arith.cmpi eq, %arg0, %eq3A : i32
    %convert_element_type3A = arith.extui %eq3A_42 : i1 to i32
    %cond3A = arith.constant 0 : i32
    %cond3A_43 = arith.cmpi ne, %convert_element_type3A, %cond3A : i32
    scf.if %cond3A_43 {
      %mul3A_49 = arith.constant 640 : i32
      %mul3A_50 = arith.muli %arg1, %mul3A_49 : i32
      %mul3A_51 = arith.constant 640 : i32
      %mul3A_52 = arith.muli %arg1, %mul3A_51 : i32
      "tpu.region"() ({
        %run_scoped3A_53 = tpu.sem_alloc : memref<!tpu.dma_semaphore, #tpu.memory_space<semaphore_mem>>
        %dma_start3A = arith.constant 0 : i32
        %dma_start3A_54 = tpu.memref_slice %arg5[%mul3A_52, %dma_start3A] : memref<10240x128xf32, #tpu.memory_space<hbm>> -> memref<640x128xf32, #tpu.memory_space<hbm>>
        %dma_start3A_55 = arith.constant 0 : i32
        %dma_start3A_56 = tpu.memref_slice %arg12[%mul3A_50, %dma_start3A_55] : memref<10240x128xf32, #tpu.memory_space<vmem_shared>> -> memref<640x128xf32, #tpu.memory_space<vmem_shared>>
        tpu.enqueue_dma source(%dma_start3A_56 : memref<640x128xf32, #tpu.memory_space<vmem_shared>>) target(%dma_start3A_54 : memref<640x128xf32, #tpu.memory_space<hbm>>) target_semaphore(%run_scoped3A_53 : memref<!tpu.dma_semaphore, #tpu.memory_space<semaphore_mem>>)
        %dma_wait3A = arith.constant 0 : i32
        %dma_wait3A_57 = tpu.memref_slice %arg5[%mul3A_52, %dma_wait3A] : memref<10240x128xf32, #tpu.memory_space<hbm>> -> memref<640x128xf32, #tpu.memory_space<hbm>>
        %dma_wait3A_58 = arith.constant 0 : i32
        %dma_wait3A_59 = tpu.memref_slice %arg12[%mul3A_50, %dma_wait3A_58] : memref<10240x128xf32, #tpu.memory_space<vmem_shared>> -> memref<640x128xf32, #tpu.memory_space<vmem_shared>>
        tpu.wait_dma2 semaphore(%run_scoped3A_53 : memref<!tpu.dma_semaphore, #tpu.memory_space<semaphore_mem>>) src(%dma_wait3A_59 : memref<640x128xf32, #tpu.memory_space<vmem_shared>>) dst(%dma_wait3A_57 : memref<640x128xf32, #tpu.memory_space<hbm>>)
        tpu.yield
      }) : () -> ()
    } else {
    }
    %eq3A_44 = arith.constant 1 : i32
    %eq3A_45 = arith.cmpi eq, %arg0, %eq3A_44 : i32
    %convert_element_type3A_46 = arith.extui %eq3A_45 : i1 to i32
    %cond3A_47 = arith.constant 0 : i32
    %cond3A_48 = arith.cmpi ne, %convert_element_type3A_46, %cond3A_47 : i32
    scf.if %cond3A_48 {
      %mul3A_49 = arith.constant 640 : i32
      %mul3A_50 = arith.muli %arg1, %mul3A_49 : i32
      %mul3A_51 = arith.constant 640 : i32
      %mul3A_52 = arith.muli %arg1, %mul3A_51 : i32
      "tpu.region"() ({
        %run_scoped3A_53 = tpu.sem_alloc : memref<!tpu.dma_semaphore, #tpu.memory_space<semaphore_mem>>
        %dma_start3A = arith.constant 0 : i32
        %dma_start3A_54 = tpu.memref_slice %arg6[%mul3A_52, %dma_start3A] : memref<10240x128xf32, #tpu.memory_space<hbm>> -> memref<640x128xf32, #tpu.memory_space<hbm>>
        %dma_start3A_55 = arith.constant 0 : i32
        %dma_start3A_56 = tpu.memref_slice %arg12[%mul3A_50, %dma_start3A_55] : memref<10240x128xf32, #tpu.memory_space<vmem_shared>> -> memref<640x128xf32, #tpu.memory_space<vmem_shared>>
        tpu.enqueue_dma source(%dma_start3A_56 : memref<640x128xf32, #tpu.memory_space<vmem_shared>>) target(%dma_start3A_54 : memref<640x128xf32, #tpu.memory_space<hbm>>) target_semaphore(%run_scoped3A_53 : memref<!tpu.dma_semaphore, #tpu.memory_space<semaphore_mem>>)
        %dma_wait3A = arith.constant 0 : i32
        %dma_wait3A_57 = tpu.memref_slice %arg6[%mul3A_52, %dma_wait3A] : memref<10240x128xf32, #tpu.memory_space<hbm>> -> memref<640x128xf32, #tpu.memory_space<hbm>>
        %dma_wait3A_58 = arith.constant 0 : i32
        %dma_wait3A_59 = tpu.memref_slice %arg12[%mul3A_50, %dma_wait3A_58] : memref<10240x128xf32, #tpu.memory_space<vmem_shared>> -> memref<640x128xf32, #tpu.memory_space<vmem_shared>>
        tpu.wait_dma2 semaphore(%run_scoped3A_53 : memref<!tpu.dma_semaphore, #tpu.memory_space<semaphore_mem>>) src(%dma_wait3A_59 : memref<640x128xf32, #tpu.memory_space<vmem_shared>>) dst(%dma_wait3A_57 : memref<640x128xf32, #tpu.memory_space<hbm>>)
        tpu.yield
      }) : () -> ()
    } else {
    }
    return
  }
}

#map = affine_map<(d0, d1) -> (0, 0)>
module attributes {stable_mosaic.version = 14 : i64} {
  func.func @_sc_edge(%arg0: i32, %arg1: i32, %arg2: memref<10240x128xf32, #tpu.memory_space<hbm>>, %arg3: memref<2560x128xi32, #tpu.memory_space<hbm>>, %arg4: memref<2560x128xi32, #tpu.memory_space<hbm>>, %arg5: memref<10240x128xf32, #tpu.memory_space<hbm>>, %arg6: memref<10240x128xf32, #tpu.memory_space<hbm>>, %arg7: memref<40x128xi32, #tpu.memory_space<vmem>>, %arg8: memref<40x128xi32, #tpu.memory_space<vmem>>, %arg9: memref<2x128x128xf32, #tpu.memory_space<vmem>>, %arg10: memref<!tpu.dma_semaphore, #tpu.memory_space<semaphore_mem>>, %arg11: memref<!tpu.dma_semaphore, #tpu.memory_space<semaphore_mem>>, %arg12: memref<10240x128xf32, #tpu.memory_space<vmem_shared>>) attributes {dimension_semantics = [#tpu.dimension_semantics<core_parallel>, #tpu.dimension_semantics<subcore_parallel>], iteration_bounds = array<i64: 2, 16>, scalar_prefetch = 0 : i64, scratch_operands = 6 : i64, tpu.core_type = #tpu.core_type<sc_vector_subcore>, window_params = [{transform_indices = #map}, {transform_indices = #map}, {transform_indices = #map}, {transform_indices = #map}, {transform_indices = #map}]} {
    %broadcast_in_dim3A = arith.constant 0.000000e+00 : f32
    %broadcast_in_dim3A_0 = vector.broadcast %broadcast_in_dim3A : f32 to vector<16xf32>
    %scan3A = arith.constant 0 : i32
    %scan3A_1 = arith.constant 0 : i32
    %scan3A_2 = arith.constant 128 : i32
    %scan3A_3 = arith.addi %scan3A_1, %scan3A_2 : i32
    %scan3A_4 = arith.constant 1 : i32
    %scan3A_5 = scf.for %scan3A_49 = %scan3A_1 to %scan3A_3 step %scan3A_4 iter_args(%scan3A_50 = %scan3A) -> (i32)  : i32 {
      %swap3A = arith.constant 0 : i32
      %swap3A_51 = arith.index_cast %swap3A : i32 to index
      %swap3A_52 = arith.index_cast %scan3A_49 : i32 to index
      %swap3A_53 = arith.constant 0 : index
      %swap3A_54 = tpu.vector_load %arg9[%swap3A_51, %swap3A_52, %swap3A_53] {strides = array<i32>} : memref<2x128x128xf32, #tpu.memory_space<vmem>>, vector<1x1x16xf32>,
      %swap3A_55 = vector.shape_cast %swap3A_54 : vector<1x1x16xf32> to vector<16xf32>
      %swap3A_56 = vector.shape_cast %broadcast_in_dim3A_0 : vector<16xf32> to vector<1x1x16xf32>
      tpu.vector_store %arg9[%swap3A_51, %swap3A_52, %swap3A_53], %swap3A_56 {strides = array<i32>} : memref<2x128x128xf32, #tpu.memory_space<vmem>>, vector<1x1x16xf32>,
      %swap3A_57 = arith.constant 0 : i32
      %swap3A_58 = arith.index_cast %swap3A_57 : i32 to index
      %swap3A_59 = arith.index_cast %scan3A_49 : i32 to index
      %swap3A_60 = arith.constant 16 : index
      %swap3A_61 = tpu.vector_load %arg9[%swap3A_58, %swap3A_59, %swap3A_60] {strides = array<i32>} : memref<2x128x128xf32, #tpu.memory_space<vmem>>, vector<1x1x16xf32>,
      %swap3A_62 = vector.shape_cast %swap3A_61 : vector<1x1x16xf32> to vector<16xf32>
      %swap3A_63 = vector.shape_cast %broadcast_in_dim3A_0 : vector<16xf32> to vector<1x1x16xf32>
      tpu.vector_store %arg9[%swap3A_58, %swap3A_59, %swap3A_60], %swap3A_63 {strides = array<i32>} : memref<2x128x128xf32, #tpu.memory_space<vmem>>, vector<1x1x16xf32>,
      %swap3A_64 = arith.constant 0 : i32
      %swap3A_65 = arith.index_cast %swap3A_64 : i32 to index
      %swap3A_66 = arith.index_cast %scan3A_49 : i32 to index
      %swap3A_67 = arith.constant 32 : index
      %swap3A_68 = tpu.vector_load %arg9[%swap3A_65, %swap3A_66, %swap3A_67] {strides = array<i32>} : memref<2x128x128xf32, #tpu.memory_space<vmem>>, vector<1x1x16xf32>,
      %swap3A_69 = vector.shape_cast %swap3A_68 : vector<1x1x16xf32> to vector<16xf32>
      %swap3A_70 = vector.shape_cast %broadcast_in_dim3A_0 : vector<16xf32> to vector<1x1x16xf32>
      tpu.vector_store %arg9[%swap3A_65, %swap3A_66, %swap3A_67], %swap3A_70 {strides = array<i32>} : memref<2x128x128xf32, #tpu.memory_space<vmem>>, vector<1x1x16xf32>,
      %swap3A_71 = arith.constant 0 : i32
      %swap3A_72 = arith.index_cast %swap3A_71 : i32 to index
      %swap3A_73 = arith.index_cast %scan3A_49 : i32 to index
      %swap3A_74 = arith.constant 48 : index
      %swap3A_75 = tpu.vector_load %arg9[%swap3A_72, %swap3A_73, %swap3A_74] {strides = array<i32>} : memref<2x128x128xf32, #tpu.memory_space<vmem>>, vector<1x1x16xf32>,
      %swap3A_76 = vector.shape_cast %swap3A_75 : vector<1x1x16xf32> to vector<16xf32>
      %swap3A_77 = vector.shape_cast %broadcast_in_dim3A_0 : vector<16xf32> to vector<1x1x16xf32>
      tpu.vector_store %arg9[%swap3A_72, %swap3A_73, %swap3A_74], %swap3A_77 {strides = array<i32>} : memref<2x128x128xf32, #tpu.memory_space<vmem>>, vector<1x1x16xf32>,
      %swap3A_78 = arith.constant 0 : i32
      %swap3A_79 = arith.index_cast %swap3A_78 : i32 to index
      %swap3A_80 = arith.index_cast %scan3A_49 : i32 to index
      %swap3A_81 = arith.constant 64 : index
      %swap3A_82 = tpu.vector_load %arg9[%swap3A_79, %swap3A_80, %swap3A_81] {strides = array<i32>} : memref<2x128x128xf32, #tpu.memory_space<vmem>>, vector<1x1x16xf32>,
      %swap3A_83 = vector.shape_cast %swap3A_82 : vector<1x1x16xf32> to vector<16xf32>
      %swap3A_84 = vector.shape_cast %broadcast_in_dim3A_0 : vector<16xf32> to vector<1x1x16xf32>
      tpu.vector_store %arg9[%swap3A_79, %swap3A_80, %swap3A_81], %swap3A_84 {strides = array<i32>} : memref<2x128x128xf32, #tpu.memory_space<vmem>>, vector<1x1x16xf32>,
      %swap3A_85 = arith.constant 0 : i32
      %swap3A_86 = arith.index_cast %swap3A_85 : i32 to index
      %swap3A_87 = arith.index_cast %scan3A_49 : i32 to index
      %swap3A_88 = arith.constant 80 : index
      %swap3A_89 = tpu.vector_load %arg9[%swap3A_86, %swap3A_87, %swap3A_88] {strides = array<i32>} : memref<2x128x128xf32, #tpu.memory_space<vmem>>, vector<1x1x16xf32>,
      %swap3A_90 = vector.shape_cast %swap3A_89 : vector<1x1x16xf32> to vector<16xf32>
      %swap3A_91 = vector.shape_cast %broadcast_in_dim3A_0 : vector<16xf32> to vector<1x1x16xf32>
      tpu.vector_store %arg9[%swap3A_86, %swap3A_87, %swap3A_88], %swap3A_91 {strides = array<i32>} : memref<2x128x128xf32, #tpu.memory_space<vmem>>, vector<1x1x16xf32>,
      %swap3A_92 = arith.constant 0 : i32
      %swap3A_93 = arith.index_cast %swap3A_92 : i32 to index
      %swap3A_94 = arith.index_cast %scan3A_49 : i32 to index
      %swap3A_95 = arith.constant 96 : index
      %swap3A_96 = tpu.vector_load %arg9[%swap3A_93, %swap3A_94, %swap3A_95] {strides = array<i32>} : memref<2x128x128xf32, #tpu.memory_space<vmem>>, vector<1x1x16xf32>,
      %swap3A_97 = vector.shape_cast %swap3A_96 : vector<1x1x16xf32> to vector<16xf32>
      %swap3A_98 = vector.shape_cast %broadcast_in_dim3A_0 : vector<16xf32> to vector<1x1x16xf32>
      tpu.vector_store %arg9[%swap3A_93, %swap3A_94, %swap3A_95], %swap3A_98 {strides = array<i32>} : memref<2x128x128xf32, #tpu.memory_space<vmem>>, vector<1x1x16xf32>,
      %swap3A_99 = arith.constant 0 : i32
      %swap3A_100 = arith.index_cast %swap3A_99 : i32 to index
      %swap3A_101 = arith.index_cast %scan3A_49 : i32 to index
      %swap3A_102 = arith.constant 112 : index
      %swap3A_103 = tpu.vector_load %arg9[%swap3A_100, %swap3A_101, %swap3A_102] {strides = array<i32>} : memref<2x128x128xf32, #tpu.memory_space<vmem>>, vector<1x1x16xf32>,
      %swap3A_104 = vector.shape_cast %swap3A_103 : vector<1x1x16xf32> to vector<16xf32>
      %swap3A_105 = vector.shape_cast %broadcast_in_dim3A_0 : vector<16xf32> to vector<1x1x16xf32>
      tpu.vector_store %arg9[%swap3A_100, %swap3A_101, %swap3A_102], %swap3A_105 {strides = array<i32>} : memref<2x128x128xf32, #tpu.memory_space<vmem>>, vector<1x1x16xf32>,
      %scan3A_106 = arith.constant 0 : i32
      scf.yield %scan3A_106 : i32
    }
    %scan3A_6 = arith.constant 128 : i32
    %mul3A = arith.constant 640 : i32
    %mul3A_7 = arith.muli %arg1, %mul3A : i32
    %add3A = arith.constant 0 : i32
    %add3A_8 = arith.addi %mul3A_7, %add3A : i32
    %run_scoped3A = arith.constant 0 : i32
    "tpu.region"() ({
      %run_scoped3A_49 = tpu.sem_alloc : memref<!tpu.dma_semaphore, #tpu.memory_space<semaphore_mem>>
      %dma_start3A = arith.constant 0 : i32
      %dma_start3A_50 = arith.constant 0 : i32
      %dma_start3A_51 = tpu.memref_slice %arg9[%run_scoped3A, %dma_start3A, %dma_start3A_50] : memref<2x128x128xf32, #tpu.memory_space<vmem>> -> memref<1x128x128xf32, #tpu.memory_space<vmem>>
      %dma_start3A_52 = tpu.memref_squeeze %dma_start3A_51 : memref<1x128x128xf32, #tpu.memory_space<vmem>> -> memref<128x128xf32, #tpu.memory_space<vmem>>
      %dma_start3A_53 = arith.constant 0 : i32
      %dma_start3A_54 = tpu.memref_slice %arg12[%add3A_8, %dma_start3A_53] : memref<10240x128xf32, #tpu.memory_space<vmem_shared>> -> memref<128x128xf32, #tpu.memory_space<vmem_shared>>
      %dma_start3A_55 = arith.constant 0 : i32
      %dma_start3A_56 = tpu.memref_slice %arg12[%add3A_8, %dma_start3A_55] : memref<10240x128xf32, #tpu.memory_space<vmem_shared>> -> memref<128x128xf32, #tpu.memory_space<vmem_shared>>
      %dma_start3A_57 = arith.constant 0 : i32
      %dma_start3A_58 = arith.constant 0 : i32
      %dma_start3A_59 = tpu.memref_slice %arg9[%run_scoped3A, %dma_start3A_57, %dma_start3A_58] : memref<2x128x128xf32, #tpu.memory_space<vmem>> -> memref<1x128x128xf32, #tpu.memory_space<vmem>>
      %dma_start3A_60 = tpu.memref_squeeze %dma_start3A_59 : memref<1x128x128xf32, #tpu.memory_space<vmem>> -> memref<128x128xf32, #tpu.memory_space<vmem>>
      tpu.enqueue_dma source(%dma_start3A_60 : memref<128x128xf32, #tpu.memory_space<vmem>>) target(%dma_start3A_56 : memref<128x128xf32, #tpu.memory_space<vmem_shared>>) target_semaphore(%run_scoped3A_49 : memref<!tpu.dma_semaphore, #tpu.memory_space<semaphore_mem>>)
      %dma_wait3A = arith.constant 0 : i32
      %dma_wait3A_61 = arith.constant 0 : i32
      %dma_wait3A_62 = tpu.memref_slice %arg9[%run_scoped3A, %dma_wait3A, %dma_wait3A_61] : memref<2x128x128xf32, #tpu.memory_space<vmem>> -> memref<1x128x128xf32, #tpu.memory_space<vmem>>
      %dma_wait3A_63 = tpu.memref_squeeze %dma_wait3A_62 : memref<1x128x128xf32, #tpu.memory_space<vmem>> -> memref<128x128xf32, #tpu.memory_space<vmem>>
      %dma_wait3A_64 = arith.constant 0 : i32
      %dma_wait3A_65 = tpu.memref_slice %arg12[%add3A_8, %dma_wait3A_64] : memref<10240x128xf32, #tpu.memory_space<vmem_shared>> -> memref<128x128xf32, #tpu.memory_space<vmem_shared>>
      %dma_wait3A_66 = arith.constant 0 : i32
      %dma_wait3A_67 = tpu.memref_slice %arg12[%add3A_8, %dma_wait3A_66] : memref<10240x128xf32, #tpu.memory_space<vmem_shared>> -> memref<128x128xf32, #tpu.memory_space<vmem_shared>>
      %dma_wait3A_68 = arith.constant 0 : i32
      %dma_wait3A_69 = arith.constant 0 : i32
      %dma_wait3A_70 = tpu.memref_slice %arg9[%run_scoped3A, %dma_wait3A_68, %dma_wait3A_69] : memref<2x128x128xf32, #tpu.memory_space<vmem>> -> memref<1x128x128xf32, #tpu.memory_space<vmem>>
      %dma_wait3A_71 = tpu.memref_squeeze %dma_wait3A_70 : memref<1x128x128xf32, #tpu.memory_space<vmem>> -> memref<128x128xf32, #tpu.memory_space<vmem>>
      tpu.wait_dma2 semaphore(%run_scoped3A_49 : memref<!tpu.dma_semaphore, #tpu.memory_space<semaphore_mem>>) src(%dma_wait3A_71 : memref<128x128xf32, #tpu.memory_space<vmem>>) dst(%dma_wait3A_67 : memref<128x128xf32, #tpu.memory_space<vmem_shared>>)
      tpu.yield
    }) : () -> ()
    %mul3A_9 = arith.constant 640 : i32
    %mul3A_10 = arith.muli %arg1, %mul3A_9 : i32
    %add3A_11 = arith.constant 128 : i32
    %add3A_12 = arith.addi %mul3A_10, %add3A_11 : i32
    %run_scoped3A_13 = arith.constant 0 : i32
    "tpu.region"() ({
      %run_scoped3A_49 = tpu.sem_alloc : memref<!tpu.dma_semaphore, #tpu.memory_space<semaphore_mem>>
      %dma_start3A = arith.constant 0 : i32
      %dma_start3A_50 = arith.constant 0 : i32
      %dma_start3A_51 = tpu.memref_slice %arg9[%run_scoped3A_13, %dma_start3A, %dma_start3A_50] : memref<2x128x128xf32, #tpu.memory_space<vmem>> -> memref<1x128x128xf32, #tpu.memory_space<vmem>>
      %dma_start3A_52 = tpu.memref_squeeze %dma_start3A_51 : memref<1x128x128xf32, #tpu.memory_space<vmem>> -> memref<128x128xf32, #tpu.memory_space<vmem>>
      %dma_start3A_53 = arith.constant 0 : i32
      %dma_start3A_54 = tpu.memref_slice %arg12[%add3A_12, %dma_start3A_53] : memref<10240x128xf32, #tpu.memory_space<vmem_shared>> -> memref<128x128xf32, #tpu.memory_space<vmem_shared>>
      %dma_start3A_55 = arith.constant 0 : i32
      %dma_start3A_56 = tpu.memref_slice %arg12[%add3A_12, %dma_start3A_55] : memref<10240x128xf32, #tpu.memory_space<vmem_shared>> -> memref<128x128xf32, #tpu.memory_space<vmem_shared>>
      %dma_start3A_57 = arith.constant 0 : i32
      %dma_start3A_58 = arith.constant 0 : i32
      %dma_start3A_59 = tpu.memref_slice %arg9[%run_scoped3A_13, %dma_start3A_57, %dma_start3A_58] : memref<2x128x128xf32, #tpu.memory_space<vmem>> -> memref<1x128x128xf32, #tpu.memory_space<vmem>>
      %dma_start3A_60 = tpu.memref_squeeze %dma_start3A_59 : memref<1x128x128xf32, #tpu.memory_space<vmem>> -> memref<128x128xf32, #tpu.memory_space<vmem>>
      tpu.enqueue_dma source(%dma_start3A_60 : memref<128x128xf32, #tpu.memory_space<vmem>>) target(%dma_start3A_56 : memref<128x128xf32, #tpu.memory_space<vmem_shared>>) target_semaphore(%run_scoped3A_49 : memref<!tpu.dma_semaphore, #tpu.memory_space<semaphore_mem>>)
      %dma_wait3A = arith.constant 0 : i32
      %dma_wait3A_61 = arith.constant 0 : i32
      %dma_wait3A_62 = tpu.memref_slice %arg9[%run_scoped3A_13, %dma_wait3A, %dma_wait3A_61] : memref<2x128x128xf32, #tpu.memory_space<vmem>> -> memref<1x128x128xf32, #tpu.memory_space<vmem>>
      %dma_wait3A_63 = tpu.memref_squeeze %dma_wait3A_62 : memref<1x128x128xf32, #tpu.memory_space<vmem>> -> memref<128x128xf32, #tpu.memory_space<vmem>>
      %dma_wait3A_64 = arith.constant 0 : i32
      %dma_wait3A_65 = tpu.memref_slice %arg12[%add3A_12, %dma_wait3A_64] : memref<10240x128xf32, #tpu.memory_space<vmem_shared>> -> memref<128x128xf32, #tpu.memory_space<vmem_shared>>
      %dma_wait3A_66 = arith.constant 0 : i32
      %dma_wait3A_67 = tpu.memref_slice %arg12[%add3A_12, %dma_wait3A_66] : memref<10240x128xf32, #tpu.memory_space<vmem_shared>> -> memref<128x128xf32, #tpu.memory_space<vmem_shared>>
      %dma_wait3A_68 = arith.constant 0 : i32
      %dma_wait3A_69 = arith.constant 0 : i32
      %dma_wait3A_70 = tpu.memref_slice %arg9[%run_scoped3A_13, %dma_wait3A_68, %dma_wait3A_69] : memref<2x128x128xf32, #tpu.memory_space<vmem>> -> memref<1x128x128xf32, #tpu.memory_space<vmem>>
      %dma_wait3A_71 = tpu.memref_squeeze %dma_wait3A_70 : memref<1x128x128xf32, #tpu.memory_space<vmem>> -> memref<128x128xf32, #tpu.memory_space<vmem>>
      tpu.wait_dma2 semaphore(%run_scoped3A_49 : memref<!tpu.dma_semaphore, #tpu.memory_space<semaphore_mem>>) src(%dma_wait3A_71 : memref<128x128xf32, #tpu.memory_space<vmem>>) dst(%dma_wait3A_67 : memref<128x128xf32, #tpu.memory_space<vmem_shared>>)
      tpu.yield
    }) : () -> ()
    %mul3A_14 = arith.constant 640 : i32
    %mul3A_15 = arith.muli %arg1, %mul3A_14 : i32
    %add3A_16 = arith.constant 256 : i32
    %add3A_17 = arith.addi %mul3A_15, %add3A_16 : i32
    %run_scoped3A_18 = arith.constant 0 : i32
    "tpu.region"() ({
      %run_scoped3A_49 = tpu.sem_alloc : memref<!tpu.dma_semaphore, #tpu.memory_space<semaphore_mem>>
      %dma_start3A = arith.constant 0 : i32
      %dma_start3A_50 = arith.constant 0 : i32
      %dma_start3A_51 = tpu.memref_slice %arg9[%run_scoped3A_18, %dma_start3A, %dma_start3A_50] : memref<2x128x128xf32, #tpu.memory_space<vmem>> -> memref<1x128x128xf32, #tpu.memory_space<vmem>>
      %dma_start3A_52 = tpu.memref_squeeze %dma_start3A_51 : memref<1x128x128xf32, #tpu.memory_space<vmem>> -> memref<128x128xf32, #tpu.memory_space<vmem>>
      %dma_start3A_53 = arith.constant 0 : i32
      %dma_start3A_54 = tpu.memref_slice %arg12[%add3A_17, %dma_start3A_53] : memref<10240x128xf32, #tpu.memory_space<vmem_shared>> -> memref<128x128xf32, #tpu.memory_space<vmem_shared>>
      %dma_start3A_55 = arith.constant 0 : i32
      %dma_start3A_56 = tpu.memref_slice %arg12[%add3A_17, %dma_start3A_55] : memref<10240x128xf32, #tpu.memory_space<vmem_shared>> -> memref<128x128xf32, #tpu.memory_space<vmem_shared>>
      %dma_start3A_57 = arith.constant 0 : i32
      %dma_start3A_58 = arith.constant 0 : i32
      %dma_start3A_59 = tpu.memref_slice %arg9[%run_scoped3A_18, %dma_start3A_57, %dma_start3A_58] : memref<2x128x128xf32, #tpu.memory_space<vmem>> -> memref<1x128x128xf32, #tpu.memory_space<vmem>>
      %dma_start3A_60 = tpu.memref_squeeze %dma_start3A_59 : memref<1x128x128xf32, #tpu.memory_space<vmem>> -> memref<128x128xf32, #tpu.memory_space<vmem>>
      tpu.enqueue_dma source(%dma_start3A_60 : memref<128x128xf32, #tpu.memory_space<vmem>>) target(%dma_start3A_56 : memref<128x128xf32, #tpu.memory_space<vmem_shared>>) target_semaphore(%run_scoped3A_49 : memref<!tpu.dma_semaphore, #tpu.memory_space<semaphore_mem>>)
      %dma_wait3A = arith.constant 0 : i32
      %dma_wait3A_61 = arith.constant 0 : i32
      %dma_wait3A_62 = tpu.memref_slice %arg9[%run_scoped3A_18, %dma_wait3A, %dma_wait3A_61] : memref<2x128x128xf32, #tpu.memory_space<vmem>> -> memref<1x128x128xf32, #tpu.memory_space<vmem>>
      %dma_wait3A_63 = tpu.memref_squeeze %dma_wait3A_62 : memref<1x128x128xf32, #tpu.memory_space<vmem>> -> memref<128x128xf32, #tpu.memory_space<vmem>>
      %dma_wait3A_64 = arith.constant 0 : i32
      %dma_wait3A_65 = tpu.memref_slice %arg12[%add3A_17, %dma_wait3A_64] : memref<10240x128xf32, #tpu.memory_space<vmem_shared>> -> memref<128x128xf32, #tpu.memory_space<vmem_shared>>
      %dma_wait3A_66 = arith.constant 0 : i32
      %dma_wait3A_67 = tpu.memref_slice %arg12[%add3A_17, %dma_wait3A_66] : memref<10240x128xf32, #tpu.memory_space<vmem_shared>> -> memref<128x128xf32, #tpu.memory_space<vmem_shared>>
      %dma_wait3A_68 = arith.constant 0 : i32
      %dma_wait3A_69 = arith.constant 0 : i32
      %dma_wait3A_70 = tpu.memref_slice %arg9[%run_scoped3A_18, %dma_wait3A_68, %dma_wait3A_69] : memref<2x128x128xf32, #tpu.memory_space<vmem>> -> memref<1x128x128xf32, #tpu.memory_space<vmem>>
      %dma_wait3A_71 = tpu.memref_squeeze %dma_wait3A_70 : memref<1x128x128xf32, #tpu.memory_space<vmem>> -> memref<128x128xf32, #tpu.memory_space<vmem>>
      tpu.wait_dma2 semaphore(%run_scoped3A_49 : memref<!tpu.dma_semaphore, #tpu.memory_space<semaphore_mem>>) src(%dma_wait3A_71 : memref<128x128xf32, #tpu.memory_space<vmem>>) dst(%dma_wait3A_67 : memref<128x128xf32, #tpu.memory_space<vmem_shared>>)
      tpu.yield
    }) : () -> ()
    %mul3A_19 = arith.constant 640 : i32
    %mul3A_20 = arith.muli %arg1, %mul3A_19 : i32
    %add3A_21 = arith.constant 384 : i32
    %add3A_22 = arith.addi %mul3A_20, %add3A_21 : i32
    %run_scoped3A_23 = arith.constant 0 : i32
    "tpu.region"() ({
      %run_scoped3A_49 = tpu.sem_alloc : memref<!tpu.dma_semaphore, #tpu.memory_space<semaphore_mem>>
      %dma_start3A = arith.constant 0 : i32
      %dma_start3A_50 = arith.constant 0 : i32
      %dma_start3A_51 = tpu.memref_slice %arg9[%run_scoped3A_23, %dma_start3A, %dma_start3A_50] : memref<2x128x128xf32, #tpu.memory_space<vmem>> -> memref<1x128x128xf32, #tpu.memory_space<vmem>>
      %dma_start3A_52 = tpu.memref_squeeze %dma_start3A_51 : memref<1x128x128xf32, #tpu.memory_space<vmem>> -> memref<128x128xf32, #tpu.memory_space<vmem>>
      %dma_start3A_53 = arith.constant 0 : i32
      %dma_start3A_54 = tpu.memref_slice %arg12[%add3A_22, %dma_start3A_53] : memref<10240x128xf32, #tpu.memory_space<vmem_shared>> -> memref<128x128xf32, #tpu.memory_space<vmem_shared>>
      %dma_start3A_55 = arith.constant 0 : i32
      %dma_start3A_56 = tpu.memref_slice %arg12[%add3A_22, %dma_start3A_55] : memref<10240x128xf32, #tpu.memory_space<vmem_shared>> -> memref<128x128xf32, #tpu.memory_space<vmem_shared>>
      %dma_start3A_57 = arith.constant 0 : i32
      %dma_start3A_58 = arith.constant 0 : i32
      %dma_start3A_59 = tpu.memref_slice %arg9[%run_scoped3A_23, %dma_start3A_57, %dma_start3A_58] : memref<2x128x128xf32, #tpu.memory_space<vmem>> -> memref<1x128x128xf32, #tpu.memory_space<vmem>>
      %dma_start3A_60 = tpu.memref_squeeze %dma_start3A_59 : memref<1x128x128xf32, #tpu.memory_space<vmem>> -> memref<128x128xf32, #tpu.memory_space<vmem>>
      tpu.enqueue_dma source(%dma_start3A_60 : memref<128x128xf32, #tpu.memory_space<vmem>>) target(%dma_start3A_56 : memref<128x128xf32, #tpu.memory_space<vmem_shared>>) target_semaphore(%run_scoped3A_49 : memref<!tpu.dma_semaphore, #tpu.memory_space<semaphore_mem>>)
      %dma_wait3A = arith.constant 0 : i32
      %dma_wait3A_61 = arith.constant 0 : i32
      %dma_wait3A_62 = tpu.memref_slice %arg9[%run_scoped3A_23, %dma_wait3A, %dma_wait3A_61] : memref<2x128x128xf32, #tpu.memory_space<vmem>> -> memref<1x128x128xf32, #tpu.memory_space<vmem>>
      %dma_wait3A_63 = tpu.memref_squeeze %dma_wait3A_62 : memref<1x128x128xf32, #tpu.memory_space<vmem>> -> memref<128x128xf32, #tpu.memory_space<vmem>>
      %dma_wait3A_64 = arith.constant 0 : i32
      %dma_wait3A_65 = tpu.memref_slice %arg12[%add3A_22, %dma_wait3A_64] : memref<10240x128xf32, #tpu.memory_space<vmem_shared>> -> memref<128x128xf32, #tpu.memory_space<vmem_shared>>
      %dma_wait3A_66 = arith.constant 0 : i32
      %dma_wait3A_67 = tpu.memref_slice %arg12[%add3A_22, %dma_wait3A_66] : memref<10240x128xf32, #tpu.memory_space<vmem_shared>> -> memref<128x128xf32, #tpu.memory_space<vmem_shared>>
      %dma_wait3A_68 = arith.constant 0 : i32
      %dma_wait3A_69 = arith.constant 0 : i32
      %dma_wait3A_70 = tpu.memref_slice %arg9[%run_scoped3A_23, %dma_wait3A_68, %dma_wait3A_69] : memref<2x128x128xf32, #tpu.memory_space<vmem>> -> memref<1x128x128xf32, #tpu.memory_space<vmem>>
      %dma_wait3A_71 = tpu.memref_squeeze %dma_wait3A_70 : memref<1x128x128xf32, #tpu.memory_space<vmem>> -> memref<128x128xf32, #tpu.memory_space<vmem>>
      tpu.wait_dma2 semaphore(%run_scoped3A_49 : memref<!tpu.dma_semaphore, #tpu.memory_space<semaphore_mem>>) src(%dma_wait3A_71 : memref<128x128xf32, #tpu.memory_space<vmem>>) dst(%dma_wait3A_67 : memref<128x128xf32, #tpu.memory_space<vmem_shared>>)
      tpu.yield
    }) : () -> ()
    %mul3A_24 = arith.constant 640 : i32
    %mul3A_25 = arith.muli %arg1, %mul3A_24 : i32
    %add3A_26 = arith.constant 512 : i32
    %add3A_27 = arith.addi %mul3A_25, %add3A_26 : i32
    %run_scoped3A_28 = arith.constant 0 : i32
    "tpu.region"() ({
      %run_scoped3A_49 = tpu.sem_alloc : memref<!tpu.dma_semaphore, #tpu.memory_space<semaphore_mem>>
      %dma_start3A = arith.constant 0 : i32
      %dma_start3A_50 = arith.constant 0 : i32
      %dma_start3A_51 = tpu.memref_slice %arg9[%run_scoped3A_28, %dma_start3A, %dma_start3A_50] : memref<2x128x128xf32, #tpu.memory_space<vmem>> -> memref<1x128x128xf32, #tpu.memory_space<vmem>>
      %dma_start3A_52 = tpu.memref_squeeze %dma_start3A_51 : memref<1x128x128xf32, #tpu.memory_space<vmem>> -> memref<128x128xf32, #tpu.memory_space<vmem>>
      %dma_start3A_53 = arith.constant 0 : i32
      %dma_start3A_54 = tpu.memref_slice %arg12[%add3A_27, %dma_start3A_53] : memref<10240x128xf32, #tpu.memory_space<vmem_shared>> -> memref<128x128xf32, #tpu.memory_space<vmem_shared>>
      %dma_start3A_55 = arith.constant 0 : i32
      %dma_start3A_56 = tpu.memref_slice %arg12[%add3A_27, %dma_start3A_55] : memref<10240x128xf32, #tpu.memory_space<vmem_shared>> -> memref<128x128xf32, #tpu.memory_space<vmem_shared>>
      %dma_start3A_57 = arith.constant 0 : i32
      %dma_start3A_58 = arith.constant 0 : i32
      %dma_start3A_59 = tpu.memref_slice %arg9[%run_scoped3A_28, %dma_start3A_57, %dma_start3A_58] : memref<2x128x128xf32, #tpu.memory_space<vmem>> -> memref<1x128x128xf32, #tpu.memory_space<vmem>>
      %dma_start3A_60 = tpu.memref_squeeze %dma_start3A_59 : memref<1x128x128xf32, #tpu.memory_space<vmem>> -> memref<128x128xf32, #tpu.memory_space<vmem>>
      tpu.enqueue_dma source(%dma_start3A_60 : memref<128x128xf32, #tpu.memory_space<vmem>>) target(%dma_start3A_56 : memref<128x128xf32, #tpu.memory_space<vmem_shared>>) target_semaphore(%run_scoped3A_49 : memref<!tpu.dma_semaphore, #tpu.memory_space<semaphore_mem>>)
      %dma_wait3A = arith.constant 0 : i32
      %dma_wait3A_61 = arith.constant 0 : i32
      %dma_wait3A_62 = tpu.memref_slice %arg9[%run_scoped3A_28, %dma_wait3A, %dma_wait3A_61] : memref<2x128x128xf32, #tpu.memory_space<vmem>> -> memref<1x128x128xf32, #tpu.memory_space<vmem>>
      %dma_wait3A_63 = tpu.memref_squeeze %dma_wait3A_62 : memref<1x128x128xf32, #tpu.memory_space<vmem>> -> memref<128x128xf32, #tpu.memory_space<vmem>>
      %dma_wait3A_64 = arith.constant 0 : i32
      %dma_wait3A_65 = tpu.memref_slice %arg12[%add3A_27, %dma_wait3A_64] : memref<10240x128xf32, #tpu.memory_space<vmem_shared>> -> memref<128x128xf32, #tpu.memory_space<vmem_shared>>
      %dma_wait3A_66 = arith.constant 0 : i32
      %dma_wait3A_67 = tpu.memref_slice %arg12[%add3A_27, %dma_wait3A_66] : memref<10240x128xf32, #tpu.memory_space<vmem_shared>> -> memref<128x128xf32, #tpu.memory_space<vmem_shared>>
      %dma_wait3A_68 = arith.constant 0 : i32
      %dma_wait3A_69 = arith.constant 0 : i32
      %dma_wait3A_70 = tpu.memref_slice %arg9[%run_scoped3A_28, %dma_wait3A_68, %dma_wait3A_69] : memref<2x128x128xf32, #tpu.memory_space<vmem>> -> memref<1x128x128xf32, #tpu.memory_space<vmem>>
      %dma_wait3A_71 = tpu.memref_squeeze %dma_wait3A_70 : memref<1x128x128xf32, #tpu.memory_space<vmem>> -> memref<128x128xf32, #tpu.memory_space<vmem>>
      tpu.wait_dma2 semaphore(%run_scoped3A_49 : memref<!tpu.dma_semaphore, #tpu.memory_space<semaphore_mem>>) src(%dma_wait3A_71 : memref<128x128xf32, #tpu.memory_space<vmem>>) dst(%dma_wait3A_67 : memref<128x128xf32, #tpu.memory_space<vmem_shared>>)
      tpu.yield
    }) : () -> ()
    %barrier3A = arith.constant 0 : index
    tpu.barrier barrier_id(%barrier3A)
    %mul3A_29 = arith.constant 16 : i32
    %mul3A_30 = arith.muli %arg0, %mul3A_29 : i32
    %add3A_31 = arith.addi %mul3A_30, %arg1 : i32
    %mul3A_32 = arith.constant 80 : i32
    %mul3A_33 = arith.muli %add3A_31, %mul3A_32 : i32
    %scan3A_34 = arith.constant 0 : i32
    %scan3A_35 = arith.constant 0 : i32
    %scan3A_36 = arith.constant 2 : i32
    %scan3A_37 = arith.addi %scan3A_35, %scan3A_36 : i32
    %scan3A_38 = arith.constant 1 : i32
    %scan3A_39 = scf.for %scan3A_49 = %scan3A_35 to %scan3A_37 step %scan3A_38 iter_args(%scan3A_50 = %scan3A_34) -> (i32)  : i32 {
      %mul3A_51 = arith.constant 40 : i32
      %mul3A_52 = arith.muli %scan3A_49, %mul3A_51 : i32
      %add3A_53 = arith.addi %mul3A_33, %mul3A_52 : i32
      %multiple_of3A = tpu.assume_multiple %add3A_53, 8 : i32
      "tpu.region"() ({
        %run_scoped3A_85 = tpu.sem_alloc : memref<!tpu.dma_semaphore, #tpu.memory_space<semaphore_mem>>
        %dma_start3A_86 = arith.constant 0 : i32
        %dma_start3A_87 = tpu.memref_slice %arg3[%multiple_of3A, %dma_start3A_86] : memref<2560x128xi32, #tpu.memory_space<hbm>> -> memref<40x128xi32, #tpu.memory_space<hbm>>
        %dma_start3A_88 = arith.constant 0 : i32
        %dma_start3A_89 = tpu.memref_slice %arg3[%multiple_of3A, %dma_start3A_88] : memref<2560x128xi32, #tpu.memory_space<hbm>> -> memref<40x128xi32, #tpu.memory_space<hbm>>
        tpu.enqueue_dma source(%dma_start3A_89 : memref<40x128xi32, #tpu.memory_space<hbm>>) target(%arg7 : memref<40x128xi32, #tpu.memory_space<vmem>>) target_semaphore(%run_scoped3A_85 : memref<!tpu.dma_semaphore, #tpu.memory_space<semaphore_mem>>)
        %dma_wait3A = arith.constant 0 : i32
        %dma_wait3A_90 = tpu.memref_slice %arg3[%multiple_of3A, %dma_wait3A] : memref<2560x128xi32, #tpu.memory_space<hbm>> -> memref<40x128xi32, #tpu.memory_space<hbm>>
        %dma_wait3A_91 = arith.constant 0 : i32
        %dma_wait3A_92 = tpu.memref_slice %arg3[%multiple_of3A, %dma_wait3A_91] : memref<2560x128xi32, #tpu.memory_space<hbm>> -> memref<40x128xi32, #tpu.memory_space<hbm>>
        tpu.wait_dma2 semaphore(%run_scoped3A_85 : memref<!tpu.dma_semaphore, #tpu.memory_space<semaphore_mem>>) src(%dma_wait3A_92 : memref<40x128xi32, #tpu.memory_space<hbm>>) dst(%arg7 : memref<40x128xi32, #tpu.memory_space<vmem>>)
        tpu.yield
      }) : () -> ()
      "tpu.region"() ({
        %run_scoped3A_85 = tpu.sem_alloc : memref<!tpu.dma_semaphore, #tpu.memory_space<semaphore_mem>>
        %dma_start3A_86 = arith.constant 0 : i32
        %dma_start3A_87 = tpu.memref_slice %arg4[%multiple_of3A, %dma_start3A_86] : memref<2560x128xi32, #tpu.memory_space<hbm>> -> memref<40x128xi32, #tpu.memory_space<hbm>>
        %dma_start3A_88 = arith.constant 0 : i32
        %dma_start3A_89 = tpu.memref_slice %arg4[%multiple_of3A, %dma_start3A_88] : memref<2560x128xi32, #tpu.memory_space<hbm>> -> memref<40x128xi32, #tpu.memory_space<hbm>>
        tpu.enqueue_dma source(%dma_start3A_89 : memref<40x128xi32, #tpu.memory_space<hbm>>) target(%arg8 : memref<40x128xi32, #tpu.memory_space<vmem>>) target_semaphore(%run_scoped3A_85 : memref<!tpu.dma_semaphore, #tpu.memory_space<semaphore_mem>>)
        %dma_wait3A = arith.constant 0 : i32
        %dma_wait3A_90 = tpu.memref_slice %arg4[%multiple_of3A, %dma_wait3A] : memref<2560x128xi32, #tpu.memory_space<hbm>> -> memref<40x128xi32, #tpu.memory_space<hbm>>
        %dma_wait3A_91 = arith.constant 0 : i32
        %dma_wait3A_92 = tpu.memref_slice %arg4[%multiple_of3A, %dma_wait3A_91] : memref<2560x128xi32, #tpu.memory_space<hbm>> -> memref<40x128xi32, #tpu.memory_space<hbm>>
        tpu.wait_dma2 semaphore(%run_scoped3A_85 : memref<!tpu.dma_semaphore, #tpu.memory_space<semaphore_mem>>) src(%dma_wait3A_92 : memref<40x128xi32, #tpu.memory_space<hbm>>) dst(%arg8 : memref<40x128xi32, #tpu.memory_space<vmem>>)
        tpu.yield
      }) : () -> ()
      %dma_start3A = arith.constant 0 : i32
      %dma_start3A_54 = arith.constant 0 : i32
      %dma_start3A_55 = arith.constant 0 : i32
      %dma_start3A_56 = arith.constant 0 : i32
      %dma_start3A_57 = tpu.memref_slice %arg9[%dma_start3A_54, %dma_start3A_55, %dma_start3A_56] : memref<2x128x128xf32, #tpu.memory_space<vmem>> -> memref<1x128x128xf32, #tpu.memory_space<vmem>>
      %dma_start3A_58 = tpu.memref_squeeze %dma_start3A_57 : memref<1x128x128xf32, #tpu.memory_space<vmem>> -> memref<128x128xf32, #tpu.memory_space<vmem>>
      %dma_start3A_59 = arith.constant 0 : i32
      %dma_start3A_60 = tpu.memref_slice %arg7[%dma_start3A, %dma_start3A_59] : memref<40x128xi32, #tpu.memory_space<vmem>> -> memref<1x128xi32, #tpu.memory_space<vmem>>
      %dma_start3A_61 = tpu.memref_squeeze %dma_start3A_60 : memref<1x128xi32, #tpu.memory_space<vmem>> -> memref<128xi32, #tpu.memory_space<vmem>>
      %dma_start3A_62 = arith.constant 0 : i32
      %dma_start3A_63 = arith.constant 0 : i32
      %dma_start3A_64 = tpu.memref_slice %arg2[%dma_start3A_62, %dma_start3A_63] : memref<10240x128xf32, #tpu.memory_space<hbm>> -> memref<10240x128xf32, #tpu.memory_space<hbm>>
      tpu.enqueue_indirect_dma source(%dma_start3A_64 : memref<10240x128xf32, #tpu.memory_space<hbm>>) target(%dma_start3A_58 : memref<128x128xf32, #tpu.memory_space<vmem>>) offsets(%dma_start3A_61 : memref<128xi32, #tpu.memory_space<vmem>>) semaphore(%arg10 : memref<!tpu.dma_semaphore, #tpu.memory_space<semaphore_mem>>)
      %dma_start3A_65 = arith.constant 1 : i32
      %dma_start3A_66 = arith.constant 1 : i32
      %dma_start3A_67 = arith.constant 0 : i32
      %dma_start3A_68 = arith.constant 0 : i32
      %dma_start3A_69 = tpu.memref_slice %arg9[%dma_start3A_66, %dma_start3A_67, %dma_start3A_68] : memref<2x128x128xf32, #tpu.memory_space<vmem>> -> memref<1x128x128xf32, #tpu.memory_space<vmem>>
      %dma_start3A_70 = tpu.memref_squeeze %dma_start3A_69 : memref<1x128x128xf32, #tpu.memory_space<vmem>> -> memref<128x128xf32, #tpu.memory_space<vmem>>
      %dma_start3A_71 = arith.constant 0 : i32
      %dma_start3A_72 = tpu.memref_slice %arg7[%dma_start3A_65, %dma_start3A_71] : memref<40x128xi32, #tpu.memory_space<vmem>> -> memref<1x128xi32, #tpu.memory_space<vmem>>
      %dma_start3A_73 = tpu.memref_squeeze %dma_start3A_72 : memref<1x128xi32, #tpu.memory_space<vmem>> -> memref<128xi32, #tpu.memory_space<vmem>>
      %dma_start3A_74 = arith.constant 0 : i32
      %dma_start3A_75 = arith.constant 0 : i32
      %dma_start3A_76 = tpu.memref_slice %arg2[%dma_start3A_74, %dma_start3A_75] : memref<10240x128xf32, #tpu.memory_space<hbm>> -> memref<10240x128xf32, #tpu.memory_space<hbm>>
      tpu.enqueue_indirect_dma source(%dma_start3A_76 : memref<10240x128xf32, #tpu.memory_space<hbm>>) target(%dma_start3A_70 : memref<128x128xf32, #tpu.memory_space<vmem>>) offsets(%dma_start3A_73 : memref<128xi32, #tpu.memory_space<vmem>>) semaphore(%arg11 : memref<!tpu.dma_semaphore, #tpu.memory_space<semaphore_mem>>)
      %scan3A_77 = arith.constant 0 : i32
      %scan3A_78 = arith.constant 0 : i32
      %scan3A_79 = arith.constant 20 : i32
      %scan3A_80 = arith.addi %scan3A_78, %scan3A_79 : i32
      %scan3A_81 = arith.constant 1 : i32
      %scan3A_82 = scf.for %scan3A_85 = %scan3A_78 to %scan3A_80 step %scan3A_81 iter_args(%scan3A_86 = %scan3A_77) -> (i32)  : i32 {
        %mul3A_87 = arith.constant 2 : i32
        %mul3A_88 = arith.muli %scan3A_85, %mul3A_87 : i32
        %add3A_89 = arith.constant 0 : i32
        %add3A_90 = arith.addi %mul3A_88, %add3A_89 : i32
        %dma_wait3A = arith.constant 0 : i32
        %dma_wait3A_91 = arith.constant 0 : i32
        %dma_wait3A_92 = arith.constant 0 : i32
        %dma_wait3A_93 = tpu.memref_slice %arg9[%dma_wait3A, %dma_wait3A_91, %dma_wait3A_92] : memref<2x128x128xf32, #tpu.memory_space<vmem>> -> memref<1x128x128xf32, #tpu.memory_space<vmem>>
        %dma_wait3A_94 = tpu.memref_squeeze %dma_wait3A_93 : memref<1x128x128xf32, #tpu.memory_space<vmem>> -> memref<128x128xf32, #tpu.memory_space<vmem>>
        %dma_wait3A_95 = arith.constant 0 : i32
        %dma_wait3A_96 = tpu.memref_slice %arg7[%add3A_90, %dma_wait3A_95] : memref<40x128xi32, #tpu.memory_space<vmem>> -> memref<1x128xi32, #tpu.memory_space<vmem>>
        %dma_wait3A_97 = tpu.memref_squeeze %dma_wait3A_96 : memref<1x128xi32, #tpu.memory_space<vmem>> -> memref<128xi32, #tpu.memory_space<vmem>>
        %dma_wait3A_98 = arith.constant 0 : i32
        %dma_wait3A_99 = arith.constant 0 : i32
        %dma_wait3A_100 = tpu.memref_slice %arg2[%dma_wait3A_98, %dma_wait3A_99] : memref<10240x128xf32, #tpu.memory_space<hbm>> -> memref<10240x128xf32, #tpu.memory_space<hbm>>
        tpu.wait_indirect_dma semaphore(%arg10 : memref<!tpu.dma_semaphore, #tpu.memory_space<semaphore_mem>>) src(%dma_wait3A_100 : memref<10240x128xf32, #tpu.memory_space<hbm>>) dst(%dma_wait3A_94 : memref<128x128xf32, #tpu.memory_space<vmem>>)
        %run_scoped3A_101 = arith.constant 0 : i32
        "tpu.region"() ({
          %run_scoped3A_128 = tpu.sem_alloc : memref<!tpu.dma_semaphore, #tpu.memory_space<semaphore_mem>>
          %dma_start3A_129 = arith.constant 0 : i32
          %dma_start3A_130 = arith.constant 0 : i32
          %dma_start3A_131 = tpu.memref_slice %arg9[%run_scoped3A_101, %dma_start3A_129, %dma_start3A_130] : memref<2x128x128xf32, #tpu.memory_space<vmem>> -> memref<1x128x128xf32, #tpu.memory_space<vmem>>
          %dma_start3A_132 = tpu.memref_squeeze %dma_start3A_131 : memref<1x128x128xf32, #tpu.memory_space<vmem>> -> memref<128x128xf32, #tpu.memory_space<vmem>>
          %dma_start3A_133 = arith.constant 0 : i32
          %dma_start3A_134 = tpu.memref_slice %arg8[%add3A_90, %dma_start3A_133] : memref<40x128xi32, #tpu.memory_space<vmem>> -> memref<1x128xi32, #tpu.memory_space<vmem>>
          %dma_start3A_135 = tpu.memref_squeeze %dma_start3A_134 : memref<1x128xi32, #tpu.memory_space<vmem>> -> memref<128xi32, #tpu.memory_space<vmem>>
          %dma_start3A_136 = arith.constant 0 : i32
          %dma_start3A_137 = arith.constant 0 : i32
          %dma_start3A_138 = tpu.memref_slice %arg12[%dma_start3A_136, %dma_start3A_137] : memref<10240x128xf32, #tpu.memory_space<vmem_shared>> -> memref<10240x128xf32, #tpu.memory_space<vmem_shared>>
          tpu.enqueue_indirect_dma source(%dma_start3A_132 : memref<128x128xf32, #tpu.memory_space<vmem>>) target(%dma_start3A_138 : memref<10240x128xf32, #tpu.memory_space<vmem_shared>>) offsets(%dma_start3A_135 : memref<128xi32, #tpu.memory_space<vmem>>) semaphore(%run_scoped3A_128 : memref<!tpu.dma_semaphore, #tpu.memory_space<semaphore_mem>>) {add = true}
          %dma_wait3A_139 = arith.constant 0 : i32
          %dma_wait3A_140 = arith.constant 0 : i32
          %dma_wait3A_141 = tpu.memref_slice %arg9[%run_scoped3A_101, %dma_wait3A_139, %dma_wait3A_140] : memref<2x128x128xf32, #tpu.memory_space<vmem>> -> memref<1x128x128xf32, #tpu.memory_space<vmem>>
          %dma_wait3A_142 = tpu.memref_squeeze %dma_wait3A_141 : memref<1x128x128xf32, #tpu.memory_space<vmem>> -> memref<128x128xf32, #tpu.memory_space<vmem>>
          %dma_wait3A_143 = arith.constant 0 : i32
          %dma_wait3A_144 = tpu.memref_slice %arg8[%add3A_90, %dma_wait3A_143] : memref<40x128xi32, #tpu.memory_space<vmem>> -> memref<1x128xi32, #tpu.memory_space<vmem>>
          %dma_wait3A_145 = tpu.memref_squeeze %dma_wait3A_144 : memref<1x128xi32, #tpu.memory_space<vmem>> -> memref<128xi32, #tpu.memory_space<vmem>>
          %dma_wait3A_146 = arith.constant 0 : i32
          %dma_wait3A_147 = arith.constant 0 : i32
          %dma_wait3A_148 = tpu.memref_slice %arg12[%dma_wait3A_146, %dma_wait3A_147] : memref<10240x128xf32, #tpu.memory_space<vmem_shared>> -> memref<10240x128xf32, #tpu.memory_space<vmem_shared>>
          tpu.wait_indirect_dma semaphore(%run_scoped3A_128 : memref<!tpu.dma_semaphore, #tpu.memory_space<semaphore_mem>>) src(%dma_wait3A_142 : memref<128x128xf32, #tpu.memory_space<vmem>>) dst(%dma_wait3A_148 : memref<10240x128xf32, #tpu.memory_space<vmem_shared>>)
          tpu.yield
        }) : () -> ()
        %lt3A = arith.constant 19 : i32
        %lt3A_102 = arith.cmpi slt, %scan3A_85, %lt3A : i32
        %convert_element_type3A_103 = arith.extui %lt3A_102 : i1 to i32
        %cond3A_104 = arith.constant 0 : i32
        %cond3A_105 = arith.cmpi ne, %convert_element_type3A_103, %cond3A_104 : i32
        scf.if %cond3A_105 {
          %add3A_128 = arith.constant 2 : i32
          %add3A_129 = arith.addi %add3A_90, %add3A_128 : i32
          %dma_start3A_130 = arith.constant 0 : i32
          %dma_start3A_131 = arith.constant 0 : i32
          %dma_start3A_132 = arith.constant 0 : i32
          %dma_start3A_133 = tpu.memref_slice %arg9[%dma_start3A_130, %dma_start3A_131, %dma_start3A_132] : memref<2x128x128xf32, #tpu.memory_space<vmem>> -> memref<1x128x128xf32, #tpu.memory_space<vmem>>
          %dma_start3A_134 = tpu.memref_squeeze %dma_start3A_133 : memref<1x128x128xf32, #tpu.memory_space<vmem>> -> memref<128x128xf32, #tpu.memory_space<vmem>>
          %dma_start3A_135 = arith.constant 0 : i32
          %dma_start3A_136 = tpu.memref_slice %arg7[%add3A_129, %dma_start3A_135] : memref<40x128xi32, #tpu.memory_space<vmem>> -> memref<1x128xi32, #tpu.memory_space<vmem>>
          %dma_start3A_137 = tpu.memref_squeeze %dma_start3A_136 : memref<1x128xi32, #tpu.memory_space<vmem>> -> memref<128xi32, #tpu.memory_space<vmem>>
          %dma_start3A_138 = arith.constant 0 : i32
          %dma_start3A_139 = arith.constant 0 : i32
          %dma_start3A_140 = tpu.memref_slice %arg2[%dma_start3A_138, %dma_start3A_139] : memref<10240x128xf32, #tpu.memory_space<hbm>> -> memref<10240x128xf32, #tpu.memory_space<hbm>>
          tpu.enqueue_indirect_dma source(%dma_start3A_140 : memref<10240x128xf32, #tpu.memory_space<hbm>>) target(%dma_start3A_134 : memref<128x128xf32, #tpu.memory_space<vmem>>) offsets(%dma_start3A_137 : memref<128xi32, #tpu.memory_space<vmem>>) semaphore(%arg10 : memref<!tpu.dma_semaphore, #tpu.memory_space<semaphore_mem>>)
        } else {
        }
        %mul3A_106 = arith.constant 2 : i32
        %mul3A_107 = arith.muli %scan3A_85, %mul3A_106 : i32
        %add3A_108 = arith.constant 1 : i32
        %add3A_109 = arith.addi %mul3A_107, %add3A_108 : i32
        %dma_wait3A_110 = arith.constant 1 : i32
        %dma_wait3A_111 = arith.constant 0 : i32
        %dma_wait3A_112 = arith.constant 0 : i32
        %dma_wait3A_113 = tpu.memref_slice %arg9[%dma_wait3A_110, %dma_wait3A_111, %dma_wait3A_112] : memref<2x128x128xf32, #tpu.memory_space<vmem>> -> memref<1x128x128xf32, #tpu.memory_space<vmem>>
        %dma_wait3A_114 = tpu.memref_squeeze %dma_wait3A_113 : memref<1x128x128xf32, #tpu.memory_space<vmem>> -> memref<128x128xf32, #tpu.memory_space<vmem>>
        %dma_wait3A_115 = arith.constant 0 : i32
        %dma_wait3A_116 = tpu.memref_slice %arg7[%add3A_109, %dma_wait3A_115] : memref<40x128xi32, #tpu.memory_space<vmem>> -> memref<1x128xi32, #tpu.memory_space<vmem>>
        %dma_wait3A_117 = tpu.memref_squeeze %dma_wait3A_116 : memref<1x128xi32, #tpu.memory_space<vmem>> -> memref<128xi32, #tpu.memory_space<vmem>>
        %dma_wait3A_118 = arith.constant 0 : i32
        %dma_wait3A_119 = arith.constant 0 : i32
        %dma_wait3A_120 = tpu.memref_slice %arg2[%dma_wait3A_118, %dma_wait3A_119] : memref<10240x128xf32, #tpu.memory_space<hbm>> -> memref<10240x128xf32, #tpu.memory_space<hbm>>
        tpu.wait_indirect_dma semaphore(%arg11 : memref<!tpu.dma_semaphore, #tpu.memory_space<semaphore_mem>>) src(%dma_wait3A_120 : memref<10240x128xf32, #tpu.memory_space<hbm>>) dst(%dma_wait3A_114 : memref<128x128xf32, #tpu.memory_space<vmem>>)
        %run_scoped3A_121 = arith.constant 1 : i32
        "tpu.region"() ({
          %run_scoped3A_128 = tpu.sem_alloc : memref<!tpu.dma_semaphore, #tpu.memory_space<semaphore_mem>>
          %dma_start3A_129 = arith.constant 0 : i32
          %dma_start3A_130 = arith.constant 0 : i32
          %dma_start3A_131 = tpu.memref_slice %arg9[%run_scoped3A_121, %dma_start3A_129, %dma_start3A_130] : memref<2x128x128xf32, #tpu.memory_space<vmem>> -> memref<1x128x128xf32, #tpu.memory_space<vmem>>
          %dma_start3A_132 = tpu.memref_squeeze %dma_start3A_131 : memref<1x128x128xf32, #tpu.memory_space<vmem>> -> memref<128x128xf32, #tpu.memory_space<vmem>>
          %dma_start3A_133 = arith.constant 0 : i32
          %dma_start3A_134 = tpu.memref_slice %arg8[%add3A_109, %dma_start3A_133] : memref<40x128xi32, #tpu.memory_space<vmem>> -> memref<1x128xi32, #tpu.memory_space<vmem>>
          %dma_start3A_135 = tpu.memref_squeeze %dma_start3A_134 : memref<1x128xi32, #tpu.memory_space<vmem>> -> memref<128xi32, #tpu.memory_space<vmem>>
          %dma_start3A_136 = arith.constant 0 : i32
          %dma_start3A_137 = arith.constant 0 : i32
          %dma_start3A_138 = tpu.memref_slice %arg12[%dma_start3A_136, %dma_start3A_137] : memref<10240x128xf32, #tpu.memory_space<vmem_shared>> -> memref<10240x128xf32, #tpu.memory_space<vmem_shared>>
          tpu.enqueue_indirect_dma source(%dma_start3A_132 : memref<128x128xf32, #tpu.memory_space<vmem>>) target(%dma_start3A_138 : memref<10240x128xf32, #tpu.memory_space<vmem_shared>>) offsets(%dma_start3A_135 : memref<128xi32, #tpu.memory_space<vmem>>) semaphore(%run_scoped3A_128 : memref<!tpu.dma_semaphore, #tpu.memory_space<semaphore_mem>>) {add = true}
          %dma_wait3A_139 = arith.constant 0 : i32
          %dma_wait3A_140 = arith.constant 0 : i32
          %dma_wait3A_141 = tpu.memref_slice %arg9[%run_scoped3A_121, %dma_wait3A_139, %dma_wait3A_140] : memref<2x128x128xf32, #tpu.memory_space<vmem>> -> memref<1x128x128xf32, #tpu.memory_space<vmem>>
          %dma_wait3A_142 = tpu.memref_squeeze %dma_wait3A_141 : memref<1x128x128xf32, #tpu.memory_space<vmem>> -> memref<128x128xf32, #tpu.memory_space<vmem>>
          %dma_wait3A_143 = arith.constant 0 : i32
          %dma_wait3A_144 = tpu.memref_slice %arg8[%add3A_109, %dma_wait3A_143] : memref<40x128xi32, #tpu.memory_space<vmem>> -> memref<1x128xi32, #tpu.memory_space<vmem>>
          %dma_wait3A_145 = tpu.memref_squeeze %dma_wait3A_144 : memref<1x128xi32, #tpu.memory_space<vmem>> -> memref<128xi32, #tpu.memory_space<vmem>>
          %dma_wait3A_146 = arith.constant 0 : i32
          %dma_wait3A_147 = arith.constant 0 : i32
          %dma_wait3A_148 = tpu.memref_slice %arg12[%dma_wait3A_146, %dma_wait3A_147] : memref<10240x128xf32, #tpu.memory_space<vmem_shared>> -> memref<10240x128xf32, #tpu.memory_space<vmem_shared>>
          tpu.wait_indirect_dma semaphore(%run_scoped3A_128 : memref<!tpu.dma_semaphore, #tpu.memory_space<semaphore_mem>>) src(%dma_wait3A_142 : memref<128x128xf32, #tpu.memory_space<vmem>>) dst(%dma_wait3A_148 : memref<10240x128xf32, #tpu.memory_space<vmem_shared>>)
          tpu.yield
        }) : () -> ()
        %lt3A_122 = arith.constant 19 : i32
        %lt3A_123 = arith.cmpi slt, %scan3A_85, %lt3A_122 : i32
        %convert_element_type3A_124 = arith.extui %lt3A_123 : i1 to i32
        %cond3A_125 = arith.constant 0 : i32
        %cond3A_126 = arith.cmpi ne, %convert_element_type3A_124, %cond3A_125 : i32
        scf.if %cond3A_126 {
          %add3A_128 = arith.constant 2 : i32
          %add3A_129 = arith.addi %add3A_109, %add3A_128 : i32
          %dma_start3A_130 = arith.constant 1 : i32
          %dma_start3A_131 = arith.constant 0 : i32
          %dma_start3A_132 = arith.constant 0 : i32
          %dma_start3A_133 = tpu.memref_slice %arg9[%dma_start3A_130, %dma_start3A_131, %dma_start3A_132] : memref<2x128x128xf32, #tpu.memory_space<vmem>> -> memref<1x128x128xf32, #tpu.memory_space<vmem>>
          %dma_start3A_134 = tpu.memref_squeeze %dma_start3A_133 : memref<1x128x128xf32, #tpu.memory_space<vmem>> -> memref<128x128xf32, #tpu.memory_space<vmem>>
          %dma_start3A_135 = arith.constant 0 : i32
          %dma_start3A_136 = tpu.memref_slice %arg7[%add3A_129, %dma_start3A_135] : memref<40x128xi32, #tpu.memory_space<vmem>> -> memref<1x128xi32, #tpu.memory_space<vmem>>
          %dma_start3A_137 = tpu.memref_squeeze %dma_start3A_136 : memref<1x128xi32, #tpu.memory_space<vmem>> -> memref<128xi32, #tpu.memory_space<vmem>>
          %dma_start3A_138 = arith.constant 0 : i32
          %dma_start3A_139 = arith.constant 0 : i32
          %dma_start3A_140 = tpu.memref_slice %arg2[%dma_start3A_138, %dma_start3A_139] : memref<10240x128xf32, #tpu.memory_space<hbm>> -> memref<10240x128xf32, #tpu.memory_space<hbm>>
          tpu.enqueue_indirect_dma source(%dma_start3A_140 : memref<10240x128xf32, #tpu.memory_space<hbm>>) target(%dma_start3A_134 : memref<128x128xf32, #tpu.memory_space<vmem>>) offsets(%dma_start3A_137 : memref<128xi32, #tpu.memory_space<vmem>>) semaphore(%arg11 : memref<!tpu.dma_semaphore, #tpu.memory_space<semaphore_mem>>)
        } else {
        }
        %scan3A_127 = arith.constant 0 : i32
        scf.yield %scan3A_127 : i32
      }
      %scan3A_83 = arith.constant 20 : i32
      %scan3A_84 = arith.constant 0 : i32
      scf.yield %scan3A_84 : i32
    }
    %scan3A_40 = arith.constant 2 : i32
    %barrier3A_41 = arith.constant 0 : index
    tpu.barrier barrier_id(%barrier3A_41)
    %eq3A = arith.constant 0 : i32
    %eq3A_42 = arith.cmpi eq, %arg0, %eq3A : i32
    %convert_element_type3A = arith.extui %eq3A_42 : i1 to i32
    %cond3A = arith.constant 0 : i32
    %cond3A_43 = arith.cmpi ne, %convert_element_type3A, %cond3A : i32
    scf.if %cond3A_43 {
      %mul3A_49 = arith.constant 640 : i32
      %mul3A_50 = arith.muli %arg1, %mul3A_49 : i32
      %mul3A_51 = arith.constant 640 : i32
      %mul3A_52 = arith.muli %arg1, %mul3A_51 : i32
      "tpu.region"() ({
        %run_scoped3A_53 = tpu.sem_alloc : memref<!tpu.dma_semaphore, #tpu.memory_space<semaphore_mem>>
        %dma_start3A = arith.constant 0 : i32
        %dma_start3A_54 = tpu.memref_slice %arg5[%mul3A_52, %dma_start3A] : memref<10240x128xf32, #tpu.memory_space<hbm>> -> memref<640x128xf32, #tpu.memory_space<hbm>>
        %dma_start3A_55 = arith.constant 0 : i32
        %dma_start3A_56 = tpu.memref_slice %arg12[%mul3A_50, %dma_start3A_55] : memref<10240x128xf32, #tpu.memory_space<vmem_shared>> -> memref<640x128xf32, #tpu.memory_space<vmem_shared>>
        tpu.enqueue_dma source(%dma_start3A_56 : memref<640x128xf32, #tpu.memory_space<vmem_shared>>) target(%dma_start3A_54 : memref<640x128xf32, #tpu.memory_space<hbm>>) target_semaphore(%run_scoped3A_53 : memref<!tpu.dma_semaphore, #tpu.memory_space<semaphore_mem>>)
        %dma_wait3A = arith.constant 0 : i32
        %dma_wait3A_57 = tpu.memref_slice %arg5[%mul3A_52, %dma_wait3A] : memref<10240x128xf32, #tpu.memory_space<hbm>> -> memref<640x128xf32, #tpu.memory_space<hbm>>
        %dma_wait3A_58 = arith.constant 0 : i32
        %dma_wait3A_59 = tpu.memref_slice %arg12[%mul3A_50, %dma_wait3A_58] : memref<10240x128xf32, #tpu.memory_space<vmem_shared>> -> memref<640x128xf32, #tpu.memory_space<vmem_shared>>
        tpu.wait_dma2 semaphore(%run_scoped3A_53 : memref<!tpu.dma_semaphore, #tpu.memory_space<semaphore_mem>>) src(%dma_wait3A_59 : memref<640x128xf32, #tpu.memory_space<vmem_shared>>) dst(%dma_wait3A_57 : memref<640x128xf32, #tpu.memory_space<hbm>>)
        tpu.yield
      }) : () -> ()
    } else {
    }
    %eq3A_44 = arith.constant 1 : i32
    %eq3A_45 = arith.cmpi eq, %arg0, %eq3A_44 : i32
    %convert_element_type3A_46 = arith.extui %eq3A_45 : i1 to i32
    %cond3A_47 = arith.constant 0 : i32
    %cond3A_48 = arith.cmpi ne, %convert_element_type3A_46, %cond3A_47 : i32
    scf.if %cond3A_48 {
      %mul3A_49 = arith.constant 640 : i32
      %mul3A_50 = arith.muli %arg1, %mul3A_49 : i32
      %mul3A_51 = arith.constant 640 : i32
      %mul3A_52 = arith.muli %arg1, %mul3A_51 : i32
      "tpu.region"() ({
        %run_scoped3A_53 = tpu.sem_alloc : memref<!tpu.dma_semaphore, #tpu.memory_space<semaphore_mem>>
        %dma_start3A = arith.constant 0 : i32
        %dma_start3A_54 = tpu.memref_slice %arg6[%mul3A_52, %dma_start3A] : memref<10240x128xf32, #tpu.memory_space<hbm>> -> memref<640x128xf32, #tpu.memory_space<hbm>>
        %dma_start3A_55 = arith.constant 0 : i32
        %dma_start3A_56 = tpu.memref_slice %arg12[%mul3A_50, %dma_start3A_55] : memref<10240x128xf32, #tpu.memory_space<vmem_shared>> -> memref<640x128xf32, #tpu.memory_space<vmem_shared>>
        tpu.enqueue_dma source(%dma_start3A_56 : memref<640x128xf32, #tpu.memory_space<vmem_shared>>) target(%dma_start3A_54 : memref<640x128xf32, #tpu.memory_space<hbm>>) target_semaphore(%run_scoped3A_53 : memref<!tpu.dma_semaphore, #tpu.memory_space<semaphore_mem>>)
        %dma_wait3A = arith.constant 0 : i32
        %dma_wait3A_57 = tpu.memref_slice %arg6[%mul3A_52, %dma_wait3A] : memref<10240x128xf32, #tpu.memory_space<hbm>> -> memref<640x128xf32, #tpu.memory_space<hbm>>
        %dma_wait3A_58 = arith.constant 0 : i32
        %dma_wait3A_59 = tpu.memref_slice %arg12[%mul3A_50, %dma_wait3A_58] : memref<10240x128xf32, #tpu.memory_space<vmem_shared>> -> memref<640x128xf32, #tpu.memory_space<vmem_shared>>
        tpu.wait_dma2 semaphore(%run_scoped3A_53 : memref<!tpu.dma_semaphore, #tpu.memory_space<semaphore_mem>>) src(%dma_wait3A_59 : memref<640x128xf32, #tpu.memory_space<vmem_shared>>) dst(%dma_wait3A_57 : memref<640x128xf32, #tpu.memory_space<hbm>>)
        tpu.yield
      }) : () -> ()
    } else {
    }
    return
  }
}

module attributes {stable_mosaic.version = 14 : i64} {
  func.func @_proj_body(%arg0: i32, %arg1: memref<512x128xf32, #tpu.memory_space<vmem>>, %arg2: memref<128x128xf32, #tpu.memory_space<vmem>>, %arg3: memref<1x128xf32, #tpu.memory_space<vmem>>, %arg4: memref<512x1xf32, #tpu.memory_space<vmem>>, %arg5: memref<512x1xf32, #tpu.memory_space<vmem>>, %arg6: memref<512x128xf32, #tpu.memory_space<vmem>>, %arg7: memref<512x1xf32, #tpu.memory_space<vmem>>) attributes {dimension_semantics = [#tpu.dimension_semantics<arbitrary>], iteration_bounds = array<i64: 20>, scalar_prefetch = 0 : i64, scratch_operands = 0 : i64, tpu.core_type = #tpu.core_type<tc>, window_params = [{transform_indices = @transform_0, window_bounds = array<i64: 512, 128>}, {pipeline_mode = #tpu.pipeline_mode<synchronous>, transform_indices = @transform_1, window_bounds = array<i64: 128, 128>}, {pipeline_mode = #tpu.pipeline_mode<synchronous>, transform_indices = @transform_2, window_bounds = array<i64: 1, 128>}, {transform_indices = @transform_3, window_bounds = array<i64: 512, 1>}, {transform_indices = @transform_4, window_bounds = array<i64: 512, 1>}, {transform_indices = @transform_5, window_bounds = array<i64: 512, 128>}, {transform_indices = @transform_6, window_bounds = array<i64: 512, 1>}]} {
    %get3A = arith.constant 0 : index
    %get3A_0 = arith.constant 0 : index
    %get3A_1 = vector.load %arg1[%get3A, %get3A_0] : memref<512x128xf32, #tpu.memory_space<vmem>>, vector<512x128xf32>
    %get3A_2 = arith.constant 0 : index
    %get3A_3 = arith.constant 0 : index
    %get3A_4 = vector.load %arg2[%get3A_2, %get3A_3] : memref<128x128xf32, #tpu.memory_space<vmem>>, vector<128x128xf32>
    %dot_general3A = arith.constant dense<0.000000e+00> : vector<512x128xf32>
    %dot_general3A_5 = tpu.matmul %get3A_1, %get3A_4, %dot_general3A {dimension_numbers = #tpu.dot_dimension_numbers<[1], [0], [0], [1], [0, 0, 1, 1], [], []>, transpose_lhs_hint = false} : vector<512x128xf32>, vector<128x128xf32>, vector<512x128xf32> -> vector<512x128xf32>
    %get3A_6 = arith.constant 0 : index
    %get3A_7 = arith.constant 0 : index
    %get3A_8 = vector.load %arg3[%get3A_6, %get3A_7] : memref<1x128xf32, #tpu.memory_space<vmem>>, vector<1x128xf32>
    %add3A = vector.broadcast %get3A_8 : vector<1x128xf32> to vector<512x128xf32>
    %add3A_9 = arith.addf %dot_general3A_5, %add3A : vector<512x128xf32>
    %get3A_10 = arith.constant 0 : index
    %get3A_11 = arith.constant 0 : index
    %get3A_12 = vector.load %arg4[%get3A_10, %get3A_11] : memref<512x1xf32, #tpu.memory_space<vmem>>, vector<512x1xf32>
    %get3A_13 = arith.constant 0 : index
    %get3A_14 = arith.constant 0 : index
    %get3A_15 = vector.load %arg5[%get3A_13, %get3A_14] : memref<512x1xf32, #tpu.memory_space<vmem>>, vector<512x1xf32>
    %add3A_16 = arith.addf %get3A_12, %get3A_15 : vector<512x1xf32>
    %max3A = arith.constant 1.000000e+00 : f32
    %max3A_17 = vector.broadcast %max3A : f32 to vector<512x1xf32>
    %max3A_18 = arith.maximumf %add3A_16, %max3A_17 : vector<512x1xf32>
    %iota3A = tpu.iota {dimensions = array<i32: 0>} : vector<512x1xi32>
    %mul3A = arith.constant 512 : i32
    %mul3A_19 = arith.muli %arg0, %mul3A : i32
    %add3A_20 = vector.broadcast %mul3A_19 : i32 to vector<512x1xi32>
    %add3A_21 = arith.addi %iota3A, %add3A_20 : vector<512x1xi32>
    %lt3A = arith.constant 10000 : i32
    %lt3A_22 = vector.broadcast %lt3A : i32 to vector<512x1xi32>
    %lt3A_23 = arith.cmpi slt, %add3A_21, %lt3A_22 : vector<512x1xi32>
    %rsqrt3A = math.rsqrt %max3A_18 : vector<512x1xf32>
    %jit3A = arith.constant 0.000000e+00 : f32
    %broadcast_in_dim3A = vector.broadcast %jit3A : f32 to vector<512x1xf32>
    %select_n3A = arith.select %lt3A_23, %rsqrt3A, %broadcast_in_dim3A : vector<512x1xi1>, vector<512x1xf32>
    %mul3A_24 = vector.broadcast %select_n3A : vector<512x1xf32> to vector<512x128xf32>
    %mul3A_25 = arith.mulf %add3A_9, %mul3A_24 : vector<512x128xf32>
    %swap3A = arith.constant 0 : index
    %swap3A_26 = arith.constant 0 : index
    %swap3A_27 = vector.load %arg6[%swap3A, %swap3A_26] : memref<512x128xf32, #tpu.memory_space<vmem>>, vector<512x128xf32>
    tpu.vector_store %arg6[%swap3A, %swap3A_26], %mul3A_25 {strides = array<i32>} : memref<512x128xf32, #tpu.memory_space<vmem>>, vector<512x128xf32>,
    %swap3A_28 = arith.constant 0 : index
    %swap3A_29 = arith.constant 0 : index
    %swap3A_30 = vector.load %arg7[%swap3A_28, %swap3A_29] : memref<512x1xf32, #tpu.memory_space<vmem>>, vector<512x1xf32>
    tpu.vector_store %arg7[%swap3A_28, %swap3A_29], %select_n3A {strides = array<i32>} : memref<512x1xf32, #tpu.memory_space<vmem>>, vector<512x1xf32>,
    return
  }
  func.func @transform_0(%arg0: i32) -> (i32, i32) {
    %c0_i32 = arith.constant 0 : i32
    %c0_i32_0 = arith.constant 0 : i32
    return %arg0, %c0_i32 : i32, i32
  }
  func.func @transform_1(%arg0: i32) -> (i32, i32) {
    %c0_i32 = arith.constant 0 : i32
    %c0_i32_0 = arith.constant 0 : i32
    %c0_i32_1 = arith.constant 0 : i32
    return %c0_i32, %c0_i32_0 : i32, i32
  }
  func.func @transform_2(%arg0: i32) -> (i32, i32) {
    %c0_i32 = arith.constant 0 : i32
    %c0_i32_0 = arith.constant 0 : i32
    %c0_i32_1 = arith.constant 0 : i32
    return %c0_i32, %c0_i32_0 : i32, i32
  }
  func.func @transform_3(%arg0: i32) -> (i32, i32) {
    %c0_i32 = arith.constant 0 : i32
    %c0_i32_0 = arith.constant 0 : i32
    return %arg0, %c0_i32 : i32, i32
  }
  func.func @transform_4(%arg0: i32) -> (i32, i32) {
    %c0_i32 = arith.constant 0 : i32
    %c0_i32_0 = arith.constant 0 : i32
    return %arg0, %c0_i32 : i32, i32
  }
  func.func @transform_5(%arg0: i32) -> (i32, i32) {
    %c0_i32 = arith.constant 0 : i32
    %c0_i32_0 = arith.constant 0 : i32
    return %arg0, %c0_i32 : i32, i32
  }
  func.func @transform_6(%arg0: i32) -> (i32, i32) {
    %c0_i32 = arith.constant 0 : i32
    %c0_i32_0 = arith.constant 0 : i32
    return %arg0, %c0_i32 : i32, i32
  }
}

module attributes {stable_mosaic.version = 14 : i64} {
  func.func @_layer_body(%arg0: i32, %arg1: memref<512x128xf32, #tpu.memory_space<vmem>>, %arg2: memref<512x128xf32, #tpu.memory_space<vmem>>, %arg3: memref<512x1xf32, #tpu.memory_space<vmem>>, %arg4: memref<128x128xf32, #tpu.memory_space<vmem>>, %arg5: memref<1x128xf32, #tpu.memory_space<vmem>>, %arg6: memref<512x128xf32, #tpu.memory_space<vmem>>) attributes {dimension_semantics = [#tpu.dimension_semantics<arbitrary>], iteration_bounds = array<i64: 20>, scalar_prefetch = 0 : i64, scratch_operands = 0 : i64, tpu.core_type = #tpu.core_type<tc>, window_params = [{transform_indices = @transform_0, window_bounds = array<i64: 512, 128>}, {transform_indices = @transform_1, window_bounds = array<i64: 512, 128>}, {transform_indices = @transform_2, window_bounds = array<i64: 512, 1>}, {pipeline_mode = #tpu.pipeline_mode<synchronous>, transform_indices = @transform_3, window_bounds = array<i64: 128, 128>}, {pipeline_mode = #tpu.pipeline_mode<synchronous>, transform_indices = @transform_4, window_bounds = array<i64: 1, 128>}, {transform_indices = @transform_5, window_bounds = array<i64: 512, 128>}]} {
    %get3A = arith.constant 0 : index
    %get3A_0 = arith.constant 0 : index
    %get3A_1 = vector.load %arg3[%get3A, %get3A_0] : memref<512x1xf32, #tpu.memory_space<vmem>>, vector<512x1xf32>
    %get3A_2 = arith.constant 0 : index
    %get3A_3 = arith.constant 0 : index
    %get3A_4 = vector.load %arg1[%get3A_2, %get3A_3] : memref<512x128xf32, #tpu.memory_space<vmem>>, vector<512x128xf32>
    %get3A_5 = arith.constant 0 : index
    %get3A_6 = arith.constant 0 : index
    %get3A_7 = vector.load %arg2[%get3A_5, %get3A_6] : memref<512x128xf32, #tpu.memory_space<vmem>>, vector<512x128xf32>
    %add3A = arith.addf %get3A_4, %get3A_7 : vector<512x128xf32>
    %mul3A = vector.broadcast %get3A_1 : vector<512x1xf32> to vector<512x128xf32>
    %mul3A_8 = arith.mulf %add3A, %mul3A : vector<512x128xf32>
    %get3A_9 = arith.constant 0 : index
    %get3A_10 = arith.constant 0 : index
    %get3A_11 = vector.load %arg4[%get3A_9, %get3A_10] : memref<128x128xf32, #tpu.memory_space<vmem>>, vector<128x128xf32>
    %dot_general3A = arith.constant dense<0.000000e+00> : vector<512x128xf32>
    %dot_general3A_12 = tpu.matmul %mul3A_8, %get3A_11, %dot_general3A {dimension_numbers = #tpu.dot_dimension_numbers<[1], [0], [0], [1], [0, 0, 1, 1], [], []>, transpose_lhs_hint = false} : vector<512x128xf32>, vector<128x128xf32>, vector<512x128xf32> -> vector<512x128xf32>
    %get3A_13 = arith.constant 0 : index
    %get3A_14 = arith.constant 0 : index
    %get3A_15 = vector.load %arg5[%get3A_13, %get3A_14] : memref<1x128xf32, #tpu.memory_space<vmem>>, vector<1x128xf32>
    %add3A_16 = vector.broadcast %get3A_15 : vector<1x128xf32> to vector<512x128xf32>
    %add3A_17 = arith.addf %dot_general3A_12, %add3A_16 : vector<512x128xf32>
    %max3A = arith.constant 0.000000e+00 : f32
    %max3A_18 = vector.broadcast %max3A : f32 to vector<512x128xf32>
    %max3A_19 = arith.maximumf %add3A_17, %max3A_18 : vector<512x128xf32>
    %mul3A_20 = vector.broadcast %get3A_1 : vector<512x1xf32> to vector<512x128xf32>
    %mul3A_21 = arith.mulf %max3A_19, %mul3A_20 : vector<512x128xf32>
    %swap3A = arith.constant 0 : index
    %swap3A_22 = arith.constant 0 : index
    %swap3A_23 = vector.load %arg6[%swap3A, %swap3A_22] : memref<512x128xf32, #tpu.memory_space<vmem>>, vector<512x128xf32>
    tpu.vector_store %arg6[%swap3A, %swap3A_22], %mul3A_21 {strides = array<i32>} : memref<512x128xf32, #tpu.memory_space<vmem>>, vector<512x128xf32>,
    return
  }
  func.func @transform_0(%arg0: i32) -> (i32, i32) {
    %c0_i32 = arith.constant 0 : i32
    %c0_i32_0 = arith.constant 0 : i32
    return %arg0, %c0_i32 : i32, i32
  }
  func.func @transform_1(%arg0: i32) -> (i32, i32) {
    %c0_i32 = arith.constant 0 : i32
    %c0_i32_0 = arith.constant 0 : i32
    return %arg0, %c0_i32 : i32, i32
  }
  func.func @transform_2(%arg0: i32) -> (i32, i32) {
    %c0_i32 = arith.constant 0 : i32
    %c0_i32_0 = arith.constant 0 : i32
    return %arg0, %c0_i32 : i32, i32
  }
  func.func @transform_3(%arg0: i32) -> (i32, i32) {
    %c0_i32 = arith.constant 0 : i32
    %c0_i32_0 = arith.constant 0 : i32
    %c0_i32_1 = arith.constant 0 : i32
    return %c0_i32, %c0_i32_0 : i32, i32
  }
  func.func @transform_4(%arg0: i32) -> (i32, i32) {
    %c0_i32 = arith.constant 0 : i32
    %c0_i32_0 = arith.constant 0 : i32
    %c0_i32_1 = arith.constant 0 : i32
    return %c0_i32, %c0_i32_0 : i32, i32
  }
  func.func @transform_5(%arg0: i32) -> (i32, i32) {
    %c0_i32 = arith.constant 0 : i32
    %c0_i32_0 = arith.constant 0 : i32
    return %arg0, %c0_i32 : i32, i32
  }
}

module attributes {stable_mosaic.version = 14 : i64} {
  func.func @_final_body(%arg0: i32, %arg1: memref<512x128xf32, #tpu.memory_space<vmem>>, %arg2: memref<512x128xf32, #tpu.memory_space<vmem>>, %arg3: memref<512x1xf32, #tpu.memory_space<vmem>>, %arg4: memref<128x128xf32, #tpu.memory_space<vmem>>, %arg5: memref<1x128xf32, #tpu.memory_space<vmem>>, %arg6: memref<512x1xi32, #tpu.memory_space<vmem>>, %arg7: memref<128x128xf32, #tpu.memory_space<vmem>>, %arg8: memref<1x128xf32, #tpu.memory_space<vmem>>, %arg9: memref<128x64xf32, #tpu.memory_space<vmem>>, %arg10: memref<1x64xf32, #tpu.memory_space<vmem>>, %arg11: memref<64x12xf32, #tpu.memory_space<vmem>>, %arg12: memref<1x12xf32, #tpu.memory_space<vmem>>, %arg13: memref<64x12xf32, #tpu.memory_space<vmem>>, %arg14: memref<64x128xf32, #tpu.memory_space<vmem>>, %arg15: memref<64x1xf32, #tpu.memory_space<vmem>>) attributes {dimension_semantics = [#tpu.dimension_semantics<arbitrary>], iteration_bounds = array<i64: 20>, scalar_prefetch = 0 : i64, scratch_operands = 2 : i64, tpu.core_type = #tpu.core_type<tc>, window_params = [{transform_indices = @transform_0, window_bounds = array<i64: 512, 128>}, {transform_indices = @transform_1, window_bounds = array<i64: 512, 128>}, {transform_indices = @transform_2, window_bounds = array<i64: 512, 1>}, {pipeline_mode = #tpu.pipeline_mode<synchronous>, transform_indices = @transform_3, window_bounds = array<i64: 128, 128>}, {pipeline_mode = #tpu.pipeline_mode<synchronous>, transform_indices = @transform_4, window_bounds = array<i64: 1, 128>}, {transform_indices = @transform_5, window_bounds = array<i64: 512, 1>}, {pipeline_mode = #tpu.pipeline_mode<synchronous>, transform_indices = @transform_6, window_bounds = array<i64: 128, 128>}, {pipeline_mode = #tpu.pipeline_mode<synchronous>, transform_indices = @transform_7, window_bounds = array<i64: 1, 128>}, {pipeline_mode = #tpu.pipeline_mode<synchronous>, transform_indices = @transform_8, window_bounds = array<i64: 128, 64>}, {pipeline_mode = #tpu.pipeline_mode<synchronous>, transform_indices = @transform_9, window_bounds = array<i64: 1, 64>}, {pipeline_mode = #tpu.pipeline_mode<synchronous>, transform_indices = @transform_10, window_bounds = array<i64: 64, 12>}, {pipeline_mode = #tpu.pipeline_mode<synchronous>, transform_indices = @transform_11, window_bounds = array<i64: 1, 12>}, {pipeline_mode = #tpu.pipeline_mode<synchronous>, transform_indices = @transform_12, window_bounds = array<i64: 64, 12>}]} {
    %eq3A = arith.constant 0 : i32
    %eq3A_0 = arith.cmpi eq, %arg0, %eq3A : i32
    %convert_element_type3A = arith.extui %eq3A_0 : i1 to i32
    %cond3A = arith.constant 0 : i32
    %cond3A_1 = arith.cmpi ne, %convert_element_type3A, %cond3A : i32
    scf.if %cond3A_1 {
      %broadcast_in_dim3A_53 = arith.constant 0.000000e+00 : f32
      %broadcast_in_dim3A_54 = vector.broadcast %broadcast_in_dim3A_53 : f32 to vector<64x128xf32>
      %swap3A_55 = arith.constant 0 : index
      %swap3A_56 = arith.constant 0 : index
      %swap3A_57 = vector.load %arg14[%swap3A_55, %swap3A_56] : memref<64x128xf32, #tpu.memory_space<vmem>>, vector<64x128xf32>
      tpu.vector_store %arg14[%swap3A_55, %swap3A_56], %broadcast_in_dim3A_54 {strides = array<i32>} : memref<64x128xf32, #tpu.memory_space<vmem>>, vector<64x128xf32>,
      %broadcast_in_dim3A_58 = arith.constant 0.000000e+00 : f32
      %broadcast_in_dim3A_59 = vector.broadcast %broadcast_in_dim3A_58 : f32 to vector<64x1xf32>
      %swap3A_60 = arith.constant 0 : index
      %swap3A_61 = arith.constant 0 : index
      %swap3A_62 = vector.load %arg15[%swap3A_60, %swap3A_61] : memref<64x1xf32, #tpu.memory_space<vmem>>, vector<64x1xf32>
      tpu.vector_store %arg15[%swap3A_60, %swap3A_61], %broadcast_in_dim3A_59 {strides = array<i32>} : memref<64x1xf32, #tpu.memory_space<vmem>>, vector<64x1xf32>,
    } else {
    }
    %get3A = arith.constant 0 : index
    %get3A_2 = arith.constant 0 : index
    %get3A_3 = vector.load %arg3[%get3A, %get3A_2] : memref<512x1xf32, #tpu.memory_space<vmem>>, vector<512x1xf32>
    %get3A_4 = arith.constant 0 : index
    %get3A_5 = arith.constant 0 : index
    %get3A_6 = vector.load %arg1[%get3A_4, %get3A_5] : memref<512x128xf32, #tpu.memory_space<vmem>>, vector<512x128xf32>
    %get3A_7 = arith.constant 0 : index
    %get3A_8 = arith.constant 0 : index
    %get3A_9 = vector.load %arg2[%get3A_7, %get3A_8] : memref<512x128xf32, #tpu.memory_space<vmem>>, vector<512x128xf32>
    %add3A = arith.addf %get3A_6, %get3A_9 : vector<512x128xf32>
    %mul3A = vector.broadcast %get3A_3 : vector<512x1xf32> to vector<512x128xf32>
    %mul3A_10 = arith.mulf %add3A, %mul3A : vector<512x128xf32>
    %get3A_11 = arith.constant 0 : index
    %get3A_12 = arith.constant 0 : index
    %get3A_13 = vector.load %arg4[%get3A_11, %get3A_12] : memref<128x128xf32, #tpu.memory_space<vmem>>, vector<128x128xf32>
    %dot_general3A = arith.constant dense<0.000000e+00> : vector<512x128xf32>
    %dot_general3A_14 = tpu.matmul %mul3A_10, %get3A_13, %dot_general3A {dimension_numbers = #tpu.dot_dimension_numbers<[1], [0], [0], [1], [0, 0, 1, 1], [], []>, transpose_lhs_hint = false} : vector<512x128xf32>, vector<128x128xf32>, vector<512x128xf32> -> vector<512x128xf32>
    %get3A_15 = arith.constant 0 : index
    %get3A_16 = arith.constant 0 : index
    %get3A_17 = vector.load %arg5[%get3A_15, %get3A_16] : memref<1x128xf32, #tpu.memory_space<vmem>>, vector<1x128xf32>
    %add3A_18 = vector.broadcast %get3A_17 : vector<1x128xf32> to vector<512x128xf32>
    %add3A_19 = arith.addf %dot_general3A_14, %add3A_18 : vector<512x128xf32>
    %max3A = arith.constant 0.000000e+00 : f32
    %max3A_20 = vector.broadcast %max3A : f32 to vector<512x128xf32>
    %max3A_21 = arith.maximumf %add3A_19, %max3A_20 : vector<512x128xf32>
    %iota3A = tpu.iota {dimensions = array<i32: 1>} : vector<512x64xi32>
    %get3A_22 = arith.constant 0 : index
    %get3A_23 = arith.constant 0 : index
    %get3A_24 = vector.load %arg6[%get3A_22, %get3A_23] : memref<512x1xi32, #tpu.memory_space<vmem>>, vector<512x1xi32>
    %eq3A_25 = vector.broadcast %get3A_24 : vector<512x1xi32> to vector<512x64xi32>
    %eq3A_26 = arith.cmpi eq, %eq3A_25, %iota3A : vector<512x64xi32>
    %jit3A = arith.constant 1.000000e+00 : f32
    %jit3A_27 = arith.constant 0.000000e+00 : f32
    %broadcast_in_dim3A = vector.broadcast %jit3A : f32 to vector<512x64xf32>
    %broadcast_in_dim3A_28 = vector.broadcast %jit3A_27 : f32 to vector<512x64xf32>
    %select_n3A = arith.select %eq3A_26, %broadcast_in_dim3A, %broadcast_in_dim3A_28 : vector<512x64xi1>, vector<512x64xf32>
    %get3A_29 = arith.constant 0 : index
    %get3A_30 = arith.constant 0 : index
    %get3A_31 = vector.load %arg14[%get3A_29, %get3A_30] : memref<64x128xf32, #tpu.memory_space<vmem>>, vector<64x128xf32>
    %dot_general3A_32 = arith.constant dense<0.000000e+00> : vector<64x128xf32>
    %dot_general3A_33 = tpu.matmul %select_n3A, %max3A_21, %dot_general3A_32 {dimension_numbers = #tpu.dot_dimension_numbers<[0], [0], [1], [1], [0, 1, 1, 1], [], []>, transpose_lhs_hint = false} : vector<512x64xf32>, vector<512x128xf32>, vector<64x128xf32> -> vector<64x128xf32>
    %add3A_34 = arith.addf %get3A_31, %dot_general3A_33 : vector<64x128xf32>
    %swap3A = arith.constant 0 : index
    %swap3A_35 = arith.constant 0 : index
    %swap3A_36 = vector.load %arg14[%swap3A, %swap3A_35] : memref<64x128xf32, #tpu.memory_space<vmem>>, vector<64x128xf32>
    tpu.vector_store %arg14[%swap3A, %swap3A_35], %add3A_34 {strides = array<i32>} : memref<64x128xf32, #tpu.memory_space<vmem>>, vector<64x128xf32>,
    %get3A_37 = arith.constant 0 : index
    %get3A_38 = arith.constant 0 : index
    %get3A_39 = vector.load %arg15[%get3A_37, %get3A_38] : memref<64x1xf32, #tpu.memory_space<vmem>>, vector<64x1xf32>
    %broadcast_in_dim3A_40 = arith.constant 1.000000e+00 : f32
    %broadcast_in_dim3A_41 = vector.broadcast %broadcast_in_dim3A_40 : f32 to vector<512x1xf32>
    %dot_general3A_42 = arith.constant dense<0.000000e+00> : vector<64x1xf32>
    %dot_general3A_43 = tpu.matmul %select_n3A, %broadcast_in_dim3A_41, %dot_general3A_42 {dimension_numbers = #tpu.dot_dimension_numbers<[0], [0], [1], [1], [0, 1, 1, 1], [], []>, transpose_lhs_hint = false} : vector<512x64xf32>, vector<512x1xf32>, vector<64x1xf32> -> vector<64x1xf32>
    %add3A_44 = arith.addf %get3A_39, %dot_general3A_43 : vector<64x1xf32>
    %swap3A_45 = arith.constant 0 : index
    %swap3A_46 = arith.constant 0 : index
    %swap3A_47 = vector.load %arg15[%swap3A_45, %swap3A_46] : memref<64x1xf32, #tpu.memory_space<vmem>>, vector<64x1xf32>
    tpu.vector_store %arg15[%swap3A_45, %swap3A_46], %add3A_44 {strides = array<i32>} : memref<64x1xf32, #tpu.memory_space<vmem>>, vector<64x1xf32>,
    %eq3A_48 = arith.constant 19 : i32
    %eq3A_49 = arith.cmpi eq, %arg0, %eq3A_48 : i32
    %convert_element_type3A_50 = arith.extui %eq3A_49 : i1 to i32
    %cond3A_51 = arith.constant 0 : i32
    %cond3A_52 = arith.cmpi ne, %convert_element_type3A_50, %cond3A_51 : i32
    scf.if %cond3A_52 {
      %get3A_53 = arith.constant 0 : index
      %get3A_54 = arith.constant 0 : index
      %get3A_55 = vector.load %arg14[%get3A_53, %get3A_54] : memref<64x128xf32, #tpu.memory_space<vmem>>, vector<64x128xf32>
      %get3A_56 = arith.constant 0 : index
      %get3A_57 = arith.constant 0 : index
      %get3A_58 = vector.load %arg15[%get3A_56, %get3A_57] : memref<64x1xf32, #tpu.memory_space<vmem>>, vector<64x1xf32>
      %max3A_59 = arith.constant 1.000000e+00 : f32
      %max3A_60 = vector.broadcast %max3A_59 : f32 to vector<64x1xf32>
      %max3A_61 = arith.maximumf %get3A_58, %max3A_60 : vector<64x1xf32>
      %div3A = vector.broadcast %max3A_61 : vector<64x1xf32> to vector<64x128xf32>
      %div3A_62 = arith.divf %get3A_55, %div3A : vector<64x128xf32>
      %get3A_63 = arith.constant 0 : index
      %get3A_64 = arith.constant 0 : index
      %get3A_65 = vector.load %arg7[%get3A_63, %get3A_64] : memref<128x128xf32, #tpu.memory_space<vmem>>, vector<128x128xf32>
      %dot_general3A_66 = arith.constant dense<0.000000e+00> : vector<64x128xf32>
      %dot_general3A_67 = tpu.matmul %div3A_62, %get3A_65, %dot_general3A_66 {dimension_numbers = #tpu.dot_dimension_numbers<[1], [0], [0], [1], [0, 0, 1, 1], [], []>, transpose_lhs_hint = false} : vector<64x128xf32>, vector<128x128xf32>, vector<64x128xf32> -> vector<64x128xf32>
      %get3A_68 = arith.constant 0 : index
      %get3A_69 = arith.constant 0 : index
      %get3A_70 = vector.load %arg8[%get3A_68, %get3A_69] : memref<1x128xf32, #tpu.memory_space<vmem>>, vector<1x128xf32>
      %add3A_71 = vector.broadcast %get3A_70 : vector<1x128xf32> to vector<64x128xf32>
      %add3A_72 = arith.addf %dot_general3A_67, %add3A_71 : vector<64x128xf32>
      %max3A_73 = arith.constant 0.000000e+00 : f32
      %max3A_74 = vector.broadcast %max3A_73 : f32 to vector<64x128xf32>
      %max3A_75 = arith.maximumf %add3A_72, %max3A_74 : vector<64x128xf32>
      %get3A_76 = arith.constant 0 : index
      %get3A_77 = arith.constant 0 : index
      %get3A_78 = vector.load %arg9[%get3A_76, %get3A_77] : memref<128x64xf32, #tpu.memory_space<vmem>>, vector<128x64xf32>
      %dot_general3A_79 = arith.constant dense<0.000000e+00> : vector<64x64xf32>
      %dot_general3A_80 = tpu.matmul %max3A_75, %get3A_78, %dot_general3A_79 {dimension_numbers = #tpu.dot_dimension_numbers<[1], [0], [0], [1], [0, 0, 1, 1], [], []>, transpose_lhs_hint = false} : vector<64x128xf32>, vector<128x64xf32>, vector<64x64xf32> -> vector<64x64xf32>
      %get3A_81 = arith.constant 0 : index
      %get3A_82 = arith.constant 0 : index
      %get3A_83 = vector.load %arg10[%get3A_81, %get3A_82] : memref<1x64xf32, #tpu.memory_space<vmem>>, vector<1x64xf32>
      %add3A_84 = vector.broadcast %get3A_83 : vector<1x64xf32> to vector<64x64xf32>
      %add3A_85 = arith.addf %dot_general3A_80, %add3A_84 : vector<64x64xf32>
      %max3A_86 = arith.constant 0.000000e+00 : f32
      %max3A_87 = vector.broadcast %max3A_86 : f32 to vector<64x64xf32>
      %max3A_88 = arith.maximumf %add3A_85, %max3A_87 : vector<64x64xf32>
      %get3A_89 = arith.constant 0 : index
      %get3A_90 = arith.constant 0 : index
      %get3A_91 = vector.load %arg11[%get3A_89, %get3A_90] : memref<64x12xf32, #tpu.memory_space<vmem>>, vector<64x12xf32>
      %dot_general3A_92 = arith.constant dense<0.000000e+00> : vector<64x12xf32>
      %dot_general3A_93 = tpu.matmul %max3A_88, %get3A_91, %dot_general3A_92 {dimension_numbers = #tpu.dot_dimension_numbers<[1], [0], [0], [1], [0, 0, 1, 1], [], []>, transpose_lhs_hint = false} : vector<64x64xf32>, vector<64x12xf32>, vector<64x12xf32> -> vector<64x12xf32>
      %get3A_94 = arith.constant 0 : index
      %get3A_95 = arith.constant 0 : index
      %get3A_96 = vector.load %arg12[%get3A_94, %get3A_95] : memref<1x12xf32, #tpu.memory_space<vmem>>, vector<1x12xf32>
      %add3A_97 = vector.broadcast %get3A_96 : vector<1x12xf32> to vector<64x12xf32>
      %add3A_98 = arith.addf %dot_general3A_93, %add3A_97 : vector<64x12xf32>
      %swap3A_99 = arith.constant 0 : index
      %swap3A_100 = arith.constant 0 : index
      %swap3A_101 = vector.load %arg13[%swap3A_99, %swap3A_100] : memref<64x12xf32, #tpu.memory_space<vmem>>, vector<64x12xf32>
      tpu.vector_store %arg13[%swap3A_99, %swap3A_100], %add3A_98 {strides = array<i32>} : memref<64x12xf32, #tpu.memory_space<vmem>>, vector<64x12xf32>,
    } else {
    }
    return
  }
  func.func @transform_0(%arg0: i32) -> (i32, i32) {
    %c0_i32 = arith.constant 0 : i32
    %c0_i32_0 = arith.constant 0 : i32
    return %arg0, %c0_i32 : i32, i32
  }
  func.func @transform_1(%arg0: i32) -> (i32, i32) {
    %c0_i32 = arith.constant 0 : i32
    %c0_i32_0 = arith.constant 0 : i32
    return %arg0, %c0_i32 : i32, i32
  }
  func.func @transform_2(%arg0: i32) -> (i32, i32) {
    %c0_i32 = arith.constant 0 : i32
    %c0_i32_0 = arith.constant 0 : i32
    return %arg0, %c0_i32 : i32, i32
  }
  func.func @transform_3(%arg0: i32) -> (i32, i32) {
    %c0_i32 = arith.constant 0 : i32
    %c0_i32_0 = arith.constant 0 : i32
    %c0_i32_1 = arith.constant 0 : i32
    return %c0_i32, %c0_i32_0 : i32, i32
  }
  func.func @transform_4(%arg0: i32) -> (i32, i32) {
    %c0_i32 = arith.constant 0 : i32
    %c0_i32_0 = arith.constant 0 : i32
    %c0_i32_1 = arith.constant 0 : i32
    return %c0_i32, %c0_i32_0 : i32, i32
  }
  func.func @transform_5(%arg0: i32) -> (i32, i32) {
    %c0_i32 = arith.constant 0 : i32
    %c0_i32_0 = arith.constant 0 : i32
    return %arg0, %c0_i32 : i32, i32
  }
  func.func @transform_6(%arg0: i32) -> (i32, i32) {
    %c0_i32 = arith.constant 0 : i32
    %c0_i32_0 = arith.constant 0 : i32
    %c0_i32_1 = arith.constant 0 : i32
    return %c0_i32, %c0_i32_0 : i32, i32
  }
  func.func @transform_7(%arg0: i32) -> (i32, i32) {
    %c0_i32 = arith.constant 0 : i32
    %c0_i32_0 = arith.constant 0 : i32
    %c0_i32_1 = arith.constant 0 : i32
    return %c0_i32, %c0_i32_0 : i32, i32
  }
  func.func @transform_8(%arg0: i32) -> (i32, i32) {
    %c0_i32 = arith.constant 0 : i32
    %c0_i32_0 = arith.constant 0 : i32
    %c0_i32_1 = arith.constant 0 : i32
    return %c0_i32, %c0_i32_0 : i32, i32
  }
  func.func @transform_9(%arg0: i32) -> (i32, i32) {
    %c0_i32 = arith.constant 0 : i32
    %c0_i32_0 = arith.constant 0 : i32
    %c0_i32_1 = arith.constant 0 : i32
    return %c0_i32, %c0_i32_0 : i32, i32
  }
  func.func @transform_10(%arg0: i32) -> (i32, i32) {
    %c0_i32 = arith.constant 0 : i32
    %c0_i32_0 = arith.constant 0 : i32
    %c0_i32_1 = arith.constant 0 : i32
    return %c0_i32, %c0_i32_0 : i32, i32
  }
  func.func @transform_11(%arg0: i32) -> (i32, i32) {
    %c0_i32 = arith.constant 0 : i32
    %c0_i32_0 = arith.constant 0 : i32
    %c0_i32_1 = arith.constant 0 : i32
    return %c0_i32, %c0_i32_0 : i32, i32
  }
  func.func @transform_12(%arg0: i32) -> (i32, i32) {
    %c0_i32 = arith.constant 0 : i32
    %c0_i32_0 = arith.constant 0 : i32
    %c0_i32_1 = arith.constant 0 : i32
    return %c0_i32, %c0_i32_0 : i32, i32
  }
}

</mosaic_0001>

<sc_bundles>
// kernel: kernel.10.cloned.1.call-start
scs
__scs_entry_jumppad:
0x0: {  	(pc) =	sbr.rel $0x88, $3  }
0x1: {  	(tag) =	ssettag $0x0;
	lr =	simm.s32 $0x1  }
0x2: {  	[smem:$0x3F90] =	sst lr;
	_ =	strace $0xD0000000  }
0x3: {  	_ = 	snop  }
0x4: {  	_ = 	snop  }
0x5: {  	_ = 	snop  }
0x6: {  	_ = 	snop  }
0x7: {  	_ = 	snop  }
__scs_overlays_trampoline_lowered:
0x8: {  	[smem:$0x3F9F] =	sst s0  }
0x9: {  	[smem:$0x3FA0] =	sst s1  }
0xa: {  	[smem:$0x3FA1] =	sst s2  }
0xb: {  	[smem:$0x3FA2] =	sst s3  }
0xc: {  	[smem:$0x3FA3] =	sst s4  }
0xd: {  	[smem:$0x3FA4] =	sst s5  }
0xe: {  	[smem:$0x3FA5] =	sst s6  }
0xf: {  	[smem:$0x3FA6] =	sst s7  }
0x10: {  	[smem:$0x3FA7] =	sst s8  }
0x11: {  	[smem:$0x3FA8] =	sst s9;
	s0 =	simm.s32 @!p0 $0x0  }
0x12: {  	s1 =	sld [smem:$0x3F8E];
	s0 =	simm.s32 @p0 $0x1  }
0x13: {  	[smem:$0x3FA9] =	sst s0;
	s0 =	simm.s32 @!p1 $0x0  }
0x14: {  	s2 =	sld [smem:$0x3F8D];
	s0 =	simm.s32 @p1 $0x1  }
0x15: {  	[smem:$0x3FAA] =	sst s0;
	s0 =	simm.s32 @!p2 $0x0  }
0x16: {  	s3 =	sld [smem:$0x3FDB];
	s0 =	simm.s32 @p2 $0x1  }
0x17: {  	s4 =	simm.s32 $0x1BF5;
	[smem:$0x3FAC] =	sst s0  }
0x18: {  	s0 =	sld [smem:$0x3F8F];
	_ =	swait.ge [sflag:s4], $0x0  }
0x19: {  	s7 =	sld [smem:$0x3F90]  }
0x1a: {  	s8 =	sadd.s32 $0xFFFFE003, lr  }
0x1b: {  	s9 =	sadd.s32 $0xFFFFFEF7, lr;
	s5 =	simm.s32 $0xFFFFFFFF;
	p2 =	slt.u32 s8, $0xFFFFF086  }
0x1c: {  	p1 =	slt.u32 s9, $0xF7A;
	s5 =	simm.s32 @!p2 $0x0  }
0x1d: {  	s5 =	simm.s32 @p1 $0x1;
	p0 =	seq.s32 s7, s2  }
0x1e: {  	s7 =	smul.u32 @!p0 $0xF7A, s2;
	p2 =	seq.s32 @!p0 s5, $0x0  }
0x1f: {  	s9 =	smul.u32 $0xF7A, s1;
	s8 =	simm.s32 @!p0 $0x1BF5;
	p2 =	por !p2, p0  }
0x20: {  	[sflag:s8] =	ssyncset.s32 @!p0 $0xFFFFF086;
	s6 =	sadd.s32 @!p0 s3, s7;
	s7 =	simm.s32 @!p0 $0x108  }
0x21: {  	s3 =	sadd.s32 s3, s9;
	s6 =	sadd.s32 @!p0 $0x88, s6;
	s7 =	simm.s32 @p2 $0x1082  }
0x22: {  	[simem:s7], [sflag:s8] =	dma.local @!p0 [hbm:s6], $0xF7A  }
0x23: {  	s9 =	sor.u32 $0xD0000000, s2;
	s6 =	simm.s32 $0x108;
	_ =	swait.ge @!p0 [sflag:s8], $0x0  }
0x24: {  	s3 =	sadd.s32 $0x88, s3;
	s6 =	simm.s32 @!p1 $0x1082;
	[sflag:s4] =	ssyncset.s32 $0xFFFFF086  }
0x25: {  	[simem:s6], [sflag:s4] =	dma.local [hbm:s3], $0xF7A  }
0x26: {  	[smem:$0x3F90] =	sst s1;
	(tag) =	ssettag s2;
	_ =	strace s9  }
0x27: {  	s1 =	sld [smem:$0x3FA0]  }
0x28: {  	s2 =	sld [smem:$0x3FA1]  }
0x29: {  	s4 =	sld [smem:$0x3FA3]  }
0x2a: {  	p0 =	seq.s32 s5, $0x0;
	s5 =	sld [smem:$0x3FA4]  }
0x2b: {  	s6 =	sld [smem:$0x3FA5]  }
0x2c: {  	s7 =	sld [smem:$0x3FA6]  }
0x2d: {  	s3 =	simm.s32 $0x108;
	s8 =	sld [smem:$0x3FA7]  }
0x2e: {  	s3 =	simm.s32 @!p0 $0x1082;
	s9 =	sld [smem:$0x3FA8]  }
0x2f: {  	lr =	sadd.s32 s0, s3;
	s0 =	sld [smem:$0x3F9F]  }
0x30: {  	s3 =	sld [smem:$0x3FA2]  }
0x31: {  	[smem:$0x3FAB] =	sst s10  }
0x32: {  	s10 =	sld [smem:$0x3FA9];
	_ =	sdelay $0x3  }
0x33: {  	p0 =	seq.s32 s10, $0x1;
	s10 =	sld [smem:$0x3FAB];
	_ =	sdelay $0x3  }
0x34: {  	[smem:$0x3FAB] =	sst s10  }
0x35: {  	s10 =	sld [smem:$0x3FAA];
	_ =	sdelay $0x3  }
0x36: {  	p1 =	seq.s32 s10, $0x1;
	s10 =	sld [smem:$0x3FAB];
	_ =	sdelay $0x3  }
0x37: {  	[smem:$0x3FAB] =	sst s10  }
0x38: {  	s10 =	sld [smem:$0x3FAC]  }
0x39: {  	_ = 	snop;
	(pc) =	sbr.ind lr, $3  }
0x3a: {  	_ = 	snop  }
0x3b: {  	_ = 	snop  }
0x3c: {  	p2 =	seq.s32 s10, $0x1;
	s10 =	sld [smem:$0x3FAB]  }
0x3d: {  	_ =	shalt  }
0x3e: {  	_ =	shalt  }
0x3f: {  	_ =	shalt  }
0x40: {  	_ =	shalt  }
0x41: {  	_ =	shalt  }
0x42: {  	_ =	shalt  }
0x43: {  	_ =	shalt  }
0x44: {  	_ =	shalt  }
0x45: {  	_ =	shalt  }
0x46: {  	_ =	shalt  }
0x47: {  	_ =	shalt  }
0x48: {  	_ =	shalt  }
0x49: {  	_ =	shalt  }
0x4a: {  	_ =	shalt  }
0x4b: {  	_ =	shalt  }
0x4c: {  	_ =	shalt  }
0x4d: {  	_ =	shalt  }
0x4e: {  	_ =	shalt  }
0x4f: {  	_ =	shalt  }
0x50: {  	_ =	shalt  }
0x51: {  	_ =	shalt  }
0x52: {  	_ =	shalt  }
0x53: {  	_ =	shalt  }
0x54: {  	_ =	shalt  }
0x55: {  	_ =	shalt  }
0x56: {  	_ =	shalt  }
0x57: {  	_ =	shalt  }
0x58: {  	_ =	shalt  }
0x59: {  	_ =	shalt  }
0x5a: {  	_ =	shalt  }
0x5b: {  	_ =	shalt  }
0x5c: {  	_ =	shalt  }
0x5d: {  	_ =	shalt  }
0x5e: {  	_ =	shalt  }
0x5f: {  	_ =	shalt  }
0x60: {  	_ =	shalt  }
0x61: {  	_ =	shalt  }
0x62: {  	_ =	shalt  }
0x63: {  	_ =	shalt  }
0x64: {  	_ =	shalt  }
0x65: {  	_ =	shalt  }
0x66: {  	_ =	shalt  }
0x67: {  	_ =	shalt  }
0x68: {  	_ =	shalt  }
0x69: {  	_ =	shalt  }
0x6a: {  	_ =	shalt  }
0x6b: {  	_ =	shalt  }
0x6c: {  	_ =	shalt  }
0x6d: {  	_ =	shalt  }
0x6e: {  	_ =	shalt  }
0x6f: {  	_ =	shalt  }
0x70: {  	_ =	shalt  }
0x71: {  	_ =	shalt  }
0x72: {  	_ =	shalt  }
0x73: {  	_ =	shalt  }
0x74: {  	_ =	shalt  }
0x75: {  	_ =	shalt  }
0x76: {  	_ =	shalt  }
0x77: {  	_ =	shalt  }
0x78: {  	_ =	shalt  }
0x79: {  	_ =	shalt  }
0x7a: {  	_ =	shalt  }
0x7b: {  	_ =	shalt  }
0x7c: {  	_ =	shalt  }
0x7d: {  	_ =	shalt  }
0x7e: {  	_ =	shalt  }
0x7f: {  	_ =	shalt  }
0x80: {  	_ =	shalt  }
0x81: {  	_ =	shalt  }
0x82: {  	_ =	shalt  }
0x83: {  	_ =	shalt  }
0x84: {  	_ =	shalt  }
0x85: {  	_ =	shalt  }
0x86: {  	_ =	shalt  }
0x87: {  	_ =	shalt  }
.Lfunc_end0:
.L_simem_size_0:
called_computation_lowered:
.L_overlay_start_0:
0x88: {  	s2 =	sld [smem:$0x3FD9]  }
0x89: {  	s3 =	sld [smem:$0x3FFE];
	_ =	sdelay $0x1  }
0x8a: {  	s1 =	srdreg.scid  }
0x8b: {  	s0 =	sand.u32 $0x1, s1  }
0x8c: {  	s16 =	sshll.u32 s0, $0xA;
	s2 =	sadd.s32 s3, s2  }
0x8d: {  	s2 =	sadd.s32 s2, s16  }
0x8e: {  	[smem:$0x3FB7] =	sst s2  }
0x8f: {  	_ = 	snop  }
0x90: {  	(tm) =	ssettm $0x1  }
0x91: {  	s17 =	sld [smem:$0x3FFB];
	_ =	sdelay $0x3  }
0x92: {  	_ =	strace s17  }
0x93: {  	s2 =	sld [smem:$0x3FFC];
	_ =	sdelay $0x3  }
0x94: {  	_ =	strace s2  }
0x95: {  	s2 =	sld [smem:$0x3FFD];
	_ =	sdelay $0x3  }
0x96: {  	_ =	strace s2  }
0x97: {  	_ =	strace $0x8FFFFFFF  }
0x98: {  	s18 =	sld [smem:$0x3FDB];
	_ =	sdelay $0x1  }
0x99: {  	s19 =	simm.s32 $_scs_section_size  }
0x9a: {  	s4 =	simm.s32 $_size__tile_overlayer_lowered;
	s5 =	simm.s32 $_tile_overlayer_lowered  }
0x9b: {  	s22 =	simm.s32 $0x1BFF;
	s21 =	sshll.u32 s5, $0x1;
	s2 =	sadd.s32 s19, s18  }
0x9c: {  	s6 =	simm.s32 $0x0;
	s20 =	sshll.u32 s4, $0x1;
	s4 =	sadd.s32 s21, s2  }
0x9d: {  	[timem:s6], [sflag:s22] =	dma.local [hbm:s4], s20  }
0x9e: {  	_ =	swait.ge [sflag:s22], s20  }
0x9f: {  	s3 =	ssub.s32 $0x0, s20;
	[sflag:s22] =	ssyncset.done $0x0  }
0xa0: {  	[sflag:s22] =	ssyncadd.s32 s3;
	_ =	sdelay $0x1  }
0xa1: {  	s23 =	simm.s32 $0x1B8B  }
0xa2: {  	_ =	swait.ge [sflag:s23], $0x1  }
0xa3: {  	[sflag:s23] =	ssyncset.done $0x0  }
0xa4: {  	s25 =	simm.s32 $0x1B8E;
	s24 =	sld [smem:$0x3FFE];
	[sflag:s23] =	ssyncadd.s32 $0xFFFFFFFF  }
0xa5: {  	s26 =	simm.s32 $execute0_lowered;
	[smem:$0x3FD2] =	sst s25  }
0xa6: {  	s4 =	sshll.u32 s26, $0x1;
	_ =	strace $0x80000046;
	[dreg:$0x1] =	wrdreg $0xFFFFFFFF  }
0xa7: {  	s28 =	simm.s32 $_size_execute0_lowered;
	s2 =	sadd.s32 s2, s4;
	[dreg:$0x0] =	wrdreg $0x0  }
0xa8: {  	s4 =	sshll.u32 s28, $0x1;
	[dreg:$0x2] =	wrdreg s2  }
0xa9: {  	[dreg:$0x3] =	wrdreg s4  }
0xaa: {  	[dreg:$0x4] =	wrdreg $0xC0  }
0xab: {  	_ =	task [dreg:s6], $0x5FFFF  }
0xac: {  	[dreg:$0x1] =	wrdreg $0xFFFFFFFF  }
0xad: {  	[dreg:$0x0] =	wrdreg $0x60  }
0xae: {  	[dreg:$0x2] =	wrdreg s24  }
0xaf: {  	[dreg:$0x3] =	wrdreg $0x2B000  }
0xb0: {  	[dreg:$0x4] =	wrdreg $0x9  }
0xb1: {  	_ =	task.clear_ibuf [dreg:s6], $0x5FFFF;
	_ =	strace $0x90000046  }
0xb2: {  	s29 =	simm.s32 $0x9;
	_ =	strace $0x80000048  }
0xb3: {  	_ =	swait.ge [sflag:s29], $0x1  }
0xb4: {  	[sflag:s29] =	ssyncadd.s32 $0xFFFFFFFF  }
0xb5: {  	_ =	strace $0x90000048  }
0xb6: {  	_ =	sfence  }
0xb7: {  	s30 =	sld [smem:$0x0];
	_ =	sdelay $0x2  }
0xb8: {  	s31 =	sshll.u32 s1, $0xD;
	s1 =	sshrl.u32 s1, $0x2  }
0xb9: {  	s3 =	sand.u32 $0x4000, s31;
	s1 =	sadd.s32 s1, s30  }
0xba: {  	s0 =	sor.u32 s3, s0;
	s1 =	sshll.u32 s1, $0x11  }
0xbb: {  	s0 =	sor.u32 s1, s0  }
0xbc: {  	s0 =	sadd.s32 $0x8F2B, s0  }
0xbd: {  	[sflag:s0] =	ssyncadd.remote.s32 $0x1  }
0xbe: {  	_ =	sfence.sel $0xFFFF  }
0xbf: {  	[dreg:$0x0] =	wrdreg $0xFFFFFFFF;
	(pc) =	sbr.abs _section_cstart, $3  }
0xc0: {  	[dreg:$0x1] =	wrdreg $0xFFFFFFFF  }
0xc1: {  	_ =	task.clear_ibuf [dreg:s6], $0x2FFFF;
	_ =	strace $0x9FFFFFFF  }
0xc2: {  	(tm) =	ssettm $0x7FFFFFFF  }
0xc3: {  	_ =	shalt  }
tec
execute0_lowered:
.L_overlay_start_1:
0x0: {  	(tag) =	ssettag $0x1  }
0x1: {  	s0 =	srdreg.scid;
	s7 =	rddreg [dreg:$0x0]  }
0x2: {  	s2 =	rddreg [dreg:$0x1];
	s1 =	stileid.u32  }
0x3: {  	s3 =	simm.s32 $0x0;
	s10 =	simm.s32 $0x80;
	s11 =	simm.s32 $0x2800  }
0x4: {  	s14 =	simm.s32 $0x0;
	s4 =	sand.u32 $0x1, s0;
	s0 =	rddreg [dreg:$0x2]  }
0x5: {  	[smem:$0x7FF] =	sst s3;
	s9 =	smul.u32 $0x280, s1;
	s12 =	sshll.u32 s1, $0x6  }
0x6: {  	s5 =	sshll.u32 s4, $0x4;
	_ =	strace $0x80000047;
	s6 =	ssub.s32 $0x2, s4  }
0x7: {  	p0 =	seq.s32 s4, $0x1;
	s12 =	sor.u32 $0x1C01, s12;
	s5 =	sor.u32 s1, s5  }
0x8: {  	s8 =	sshrl.u32 s6, $0x1;
	s4 =	sadd.s32 s9, s2;
	s9 =	sshrl.u32 s9, $0x3  }
0x9: {  	s5 =	smul.u32 $0x500, s5;
	s6 =	ssub.s32 s6, s8;
	s8 =	simm.s32 $0x19C00  }
0xa: {  	s13 =	sshrl.u32 s4, $0x3;
	s8 =	simm.s32 @!p0 $0x19600;
	s6 =	smax.u32 s6, $0x1  }
0xb: {  	s5 =	sadd.s32 s5, s7;
	s7 =	sadd.s32 s8, s7;
	s8 =	simm.s32 $0x2880  }
0xc: {  	v0 =	vimm.f32 $1.000000000e+00;
	v1 =	vimm.f32 $0.0e+00;
	s5 =	sadd.s32 $0xF600, s5;
	s7 =	sadd.s32 s7, s9;
	s9 =	simm.s32 $0x1  }
.LBB2_1:
0xd: {  	[tilespmem:$0x2800] =	vst v0  }
0xe: {  	[tilespmem:$0x2810] =	vst v0  }
0xf: {  	[tilespmem:$0x2820] =	vst v0  }
0x10: {  	[tilespmem:$0x2830] =	vst v0  }
0x11: {  	[tilespmem:$0x2840] =	vst v0  }
0x12: {  	[tilespmem:$0x2850] =	vst v0  }
0x13: {  	[tilespmem:$0x2860] =	vst v0  }
0x14: {  	[tilespmem:$0x2870] =	vst v0  }
0x15: {  	[tilespmem:$0x2880] =	vst v1  }
0x16: {  	[tilespmem:$0x2890] =	vst v1  }
0x17: {  	[tilespmem:$0x28A0] =	vst v1  }
0x18: {  	[tilespmem:$0x28B0] =	vst v1  }
0x19: {  	[tilespmem:$0x28C0] =	vst v1  }
0x1a: {  	[tilespmem:$0x28D0] =	vst v1  }
0x1b: {  	[tilespmem:$0x28E0] =	vst v1  }
0x1c: {  	[tilespmem:$0x28F0] =	vst v1  }
0x1d: {  	[tilespmem:$0x2900] =	vst v1  }
0x1e: {  	[tilespmem:$0x2910] =	vst v1  }
0x1f: {  	[tilespmem:$0x2920] =	vst v1  }
0x20: {  	[tilespmem:$0x2930] =	vst v1  }
0x21: {  	[tilespmem:$0x2940] =	vst v1  }
0x22: {  	[tilespmem:$0x2950] =	vst v1  }
0x23: {  	[tilespmem:$0x2960] =	vst v1  }
0x24: {  	[tilespmem:$0x2970] =	vst v1  }
0x25: {  	[tilespmem:$0x2980] =	vst v1  }
0x26: {  	[tilespmem:$0x2990] =	vst v1  }
0x27: {  	[tilespmem:$0x29A0] =	vst v1  }
0x28: {  	[tilespmem:$0x29B0] =	vst v1  }
0x29: {  	[tilespmem:$0x29C0] =	vst v1  }
0x2a: {  	[tilespmem:$0x29D0] =	vst v1  }
0x2b: {  	[tilespmem:$0x29E0] =	vst v1  }
0x2c: {  	[tilespmem:$0x29F0] =	vst v1  }
0x2d: {  	[tilespmem:$0x2A00] =	vst v1  }
0x2e: {  	[tilespmem:$0x2A10] =	vst v1  }
0x2f: {  	[tilespmem:$0x2A20] =	vst v1  }
0x30: {  	[tilespmem:$0x2A30] =	vst v1  }
0x31: {  	[tilespmem:$0x2A40] =	vst v1  }
0x32: {  	[tilespmem:$0x2A50] =	vst v1  }
0x33: {  	[tilespmem:$0x2A60] =	vst v1  }
0x34: {  	[tilespmem:$0x2A70] =	vst v1  }
0x35: {  	[tilespmem:$0x2A80] =	vst v1  }
0x36: {  	[tilespmem:$0x2A90] =	vst v1  }
0x37: {  	[tilespmem:$0x2AA0] =	vst v1  }
0x38: {  	[tilespmem:$0x2AB0] =	vst v1  }
0x39: {  	[tilespmem:$0x2AC0] =	vst v1  }
0x3a: {  	[tilespmem:$0x2AD0] =	vst v1  }
0x3b: {  	[tilespmem:$0x2AE0] =	vst v1  }
0x3c: {  	[tilespmem:$0x2AF0] =	vst v1  }
0x3d: {  	[spmem:s4] =	stream.linear.scatter [tilespmem:s8], [sflag:$0x1], $0x280, $0x38;
	[tilespmem:$0x2D80] =	vst v63  }
0x3e: {  	_ =	swait.ge [sflag:s9], $0x280  }
0x3f: {  	[sflag:s9] =	ssyncset.done $0x0  }
0x40: {  	[sflag:s9] =	ssyncadd.s32 $0xFFFFFD80  }
0x41: {  	[bflag:$0x0] =	sbarrier.arrive $0xFFFF  }
0x42: {  	[tilespmem:s3], [sflag:$0x1] =	stream.linear.gather [hbm4b:s5+s3], $0x2800, $0x38;
	[tilespmem:$0x2D80] =	vst v63  }
0x43: {  	_ =	swait.ge [sflag:s9], $0x2800  }
0x44: {  	[sflag:s9] =	ssyncset.done $0x0  }
0x45: {  	s15 =	simm.s32 $0x0;
	[sflag:s9] =	ssyncadd.s32 $0xFFFFD800  }
0x46: {  	[spmem:s2] =	stream.indirect.scatter.add.f32 [tilespmem:s11], [sflag:$0x1], $0x1, s15, s10, $0xb8;
	[tilespmem:$0x2D80] =	vst v63  }
0x47: {  	_ =	swait.ge [sflag:s9], $0x80  }
0x48: {  	s15 =	simm.s32 $0x200;
	[sflag:s9] =	ssyncset.done $0x0  }
.LBB2_2:
0x49: {  	s16 =	sshra.s32 s15, $0x2;
	[sflag:s9] =	ssyncadd.s32 $0xFFFFFF80;
	p0 =	sne.s32 s15, $0x9E00  }
0x4a: {  	[spmem:s2] =	stream.indirect.scatter.add.f32 [tilespmem:s11], [sflag:$0x1], $0x1, s16, s10, $0xb8;
	[tilespmem:$0x2D80] =	vst v63  }
.Ltmp0:
0x4b: {  	_ = 	snop;
	(pc) =	sbr.rel @p0 .LBB2_2-.Ltmp0, $4  }
0x4c: {  	_ = 	snop  }
0x4d: {  	s15 =	sadd.s32 $0x200, s15  }
0x4e: {  	_ =	swait.ge [sflag:s9], $0x80  }
0x4f: {  	[sflag:s9] =	ssyncset.done $0x0  }
0x50: {  	s14 =	sadd.s32 $0x1, s14  }
0x51: {  	[sflag:s9] =	ssyncadd.s32 $0xFFFFFF80;
	p0 =	sne.s32 s14, s6  }
.Ltmp1:
0x52: {  	[bflag:$0x0] =	sbarrier.arrive $0xFFFF;
	(pc) =	sbr.rel @p0 .LBB2_1-.Ltmp1, $4  }
0x53: {  	[hbm:s7], [sflag:s12] =	dma.local [spmem:s13], $0x50  }
0x54: {  	_ =	swait.ge [sflag:s9], $0x50  }
0x55: {  	[sflag:s9] =	ssyncset.done $0x0  }
0x56: {  	[sflag:s9] =	ssyncadd.s32 $0xFFFFFFB0  }
0x57: {  	_ =	sfence.sel $0x180000  }
0x58: {  	[bflag:$0x0] =	sbarrier.arrive $0xFFFF  }
0x59: {  	p0 =	sne.s32 s1, $0x0;
	_ =	strace $0x90000047  }
0x5a: {  	s0 =	sadd.s32 @!p0 $0x100000, s0;
	[bflag:$0x2] =	sbarrier.arrive $0xFFFF  }
0x5b: {  	[sflag:s0] =	ssyncadd.tile.s32 @!p0 $0x1;
	_ =	shalt  }
.Lfunc_end2:
_tile_overlayer_lowered:
.L_overlay_start_2:
0x5c: {  	(tag) =	ssettag $0x2  }
0x5d: {  	s0 =	rddreg [dreg:$0x0];
	s2 =	stileid.u32  }
0x5e: {  	s1 =	rddreg [dreg:$0x1];
	p0 =	sne.s32 s2, $0x0  }
0x5f: {  	s3 =	rddreg [dreg:$0x2];
	[bflag:$0x3] =	sbarrier.arrive $0xFFFF;
	s2 =	simm.s32 @!p0 $0x1C01  }
0x60: {  	[timem:s3], [sflag:s2] =	dma.local @!p0 [hbm:s0], s1  }
0x61: {  	s0 =	simm.s32 @!p0 $0x1  }
0x62: {  	_ =	swait.ge @!p0 [sflag:s0], s1  }
0x63: {  	s1 =	ssub.s32 @!p0 $0x0, s1;
	[sflag:s0] =	ssyncset.done @!p0 $0x0  }
0x64: {  	[sflag:s0] =	ssyncadd.s32 @!p0 s1  }
0x65: {  	[bflag:$0x3] =	sbarrier.arrive $0xFFFF  }
0x66: {  	_ =	shalt  }

// kernel: kernel.13.cloned.1.call-start
scs
__scs_entry_jumppad:
0x0: {  	(pc) =	sbr.rel $0x88, $3  }
0x1: {  	(tag) =	ssettag $0x0;
	lr =	simm.s32 $0x1  }
0x2: {  	[smem:$0x3F90] =	sst lr;
	_ =	strace $0xD0000000  }
0x3: {  	_ = 	snop  }
0x4: {  	_ = 	snop  }
0x5: {  	_ = 	snop  }
0x6: {  	_ = 	snop  }
0x7: {  	_ = 	snop  }
__scs_overlays_trampoline_lowered:
0x8: {  	[smem:$0x3F9F] =	sst s0  }
0x9: {  	[smem:$0x3FA0] =	sst s1  }
0xa: {  	[smem:$0x3FA1] =	sst s2  }
0xb: {  	[smem:$0x3FA2] =	sst s3  }
0xc: {  	[smem:$0x3FA3] =	sst s4  }
0xd: {  	[smem:$0x3FA4] =	sst s5  }
0xe: {  	[smem:$0x3FA5] =	sst s6  }
0xf: {  	[smem:$0x3FA6] =	sst s7  }
0x10: {  	[smem:$0x3FA7] =	sst s8  }
0x11: {  	[smem:$0x3FA8] =	sst s9;
	s0 =	simm.s32 @!p0 $0x0  }
0x12: {  	s1 =	sld [smem:$0x3F8E];
	s0 =	simm.s32 @p0 $0x1  }
0x13: {  	[smem:$0x3FA9] =	sst s0;
	s0 =	simm.s32 @!p1 $0x0  }
0x14: {  	s2 =	sld [smem:$0x3F8D];
	s0 =	simm.s32 @p1 $0x1  }
0x15: {  	[smem:$0x3FAA] =	sst s0;
	s0 =	simm.s32 @!p2 $0x0  }
0x16: {  	s3 =	sld [smem:$0x3FDB];
	s0 =	simm.s32 @p2 $0x1  }
0x17: {  	s4 =	simm.s32 $0x1BF5;
	[smem:$0x3FAC] =	sst s0  }
0x18: {  	s0 =	sld [smem:$0x3F8F];
	_ =	swait.ge [sflag:s4], $0x0  }
0x19: {  	s7 =	sld [smem:$0x3F90]  }
0x1a: {  	s8 =	sadd.s32 $0xFFFFE003, lr  }
0x1b: {  	s9 =	sadd.s32 $0xFFFFFEF7, lr;
	s5 =	simm.s32 $0xFFFFFFFF;
	p2 =	slt.u32 s8, $0xFFFFF086  }
0x1c: {  	p1 =	slt.u32 s9, $0xF7A;
	s5 =	simm.s32 @!p2 $0x0  }
0x1d: {  	s5 =	simm.s32 @p1 $0x1;
	p0 =	seq.s32 s7, s2  }
0x1e: {  	s7 =	smul.u32 @!p0 $0xF7A, s2;
	p2 =	seq.s32 @!p0 s5, $0x0  }
0x1f: {  	s9 =	smul.u32 $0xF7A, s1;
	s8 =	simm.s32 @!p0 $0x1BF5;
	p2 =	por !p2, p0  }
0x20: {  	[sflag:s8] =	ssyncset.s32 @!p0 $0xFFFFF086;
	s6 =	sadd.s32 @!p0 s3, s7;
	s7 =	simm.s32 @!p0 $0x108  }
0x21: {  	s3 =	sadd.s32 s3, s9;
	s6 =	sadd.s32 @!p0 $0x88, s6;
	s7 =	simm.s32 @p2 $0x1082  }
0x22: {  	[simem:s7], [sflag:s8] =	dma.local @!p0 [hbm:s6], $0xF7A  }
0x23: {  	s9 =	sor.u32 $0xD0000000, s2;
	s6 =	simm.s32 $0x108;
	_ =	swait.ge @!p0 [sflag:s8], $0x0  }
0x24: {  	s3 =	sadd.s32 $0x88, s3;
	s6 =	simm.s32 @!p1 $0x1082;
	[sflag:s4] =	ssyncset.s32 $0xFFFFF086  }
0x25: {  	[simem:s6], [sflag:s4] =	dma.local [hbm:s3], $0xF7A  }
0x26: {  	[smem:$0x3F90] =	sst s1;
	(tag) =	ssettag s2;
	_ =	strace s9  }
0x27: {  	s1 =	sld [smem:$0x3FA0]  }
0x28: {  	s2 =	sld [smem:$0x3FA1]  }
0x29: {  	s4 =	sld [smem:$0x3FA3]  }
0x2a: {  	p0 =	seq.s32 s5, $0x0;
	s5 =	sld [smem:$0x3FA4]  }
0x2b: {  	s6 =	sld [smem:$0x3FA5]  }
0x2c: {  	s7 =	sld [smem:$0x3FA6]  }
0x2d: {  	s3 =	simm.s32 $0x108;
	s8 =	sld [smem:$0x3FA7]  }
0x2e: {  	s3 =	simm.s32 @!p0 $0x1082;
	s9 =	sld [smem:$0x3FA8]  }
0x2f: {  	lr =	sadd.s32 s0, s3;
	s0 =	sld [smem:$0x3F9F]  }
0x30: {  	s3 =	sld [smem:$0x3FA2]  }
0x31: {  	[smem:$0x3FAB] =	sst s10  }
0x32: {  	s10 =	sld [smem:$0x3FA9];
	_ =	sdelay $0x3  }
0x33: {  	p0 =	seq.s32 s10, $0x1;
	s10 =	sld [smem:$0x3FAB];
	_ =	sdelay $0x3  }
0x34: {  	[smem:$0x3FAB] =	sst s10  }
0x35: {  	s10 =	sld [smem:$0x3FAA];
	_ =	sdelay $0x3  }
0x36: {  	p1 =	seq.s32 s10, $0x1;
	s10 =	sld [smem:$0x3FAB];
	_ =	sdelay $0x3  }
0x37: {  	[smem:$0x3FAB] =	sst s10  }
0x38: {  	s10 =	sld [smem:$0x3FAC]  }
0x39: {  	_ = 	snop;
	(pc) =	sbr.ind lr, $3  }
0x3a: {  	_ = 	snop  }
0x3b: {  	_ = 	snop  }
0x3c: {  	p2 =	seq.s32 s10, $0x1;
	s10 =	sld [smem:$0x3FAB]  }
0x3d: {  	_ =	shalt  }
0x3e: {  	_ =	shalt  }
0x3f: {  	_ =	shalt  }
0x40: {  	_ =	shalt  }
0x41: {  	_ =	shalt  }
0x42: {  	_ =	shalt  }
0x43: {  	_ =	shalt  }
0x44: {  	_ =	shalt  }
0x45: {  	_ =	shalt  }
0x46: {  	_ =	shalt  }
0x47: {  	_ =	shalt  }
0x48: {  	_ =	shalt  }
0x49: {  	_ =	shalt  }
0x4a: {  	_ =	shalt  }
0x4b: {  	_ =	shalt  }
0x4c: {  	_ =	shalt  }
0x4d: {  	_ =	shalt  }
0x4e: {  	_ =	shalt  }
0x4f: {  	_ =	shalt  }
0x50: {  	_ =	shalt  }
0x51: {  	_ =	shalt  }
0x52: {  	_ =	shalt  }
0x53: {  	_ =	shalt  }
0x54: {  	_ =	shalt  }
0x55: {  	_ =	shalt  }
0x56: {  	_ =	shalt  }
0x57: {  	_ =	shalt  }
0x58: {  	_ =	shalt  }
0x59: {  	_ =	shalt  }
0x5a: {  	_ =	shalt  }
0x5b: {  	_ =	shalt  }
0x5c: {  	_ =	shalt  }
0x5d: {  	_ =	shalt  }
0x5e: {  	_ =	shalt  }
0x5f: {  	_ =	shalt  }
0x60: {  	_ =	shalt  }
0x61: {  	_ =	shalt  }
0x62: {  	_ =	shalt  }
0x63: {  	_ =	shalt  }
0x64: {  	_ =	shalt  }
0x65: {  	_ =	shalt  }
0x66: {  	_ =	shalt  }
0x67: {  	_ =	shalt  }
0x68: {  	_ =	shalt  }
0x69: {  	_ =	shalt  }
0x6a: {  	_ =	shalt  }
0x6b: {  	_ =	shalt  }
0x6c: {  	_ =	shalt  }
0x6d: {  	_ =	shalt  }
0x6e: {  	_ =	shalt  }
0x6f: {  	_ =	shalt  }
0x70: {  	_ =	shalt  }
0x71: {  	_ =	shalt  }
0x72: {  	_ =	shalt  }
0x73: {  	_ =	shalt  }
0x74: {  	_ =	shalt  }
0x75: {  	_ =	shalt  }
0x76: {  	_ =	shalt  }
0x77: {  	_ =	shalt  }
0x78: {  	_ =	shalt  }
0x79: {  	_ =	shalt  }
0x7a: {  	_ =	shalt  }
0x7b: {  	_ =	shalt  }
0x7c: {  	_ =	shalt  }
0x7d: {  	_ =	shalt  }
0x7e: {  	_ =	shalt  }
0x7f: {  	_ =	shalt  }
0x80: {  	_ =	shalt  }
0x81: {  	_ =	shalt  }
0x82: {  	_ =	shalt  }
0x83: {  	_ =	shalt  }
0x84: {  	_ =	shalt  }
0x85: {  	_ =	shalt  }
0x86: {  	_ =	shalt  }
0x87: {  	_ =	shalt  }
.Lfunc_end0:
.L_simem_size_0:
called_computation.1_lowered:
.L_overlay_start_0:
0x88: {  	s2 =	sld [smem:$0x3FD9]  }
0x89: {  	s3 =	sld [smem:$0x3FFE];
	_ =	sdelay $0x1  }
0x8a: {  	s1 =	srdreg.scid  }
0x8b: {  	s0 =	sand.u32 $0x1, s1  }
0x8c: {  	s16 =	sshll.u32 s0, $0xA;
	s2 =	sadd.s32 s3, s2  }
0x8d: {  	s2 =	sadd.s32 s2, s16  }
0x8e: {  	[smem:$0x3FB7] =	sst s2  }
0x8f: {  	_ = 	snop  }
0x90: {  	(tm) =	ssettm $0x1  }
0x91: {  	s17 =	sld [smem:$0x3FFB];
	_ =	sdelay $0x3  }
0x92: {  	_ =	strace s17  }
0x93: {  	s2 =	sld [smem:$0x3FFC];
	_ =	sdelay $0x3  }
0x94: {  	_ =	strace s2  }
0x95: {  	s2 =	sld [smem:$0x3FFD];
	_ =	sdelay $0x3  }
0x96: {  	_ =	strace s2  }
0x97: {  	_ =	strace $0x8FFFFFFF  }
0x98: {  	s18 =	sld [smem:$0x3FDB];
	_ =	sdelay $0x1  }
0x99: {  	s19 =	simm.s32 $_scs_section_size  }
0x9a: {  	s4 =	simm.s32 $_size__tile_overlayer_lowered;
	s5 =	simm.s32 $_tile_overlayer_lowered  }
0x9b: {  	s22 =	simm.s32 $0x1BFF;
	s21 =	sshll.u32 s5, $0x1;
	s2 =	sadd.s32 s19, s18  }
0x9c: {  	s6 =	simm.s32 $0x0;
	s20 =	sshll.u32 s4, $0x1;
	s4 =	sadd.s32 s21, s2  }
0x9d: {  	[timem:s6], [sflag:s22] =	dma.local [hbm:s4], s20  }
0x9e: {  	_ =	swait.ge [sflag:s22], s20  }
0x9f: {  	s3 =	ssub.s32 $0x0, s20;
	[sflag:s22] =	ssyncset.done $0x0  }
0xa0: {  	[sflag:s22] =	ssyncadd.s32 s3;
	_ =	sdelay $0x1  }
0xa1: {  	s23 =	simm.s32 $0x1B8B  }
0xa2: {  	_ =	swait.ge [sflag:s23], $0x1  }
0xa3: {  	[sflag:s23] =	ssyncset.done $0x0  }
0xa4: {  	s25 =	simm.s32 $0x1B8E;
	s24 =	sld [smem:$0x3FFE];
	[sflag:s23] =	ssyncadd.s32 $0xFFFFFFFF  }
0xa5: {  	s26 =	simm.s32 $execute0_lowered;
	[smem:$0x3FD2] =	sst s25  }
0xa6: {  	s4 =	sshll.u32 s26, $0x1;
	_ =	strace $0x80000049;
	[dreg:$0x1] =	wrdreg $0xFFFFFFFF  }
0xa7: {  	s28 =	simm.s32 $_size_execute0_lowered;
	s2 =	sadd.s32 s2, s4;
	[dreg:$0x0] =	wrdreg $0x0  }
0xa8: {  	s4 =	sshll.u32 s28, $0x1;
	[dreg:$0x2] =	wrdreg s2  }
0xa9: {  	[dreg:$0x3] =	wrdreg s4  }
0xaa: {  	[dreg:$0x4] =	wrdreg $0xC0  }
0xab: {  	_ =	task [dreg:s6], $0x5FFFF  }
0xac: {  	[dreg:$0x1] =	wrdreg $0xFFFFFFFF  }
0xad: {  	[dreg:$0x0] =	wrdreg $0x60  }
0xae: {  	[dreg:$0x2] =	wrdreg s24  }
0xaf: {  	[dreg:$0x3] =	wrdreg $0xA8000  }
0xb0: {  	[dreg:$0x4] =	wrdreg $0x9  }
0xb1: {  	_ =	task.clear_ibuf [dreg:s6], $0x5FFFF;
	_ =	strace $0x90000049  }
0xb2: {  	s29 =	simm.s32 $0x9;
	_ =	strace $0x8000004B  }
0xb3: {  	_ =	swait.ge [sflag:s29], $0x1  }
0xb4: {  	[sflag:s29] =	ssyncadd.s32 $0xFFFFFFFF  }
0xb5: {  	_ =	strace $0x9000004B  }
0xb6: {  	_ =	sfence  }
0xb7: {  	s30 =	sld [smem:$0x0];
	_ =	sdelay $0x2  }
0xb8: {  	s31 =	sshll.u32 s1, $0xD;
	s1 =	sshrl.u32 s1, $0x2  }
0xb9: {  	s3 =	sand.u32 $0x4000, s31;
	s1 =	sadd.s32 s1, s30  }
0xba: {  	s0 =	sor.u32 s3, s0;
	s1 =	sshll.u32 s1, $0x11  }
0xbb: {  	s0 =	sor.u32 s1, s0  }
0xbc: {  	s0 =	sadd.s32 $0x8F2B, s0  }
0xbd: {  	[sflag:s0] =	ssyncadd.remote.s32 $0x1  }
0xbe: {  	_ =	sfence.sel $0xFFFF  }
0xbf: {  	[dreg:$0x0] =	wrdreg $0xFFFFFFFF;
	(pc) =	sbr.abs _section_cstart, $3  }
0xc0: {  	[dreg:$0x1] =	wrdreg $0xFFFFFFFF  }
0xc1: {  	_ =	task.clear_ibuf [dreg:s6], $0x2FFFF;
	_ =	strace $0x9FFFFFFF  }
0xc2: {  	(tm) =	ssettm $0x7FFFFFFF  }
0xc3: {  	_ =	shalt  }
tec
execute0_lowered:
.L_overlay_start_1:
0x0: {  	(tag) =	ssettag $0x1  }
0x1: {  	s13 =	rddreg [dreg:$0x0]  }
0x2: {  	s1 =	rddreg [dreg:$0x1]  }
0x3: {  	s0 =	rddreg [dreg:$0x2];
	s3 =	simm.s32 $0x0  }
0x4: {  	s4 =	srdreg.scid;
	s2 =	stileid.u32;
	s18 =	simm.s32 $0x69600  }
0x5: {  	s19 =	simm.s32 $0x80;
	s20 =	simm.s32 $0x6800;
	s21 =	simm.s32 $0x1  }
0x6: {  	s22 =	simm.s32 $0x2;
	s23 =	simm.s32 $0x2700;
	s24 =	simm.s32 $0x2780  }
0x7: {  	[smem:$0x7FF] =	sst s3;
	s10 =	sand.u32 $0x1, s4;
	s5 =	smul.u32 $0x50000, s2  }
0x8: {  	s4 =	sadd.s32 $0x19600, s13;
	s14 =	sadd.s32 $0x5600, s13;
	s15 =	sadd.s32 $0xF600, s13  }
0x9: {  	s17 =	smul.u32 $0x2800, s2;
	_ =	strace $0x8000004A;
	s6 =	ssub.s32 $0x2, s10  }
0xa: {  	s8 =	sshll.u32 s10, $0x4;
	p0 =	seq.s32 s10, $0x1;
	s7 =	sshrl.u32 s6, $0x1  }
0xb: {  	s5 =	sshrl.u32 s5, $0x2;
	s12 =	sor.u32 s2, s8;
	s18 =	simm.s32 @!p0 $0x41600  }
0xc: {  	s11 =	ssub.s32 s6, s7;
	s5 =	sadd.s32 s5, s1;
	s16 =	smul.u32 $0x500, s12  }
0xd: {  	s18 =	sadd.s32 s18, s13;
	s6 =	sadd.s32 $0x4000, s5;
	s7 =	sadd.s32 $0x8000, s5  }
0xe: {  	s8 =	sadd.s32 $0xC000, s5;
	s9 =	sadd.s32 $0x10000, s5;
	s10 =	smax.u32 s11, $0x1  }
0xf: {  	s11 =	sadd.s32 s14, s16;
	s12 =	sadd.s32 s15, s16;
	s16 =	sadd.s32 $0x280, s16  }
0x10: {  	s13 =	sadd.s32 s14, s16;
	s14 =	sadd.s32 s15, s16;
	s15 =	sadd.s32 s18, s17  }
0x11: {  	v0 =	vimm.f32 $0.0e+00;
	s16 =	simm.s32 $0x2800;
	s17 =	simm.s32 $0x3;
	s18 =	simm.s32 $0x1400  }
.LBB2_1:
0x12: {  	s25 =	simm.s32 $0x0;
	s26 =	simm.s32 $0x200  }
.LBB2_2:
0x13: {  	p0 =	sne.s32 s26, $0xFE00;
	[tilespmem:s25+$0x2870] =	vst v0  }
0x14: {  	[tilespmem:s25+$0x2800] =	vst v0  }
0x15: {  	[tilespmem:s25+$0x2810] =	vst v0  }
.Ltmp0:
0x16: {  	[tilespmem:s25+$0x2820] =	vst v0;
	(pc) =	sbr.rel @p0 .LBB2_2-.Ltmp0, $4  }
0x17: {  	[tilespmem:s25+$0x2830] =	vst v0  }
0x18: {  	[tilespmem:s25+$0x2840] =	vst v0  }
0x19: {  	[tilespmem:s25+$0x2850] =	vst v0  }
0x1a: {  	[tilespmem:s25+$0x2860] =	vst v0;
	s25 =	sshra.s32 s26, $0x2;
	s26 =	sadd.s32 $0x200, s26  }
0x1b: {  	[tilespmem:s25+$0x2870] =	vst v0  }
0x1c: {  	[tilespmem:s25+$0x2800] =	vst v0  }
0x1d: {  	[tilespmem:s25+$0x2810] =	vst v0  }
0x1e: {  	[tilespmem:s25+$0x2820] =	vst v0  }
0x1f: {  	[tilespmem:s25+$0x2830] =	vst v0  }
0x20: {  	[tilespmem:s25+$0x2840] =	vst v0  }
0x21: {  	[tilespmem:s25+$0x2850] =	vst v0  }
0x22: {  	[tilespmem:s25+$0x2860] =	vst v0  }
0x23: {  	[spmem:s5] =	stream.linear.scatter [tilespmem:s16], [sflag:$0x3], $0x4000, $0x38;
	[tilespmem:$0x1E800] =	vst v63  }
0x24: {  	_ =	swait.ge [sflag:s17], $0x4000  }
0x25: {  	[sflag:s17] =	ssyncset.done $0x0  }
0x26: {  	[sflag:s17] =	ssyncadd.s32 $0xFFFFC000  }
0x27: {  	[spmem:s6] =	stream.linear.scatter [tilespmem:s16], [sflag:$0x3], $0x4000, $0x38;
	[tilespmem:$0x1E800] =	vst v63  }
0x28: {  	_ =	swait.ge [sflag:s17], $0x4000  }
0x29: {  	[sflag:s17] =	ssyncset.done $0x0  }
0x2a: {  	[sflag:s17] =	ssyncadd.s32 $0xFFFFC000  }
0x2b: {  	[spmem:s7] =	stream.linear.scatter [tilespmem:s16], [sflag:$0x3], $0x4000, $0x38;
	[tilespmem:$0x1E800] =	vst v63  }
0x2c: {  	_ =	swait.ge [sflag:s17], $0x4000  }
0x2d: {  	[sflag:s17] =	ssyncset.done $0x0  }
0x2e: {  	[sflag:s17] =	ssyncadd.s32 $0xFFFFC000  }
0x2f: {  	[spmem:s8] =	stream.linear.scatter [tilespmem:s16], [sflag:$0x3], $0x4000, $0x38;
	[tilespmem:$0x1E800] =	vst v63  }
0x30: {  	_ =	swait.ge [sflag:s17], $0x4000  }
0x31: {  	[sflag:s17] =	ssyncset.done $0x0  }
0x32: {  	[sflag:s17] =	ssyncadd.s32 $0xFFFFC000  }
0x33: {  	[spmem:s9] =	stream.linear.scatter [tilespmem:s16], [sflag:$0x3], $0x4000, $0x38;
	[tilespmem:$0x1E800] =	vst v63  }
0x34: {  	_ =	swait.ge [sflag:s17], $0x4000  }
0x35: {  	[sflag:s17] =	ssyncset.done $0x0  }
0x36: {  	[sflag:s17] =	ssyncadd.s32 $0xFFFFC000  }
0x37: {  	s28 =	simm.s32 $0x0;
	[bflag:$0x0] =	sbarrier.arrive $0xFFFF  }
0x38: {  	[tilespmem:s28], [sflag:$0x3] =	stream.linear.gather [hbm4b:s11+s28], $0x1400, $0x38;
	[tilespmem:$0x1E800] =	vst v63  }
0x39: {  	_ =	swait.ge [sflag:s17], $0x1400  }
0x3a: {  	[sflag:s17] =	ssyncset.done $0x0  }
0x3b: {  	[sflag:s17] =	ssyncadd.s32 $0xFFFFEC00  }
0x3c: {  	[tilespmem:s18], [sflag:$0x3] =	stream.linear.gather [hbm4b:s12+s28], $0x1400, $0x38;
	[tilespmem:$0x1E800] =	vst v63  }
0x3d: {  	_ =	swait.ge [sflag:s17], $0x1400  }
0x3e: {  	[sflag:s17] =	ssyncset.done $0x0  }
0x3f: {  	[sflag:s17] =	ssyncadd.s32 $0xFFFFEC00  }
0x40: {  	[tilespmem:s16], [sflag:$0x1] =	stream.indirect.gather [hbm4b:s4+s19], $0x80, s28, s19, $0xb8;
	[tilespmem:$0x1E800] =	vst v63  }
0x41: {  	_ = 	snop  }
0x42: {  	[tilespmem:s20], [sflag:$0x2] =	stream.indirect.gather [hbm4b:s4+s19], $0x80, s19, s19, $0xb8;
	[tilespmem:$0x1E800] =	vst v63  }
0x43: {  	_ =	swait.ge [sflag:s21], $0x4000  }
0x44: {  	[sflag:s21] =	ssyncset.done $0x0  }
0x45: {  	s29 =	simm.s32 $0x1400;
	[sflag:s21] =	ssyncadd.s32 $0xFFFFC000  }
0x46: {  	[spmem:s1] =	stream.indirect.scatter.add.f32 [tilespmem:s16], [sflag:$0x3], $0x80, s29, s19, $0xb8;
	[tilespmem:$0x1E800] =	vst v63  }
0x47: {  	_ =	swait.ge [sflag:s17], $0x4000  }
0x48: {  	[sflag:s17] =	ssyncset.done $0x0  }
0x49: {  	s30 =	simm.s32 $0x100;
	[sflag:s17] =	ssyncadd.s32 $0xFFFFC000  }
0x4a: {  	[tilespmem:s16], [sflag:$0x1] =	stream.indirect.gather [hbm4b:s4+s19], $0x80, s30, s19, $0xb8;
	[tilespmem:$0x1E800] =	vst v63  }
0x4b: {  	_ =	swait.ge [sflag:s22], $0x4000  }
0x4c: {  	[sflag:s22] =	ssyncset.done $0x0  }
0x4d: {  	s31 =	simm.s32 $0x1480;
	[sflag:s22] =	ssyncadd.s32 $0xFFFFC000  }
0x4e: {  	[spmem:s1] =	stream.indirect.scatter.add.f32 [tilespmem:s20], [sflag:$0x3], $0x80, s31, s19, $0xb8;
	[tilespmem:$0x1E800] =	vst v63  }
0x4f: {  	_ =	swait.ge [sflag:s17], $0x4000  }
0x50: {  	[sflag:s17] =	ssyncset.done $0x0  }
0x51: {  	s25 =	simm.s32 $0x400;
	s26 =	simm.s32 $0x180;
	[sflag:s17] =	ssyncadd.s32 $0xFFFFC000  }
.LBB2_4:
0x52: {  	[tilespmem:s20], [sflag:$0x2] =	stream.indirect.gather [hbm4b:s4+s19], $0x80, s26, s19, $0xb8;
	[tilespmem:$0x1E800] =	vst v63  }
0x53: {  	s26 =	smov.u32 s25  }
0x54: {  	p0 =	sne.s32 s25, $0x4800;
	s25 =	sadd.s32 $0x400, s25;
	_ =	swait.ge [sflag:s21], $0x4000  }
0x55: {  	s26 =	sshra.s32 s26, $0x2;
	[sflag:s21] =	ssyncset.done $0x0  }
0x56: {  	s28 =	sadd.s32 $0x1400, s26;
	[sflag:s21] =	ssyncadd.s32 $0xFFFFC000  }
0x57: {  	[spmem:s1] =	stream.indirect.scatter.add.f32 [tilespmem:s16], [sflag:$0x3], $0x80, s28, s19, $0xb8;
	[tilespmem:$0x1E800] =	vst v63  }
0x58: {  	_ =	swait.ge [sflag:s17], $0x4000  }
0x59: {  	[sflag:s17] =	ssyncset.done $0x0  }
0x5a: {  	s28 =	sadd.s32 $0x100, s26;
	[sflag:s17] =	ssyncadd.s32 $0xFFFFC000  }
0x5b: {  	[tilespmem:s16], [sflag:$0x1] =	stream.indirect.gather [hbm4b:s4+s19], $0x80, s28, s19, $0xb8;
	[tilespmem:$0x1E800] =	vst v63  }
0x5c: {  	_ =	swait.ge [sflag:s22], $0x4000  }
0x5d: {  	[sflag:s22] =	ssyncset.done $0x0  }
.Ltmp1:
0x5e: {  	s28 =	sadd.s32 $0x1480, s26;
	[sflag:s22] =	ssyncadd.s32 $0xFFFFC000;
	(pc) =	sbr.rel @p0 .LBB2_4-.Ltmp1, $4  }
0x5f: {  	[spmem:s1] =	stream.indirect.scatter.add.f32 [tilespmem:s20], [sflag:$0x3], $0x80, s28, s19, $0xb8;
	[tilespmem:$0x1E800] =	vst v63  }
0x60: {  	_ =	swait.ge [sflag:s17], $0x4000  }
0x61: {  	[sflag:s17] =	ssyncset.done $0x0  }
0x62: {  	s26 =	sadd.s32 $0x180, s26;
	[sflag:s17] =	ssyncadd.s32 $0xFFFFC000  }
0x63: {  	[tilespmem:s20], [sflag:$0x2] =	stream.indirect.gather [hbm4b:s4+s19], $0x80, s26, s19, $0xb8;
	[tilespmem:$0x1E800] =	vst v63  }
0x64: {  	_ =	swait.ge [sflag:s21], $0x4000  }
0x65: {  	[sflag:s21] =	ssyncset.done $0x0  }
0x66: {  	[sflag:s21] =	ssyncadd.s32 $0xFFFFC000  }
0x67: {  	[spmem:s1] =	stream.indirect.scatter.add.f32 [tilespmem:s16], [sflag:$0x3], $0x80, s23, s19, $0xb8;
	[tilespmem:$0x1E800] =	vst v63  }
0x68: {  	_ =	swait.ge [sflag:s17], $0x4000  }
0x69: {  	[sflag:s17] =	ssyncset.done $0x0  }
0x6a: {  	[sflag:s17] =	ssyncadd.s32 $0xFFFFC000  }
0x6b: {  	_ =	swait.ge [sflag:s22], $0x4000  }
0x6c: {  	[sflag:s22] =	ssyncset.done $0x0  }
0x6d: {  	[sflag:s22] =	ssyncadd.s32 $0xFFFFC000  }
0x6e: {  	[spmem:s1] =	stream.indirect.scatter.add.f32 [tilespmem:s20], [sflag:$0x3], $0x80, s24, s19, $0xb8;
	[tilespmem:$0x1E800] =	vst v63  }
0x6f: {  	_ =	swait.ge [sflag:s17], $0x4000  }
0x70: {  	[sflag:s17] =	ssyncset.done $0x0  }
0x71: {  	s25 =	simm.s32 $0x0;
	[sflag:s17] =	ssyncadd.s32 $0xFFFFC000  }
0x72: {  	[tilespmem:s25], [sflag:$0x3] =	stream.linear.gather [hbm4b:s13+s25], $0x1400, $0x38;
	[tilespmem:$0x1E800] =	vst v63  }
0x73: {  	_ =	swait.ge [sflag:s17], $0x1400  }
0x74: {  	[sflag:s17] =	ssyncset.done $0x0  }
0x75: {  	[sflag:s17] =	ssyncadd.s32 $0xFFFFEC00  }
0x76: {  	[tilespmem:s18], [sflag:$0x3] =	stream.linear.gather [hbm4b:s14+s25], $0x1400, $0x38;
	[tilespmem:$0x1E800] =	vst v63  }
0x77: {  	_ =	swait.ge [sflag:s17], $0x1400  }
0x78: {  	[sflag:s17] =	ssyncset.done $0x0  }
0x79: {  	[sflag:s17] =	ssyncadd.s32 $0xFFFFEC00  }
0x7a: {  	[tilespmem:s16], [sflag:$0x1] =	stream.indirect.gather [hbm4b:s4+s19], $0x80, s25, s19, $0xb8;
	[tilespmem:$0x1E800] =	vst v63  }
0x7b: {  	_ = 	snop  }
0x7c: {  	[tilespmem:s20], [sflag:$0x2] =	stream.indirect.gather [hbm4b:s4+s19], $0x80, s19, s19, $0xb8;
	[tilespmem:$0x1E800] =	vst v63  }
0x7d: {  	_ =	swait.ge [sflag:s21], $0x4000  }
0x7e: {  	[sflag:s21] =	ssyncset.done $0x0  }
0x7f: {  	s29 =	simm.s32 $0x1400;
	[sflag:s21] =	ssyncadd.s32 $0xFFFFC000  }
0x80: {  	[spmem:s1] =	stream.indirect.scatter.add.f32 [tilespmem:s16], [sflag:$0x3], $0x80, s29, s19, $0xb8;
	[tilespmem:$0x1E800] =	vst v63  }
0x81: {  	_ =	swait.ge [sflag:s17], $0x4000  }
0x82: {  	[sflag:s17] =	ssyncset.done $0x0  }
0x83: {  	s30 =	simm.s32 $0x100;
	[sflag:s17] =	ssyncadd.s32 $0xFFFFC000  }
0x84: {  	[tilespmem:s16], [sflag:$0x1] =	stream.indirect.gather [hbm4b:s4+s19], $0x80, s30, s19, $0xb8;
	[tilespmem:$0x1E800] =	vst v63  }
0x85: {  	_ =	swait.ge [sflag:s22], $0x4000  }
0x86: {  	[sflag:s22] =	ssyncset.done $0x0  }
0x87: {  	s31 =	simm.s32 $0x1480;
	[sflag:s22] =	ssyncadd.s32 $0xFFFFC000  }
0x88: {  	[spmem:s1] =	stream.indirect.scatter.add.f32 [tilespmem:s20], [sflag:$0x3], $0x80, s31, s19, $0xb8;
	[tilespmem:$0x1E800] =	vst v63  }
0x89: {  	_ =	swait.ge [sflag:s17], $0x4000  }
0x8a: {  	[sflag:s17] =	ssyncset.done $0x0  }
0x8b: {  	s26 =	simm.s32 $0x180;
	s25 =	simm.s32 $0x400;
	[sflag:s17] =	ssyncadd.s32 $0xFFFFC000  }
.LBB2_6:
0x8c: {  	[tilespmem:s20], [sflag:$0x2] =	stream.indirect.gather [hbm4b:s4+s19], $0x80, s26, s19, $0xb8;
	[tilespmem:$0x1E800] =	vst v63  }
0x8d: {  	s26 =	smov.u32 s25  }
0x8e: {  	p0 =	sne.s32 s25, $0x4800;
	s25 =	sadd.s32 $0x400, s25;
	_ =	swait.ge [sflag:s21], $0x4000  }
0x8f: {  	s26 =	sshra.s32 s26, $0x2;
	[sflag:s21] =	ssyncset.done $0x0  }
0x90: {  	s28 =	sadd.s32 $0x1400, s26;
	[sflag:s21] =	ssyncadd.s32 $0xFFFFC000  }
0x91: {  	[spmem:s1] =	stream.indirect.scatter.add.f32 [tilespmem:s16], [sflag:$0x3], $0x80, s28, s19, $0xb8;
	[tilespmem:$0x1E800] =	vst v63  }
0x92: {  	_ =	swait.ge [sflag:s17], $0x4000  }
0x93: {  	[sflag:s17] =	ssyncset.done $0x0  }
0x94: {  	s28 =	sadd.s32 $0x100, s26;
	[sflag:s17] =	ssyncadd.s32 $0xFFFFC000  }
0x95: {  	[tilespmem:s16], [sflag:$0x1] =	stream.indirect.gather [hbm4b:s4+s19], $0x80, s28, s19, $0xb8;
	[tilespmem:$0x1E800] =	vst v63  }
0x96: {  	_ =	swait.ge [sflag:s22], $0x4000  }
0x97: {  	[sflag:s22] =	ssyncset.done $0x0  }
.Ltmp2:
0x98: {  	s28 =	sadd.s32 $0x1480, s26;
	[sflag:s22] =	ssyncadd.s32 $0xFFFFC000;
	(pc) =	sbr.rel @p0 .LBB2_6-.Ltmp2, $4  }
0x99: {  	[spmem:s1] =	stream.indirect.scatter.add.f32 [tilespmem:s20], [sflag:$0x3], $0x80, s28, s19, $0xb8;
	[tilespmem:$0x1E800] =	vst v63  }
0x9a: {  	_ =	swait.ge [sflag:s17], $0x4000  }
0x9b: {  	[sflag:s17] =	ssyncset.done $0x0  }
0x9c: {  	s26 =	sadd.s32 $0x180, s26;
	[sflag:s17] =	ssyncadd.s32 $0xFFFFC000  }
0x9d: {  	[tilespmem:s20], [sflag:$0x2] =	stream.indirect.gather [hbm4b:s4+s19], $0x80, s26, s19, $0xb8;
	[tilespmem:$0x1E800] =	vst v63  }
0x9e: {  	_ =	swait.ge [sflag:s21], $0x4000  }
0x9f: {  	[sflag:s21] =	ssyncset.done $0x0  }
0xa0: {  	[sflag:s21] =	ssyncadd.s32 $0xFFFFC000  }
0xa1: {  	[spmem:s1] =	stream.indirect.scatter.add.f32 [tilespmem:s16], [sflag:$0x3], $0x80, s23, s19, $0xb8;
	[tilespmem:$0x1E800] =	vst v63  }
0xa2: {  	_ =	swait.ge [sflag:s17], $0x4000  }
0xa3: {  	[sflag:s17] =	ssyncset.done $0x0  }
0xa4: {  	[sflag:s17] =	ssyncadd.s32 $0xFFFFC000  }
0xa5: {  	_ =	swait.ge [sflag:s22], $0x4000  }
0xa6: {  	[sflag:s22] =	ssyncset.done $0x0  }
0xa7: {  	[sflag:s22] =	ssyncadd.s32 $0xFFFFC000  }
0xa8: {  	[spmem:s1] =	stream.indirect.scatter.add.f32 [tilespmem:s20], [sflag:$0x3], $0x80, s24, s19, $0xb8;
	[tilespmem:$0x1E800] =	vst v63  }
0xa9: {  	_ =	swait.ge [sflag:s17], $0x4000  }
0xaa: {  	s25 =	sshll.u32 s2, $0x6;
	s3 =	sadd.s32 $0x1, s3;
	[sflag:s17] =	ssyncset.done $0x0  }
0xab: {  	s31 =	sshrl.u32 s5, $0x3;
	p0 =	sne.s32 s3, s10;
	[sflag:s17] =	ssyncadd.s32 $0xFFFFC000  }
.Ltmp3:
0xac: {  	s25 =	sor.u32 $0x1C03, s25;
	[bflag:$0x0] =	sbarrier.arrive $0xFFFF;
	(pc) =	sbr.rel @p0 .LBB2_1-.Ltmp3, $4  }
0xad: {  	[hbm:s15], [sflag:s25] =	dma.local [spmem:s31], $0x2800  }
0xae: {  	_ =	swait.ge [sflag:s17], $0x2800  }
0xaf: {  	[sflag:s17] =	ssyncset.done $0x0  }
0xb0: {  	[sflag:s17] =	ssyncadd.s32 $0xFFFFD800  }
0xb1: {  	_ =	sfence.sel $0x180000  }
0xb2: {  	[bflag:$0x0] =	sbarrier.arrive $0xFFFF  }
0xb3: {  	p0 =	sne.s32 s2, $0x0;
	_ =	strace $0x9000004A  }
0xb4: {  	s0 =	sadd.s32 @!p0 $0x100000, s0;
	[bflag:$0x2] =	sbarrier.arrive $0xFFFF  }
0xb5: {  	[sflag:s0] =	ssyncadd.tile.s32 @!p0 $0x1;
	_ =	shalt  }
.Lfunc_end2:
_tile_overlayer_lowered:
.L_overlay_start_2:
0xb6: {  	(tag) =	ssettag $0x2  }
0xb7: {  	s0 =	rddreg [dreg:$0x0];
	s2 =	stileid.u32  }
0xb8: {  	s1 =	rddreg [dreg:$0x1];
	p0 =	sne.s32 s2, $0x0  }
0xb9: {  	s3 =	rddreg [dreg:$0x2];
	[bflag:$0x3] =	sbarrier.arrive $0xFFFF;
	s2 =	simm.s32 @!p0 $0x1C03  }
0xba: {  	[timem:s3], [sflag:s2] =	dma.local @!p0 [hbm:s0], s1  }
0xbb: {  	s0 =	simm.s32 @!p0 $0x3  }
0xbc: {  	_ =	swait.ge @!p0 [sflag:s0], s1  }
0xbd: {  	s1 =	ssub.s32 @!p0 $0x0, s1;
	[sflag:s0] =	ssyncset.done @!p0 $0x0  }
0xbe: {  	[sflag:s0] =	ssyncadd.s32 @!p0 s1  }
0xbf: {  	[bflag:$0x3] =	sbarrier.arrive $0xFFFF  }
0xc0: {  	_ =	shalt  }

// kernel: kernel.16.cloned.1.call-start
scs
__scs_entry_jumppad:
0x0: {  	(pc) =	sbr.rel $0x88, $3  }
0x1: {  	(tag) =	ssettag $0x0;
	lr =	simm.s32 $0x1  }
0x2: {  	[smem:$0x3F90] =	sst lr;
	_ =	strace $0xD0000000  }
0x3: {  	_ = 	snop  }
0x4: {  	_ = 	snop  }
0x5: {  	_ = 	snop  }
0x6: {  	_ = 	snop  }
0x7: {  	_ = 	snop  }
__scs_overlays_trampoline_lowered:
0x8: {  	[smem:$0x3F9F] =	sst s0  }
0x9: {  	[smem:$0x3FA0] =	sst s1  }
0xa: {  	[smem:$0x3FA1] =	sst s2  }
0xb: {  	[smem:$0x3FA2] =	sst s3  }
0xc: {  	[smem:$0x3FA3] =	sst s4  }
0xd: {  	[smem:$0x3FA4] =	sst s5  }
0xe: {  	[smem:$0x3FA5] =	sst s6  }
0xf: {  	[smem:$0x3FA6] =	sst s7  }
0x10: {  	[smem:$0x3FA7] =	sst s8  }
0x11: {  	[smem:$0x3FA8] =	sst s9;
	s0 =	simm.s32 @!p0 $0x0  }
0x12: {  	s1 =	sld [smem:$0x3F8E];
	s0 =	simm.s32 @p0 $0x1  }
0x13: {  	[smem:$0x3FA9] =	sst s0;
	s0 =	simm.s32 @!p1 $0x0  }
0x14: {  	s2 =	sld [smem:$0x3F8D];
	s0 =	simm.s32 @p1 $0x1  }
0x15: {  	[smem:$0x3FAA] =	sst s0;
	s0 =	simm.s32 @!p2 $0x0  }
0x16: {  	s3 =	sld [smem:$0x3FDB];
	s0 =	simm.s32 @p2 $0x1  }
0x17: {  	s4 =	simm.s32 $0x1BF5;
	[smem:$0x3FAC] =	sst s0  }
0x18: {  	s0 =	sld [smem:$0x3F8F];
	_ =	swait.ge [sflag:s4], $0x0  }
0x19: {  	s7 =	sld [smem:$0x3F90]  }
0x1a: {  	s8 =	sadd.s32 $0xFFFFE003, lr  }
0x1b: {  	s9 =	sadd.s32 $0xFFFFFEF7, lr;
	s5 =	simm.s32 $0xFFFFFFFF;
	p2 =	slt.u32 s8, $0xFFFFF086  }
0x1c: {  	p1 =	slt.u32 s9, $0xF7A;
	s5 =	simm.s32 @!p2 $0x0  }
0x1d: {  	s5 =	simm.s32 @p1 $0x1;
	p0 =	seq.s32 s7, s2  }
0x1e: {  	s7 =	smul.u32 @!p0 $0xF7A, s2;
	p2 =	seq.s32 @!p0 s5, $0x0  }
0x1f: {  	s9 =	smul.u32 $0xF7A, s1;
	s8 =	simm.s32 @!p0 $0x1BF5;
	p2 =	por !p2, p0  }
0x20: {  	[sflag:s8] =	ssyncset.s32 @!p0 $0xFFFFF086;
	s6 =	sadd.s32 @!p0 s3, s7;
	s7 =	simm.s32 @!p0 $0x108  }
0x21: {  	s3 =	sadd.s32 s3, s9;
	s6 =	sadd.s32 @!p0 $0x88, s6;
	s7 =	simm.s32 @p2 $0x1082  }
0x22: {  	[simem:s7], [sflag:s8] =	dma.local @!p0 [hbm:s6], $0xF7A  }
0x23: {  	s9 =	sor.u32 $0xD0000000, s2;
	s6 =	simm.s32 $0x108;
	_ =	swait.ge @!p0 [sflag:s8], $0x0  }
0x24: {  	s3 =	sadd.s32 $0x88, s3;
	s6 =	simm.s32 @!p1 $0x1082;
	[sflag:s4] =	ssyncset.s32 $0xFFFFF086  }
0x25: {  	[simem:s6], [sflag:s4] =	dma.local [hbm:s3], $0xF7A  }
0x26: {  	[smem:$0x3F90] =	sst s1;
	(tag) =	ssettag s2;
	_ =	strace s9  }
0x27: {  	s1 =	sld [smem:$0x3FA0]  }
0x28: {  	s2 =	sld [smem:$0x3FA1]  }
0x29: {  	s4 =	sld [smem:$0x3FA3]  }
0x2a: {  	p0 =	seq.s32 s5, $0x0;
	s5 =	sld [smem:$0x3FA4]  }
0x2b: {  	s6 =	sld [smem:$0x3FA5]  }
0x2c: {  	s7 =	sld [smem:$0x3FA6]  }
0x2d: {  	s3 =	simm.s32 $0x108;
	s8 =	sld [smem:$0x3FA7]  }
0x2e: {  	s3 =	simm.s32 @!p0 $0x1082;
	s9 =	sld [smem:$0x3FA8]  }
0x2f: {  	lr =	sadd.s32 s0, s3;
	s0 =	sld [smem:$0x3F9F]  }
0x30: {  	s3 =	sld [smem:$0x3FA2]  }
0x31: {  	[smem:$0x3FAB] =	sst s10  }
0x32: {  	s10 =	sld [smem:$0x3FA9];
	_ =	sdelay $0x3  }
0x33: {  	p0 =	seq.s32 s10, $0x1;
	s10 =	sld [smem:$0x3FAB];
	_ =	sdelay $0x3  }
0x34: {  	[smem:$0x3FAB] =	sst s10  }
0x35: {  	s10 =	sld [smem:$0x3FAA];
	_ =	sdelay $0x3  }
0x36: {  	p1 =	seq.s32 s10, $0x1;
	s10 =	sld [smem:$0x3FAB];
	_ =	sdelay $0x3  }
0x37: {  	[smem:$0x3FAB] =	sst s10  }
0x38: {  	s10 =	sld [smem:$0x3FAC]  }
0x39: {  	_ = 	snop;
	(pc) =	sbr.ind lr, $3  }
0x3a: {  	_ = 	snop  }
0x3b: {  	_ = 	snop  }
0x3c: {  	p2 =	seq.s32 s10, $0x1;
	s10 =	sld [smem:$0x3FAB]  }
0x3d: {  	_ =	shalt  }
0x3e: {  	_ =	shalt  }
0x3f: {  	_ =	shalt  }
0x40: {  	_ =	shalt  }
0x41: {  	_ =	shalt  }
0x42: {  	_ =	shalt  }
0x43: {  	_ =	shalt  }
0x44: {  	_ =	shalt  }
0x45: {  	_ =	shalt  }
0x46: {  	_ =	shalt  }
0x47: {  	_ =	shalt  }
0x48: {  	_ =	shalt  }
0x49: {  	_ =	shalt  }
0x4a: {  	_ =	shalt  }
0x4b: {  	_ =	shalt  }
0x4c: {  	_ =	shalt  }
0x4d: {  	_ =	shalt  }
0x4e: {  	_ =	shalt  }
0x4f: {  	_ =	shalt  }
0x50: {  	_ =	shalt  }
0x51: {  	_ =	shalt  }
0x52: {  	_ =	shalt  }
0x53: {  	_ =	shalt  }
0x54: {  	_ =	shalt  }
0x55: {  	_ =	shalt  }
0x56: {  	_ =	shalt  }
0x57: {  	_ =	shalt  }
0x58: {  	_ =	shalt  }
0x59: {  	_ =	shalt  }
0x5a: {  	_ =	shalt  }
0x5b: {  	_ =	shalt  }
0x5c: {  	_ =	shalt  }
0x5d: {  	_ =	shalt  }
0x5e: {  	_ =	shalt  }
0x5f: {  	_ =	shalt  }
0x60: {  	_ =	shalt  }
0x61: {  	_ =	shalt  }
0x62: {  	_ =	shalt  }
0x63: {  	_ =	shalt  }
0x64: {  	_ =	shalt  }
0x65: {  	_ =	shalt  }
0x66: {  	_ =	shalt  }
0x67: {  	_ =	shalt  }
0x68: {  	_ =	shalt  }
0x69: {  	_ =	shalt  }
0x6a: {  	_ =	shalt  }
0x6b: {  	_ =	shalt  }
0x6c: {  	_ =	shalt  }
0x6d: {  	_ =	shalt  }
0x6e: {  	_ =	shalt  }
0x6f: {  	_ =	shalt  }
0x70: {  	_ =	shalt  }
0x71: {  	_ =	shalt  }
0x72: {  	_ =	shalt  }
0x73: {  	_ =	shalt  }
0x74: {  	_ =	shalt  }
0x75: {  	_ =	shalt  }
0x76: {  	_ =	shalt  }
0x77: {  	_ =	shalt  }
0x78: {  	_ =	shalt  }
0x79: {  	_ =	shalt  }
0x7a: {  	_ =	shalt  }
0x7b: {  	_ =	shalt  }
0x7c: {  	_ =	shalt  }
0x7d: {  	_ =	shalt  }
0x7e: {  	_ =	shalt  }
0x7f: {  	_ =	shalt  }
0x80: {  	_ =	shalt  }
0x81: {  	_ =	shalt  }
0x82: {  	_ =	shalt  }
0x83: {  	_ =	shalt  }
0x84: {  	_ =	shalt  }
0x85: {  	_ =	shalt  }
0x86: {  	_ =	shalt  }
0x87: {  	_ =	shalt  }
.Lfunc_end0:
.L_simem_size_0:
called_computation.2_lowered:
.L_overlay_start_0:
0x88: {  	s2 =	sld [smem:$0x3FD9]  }
0x89: {  	s3 =	sld [smem:$0x3FFE];
	_ =	sdelay $0x1  }
0x8a: {  	s1 =	srdreg.scid  }
0x8b: {  	s0 =	sand.u32 $0x1, s1  }
0x8c: {  	s16 =	sshll.u32 s0, $0xA;
	s2 =	sadd.s32 s3, s2  }
0x8d: {  	s2 =	sadd.s32 s2, s16  }
0x8e: {  	[smem:$0x3FB7] =	sst s2  }
0x8f: {  	_ = 	snop  }
0x90: {  	(tm) =	ssettm $0x1  }
0x91: {  	s17 =	sld [smem:$0x3FFB];
	_ =	sdelay $0x3  }
0x92: {  	_ =	strace s17  }
0x93: {  	s2 =	sld [smem:$0x3FFC];
	_ =	sdelay $0x3  }
0x94: {  	_ =	strace s2  }
0x95: {  	s2 =	sld [smem:$0x3FFD];
	_ =	sdelay $0x3  }
0x96: {  	_ =	strace s2  }
0x97: {  	_ =	strace $0x8FFFFFFF  }
0x98: {  	s18 =	sld [smem:$0x3FDB];
	_ =	sdelay $0x1  }
0x99: {  	s19 =	simm.s32 $_scs_section_size  }
0x9a: {  	s4 =	simm.s32 $_size__tile_overlayer_lowered;
	s5 =	simm.s32 $_tile_overlayer_lowered  }
0x9b: {  	s22 =	simm.s32 $0x1BFF;
	s21 =	sshll.u32 s5, $0x1;
	s2 =	sadd.s32 s19, s18  }
0x9c: {  	s6 =	simm.s32 $0x0;
	s20 =	sshll.u32 s4, $0x1;
	s4 =	sadd.s32 s21, s2  }
0x9d: {  	[timem:s6], [sflag:s22] =	dma.local [hbm:s4], s20  }
0x9e: {  	_ =	swait.ge [sflag:s22], s20  }
0x9f: {  	s3 =	ssub.s32 $0x0, s20;
	[sflag:s22] =	ssyncset.done $0x0  }
0xa0: {  	[sflag:s22] =	ssyncadd.s32 s3;
	_ =	sdelay $0x1  }
0xa1: {  	s23 =	simm.s32 $0x1B8B  }
0xa2: {  	_ =	swait.ge [sflag:s23], $0x1  }
0xa3: {  	[sflag:s23] =	ssyncset.done $0x0  }
0xa4: {  	s25 =	simm.s32 $0x1B8E;
	s24 =	sld [smem:$0x3FFE];
	[sflag:s23] =	ssyncadd.s32 $0xFFFFFFFF  }
0xa5: {  	s26 =	simm.s32 $execute0_lowered;
	[smem:$0x3FD2] =	sst s25  }
0xa6: {  	s4 =	sshll.u32 s26, $0x1;
	_ =	strace $0x8000004C;
	[dreg:$0x1] =	wrdreg $0xFFFFFFFF  }
0xa7: {  	s28 =	simm.s32 $_size_execute0_lowered;
	s2 =	sadd.s32 s2, s4;
	[dreg:$0x0] =	wrdreg $0x0  }
0xa8: {  	s4 =	sshll.u32 s28, $0x1;
	[dreg:$0x2] =	wrdreg s2  }
0xa9: {  	[dreg:$0x3] =	wrdreg s4  }
0xaa: {  	[dreg:$0x4] =	wrdreg $0xC0  }
0xab: {  	_ =	task [dreg:s6], $0x5FFFF  }
0xac: {  	[dreg:$0x1] =	wrdreg $0xFFFFFFFF  }
0xad: {  	[dreg:$0x0] =	wrdreg $0x60  }
0xae: {  	[dreg:$0x2] =	wrdreg s24  }
0xaf: {  	[dreg:$0x3] =	wrdreg $0xA8000  }
0xb0: {  	[dreg:$0x4] =	wrdreg $0x9  }
0xb1: {  	_ =	task.clear_ibuf [dreg:s6], $0x5FFFF;
	_ =	strace $0x9000004C  }
0xb2: {  	s29 =	simm.s32 $0x9;
	_ =	strace $0x8000004E  }
0xb3: {  	_ =	swait.ge [sflag:s29], $0x1  }
0xb4: {  	[sflag:s29] =	ssyncadd.s32 $0xFFFFFFFF  }
0xb5: {  	_ =	strace $0x9000004E  }
0xb6: {  	_ =	sfence  }
0xb7: {  	s30 =	sld [smem:$0x0];
	_ =	sdelay $0x2  }
0xb8: {  	s31 =	sshll.u32 s1, $0xD;
	s1 =	sshrl.u32 s1, $0x2  }
0xb9: {  	s3 =	sand.u32 $0x4000, s31;
	s1 =	sadd.s32 s1, s30  }
0xba: {  	s0 =	sor.u32 s3, s0;
	s1 =	sshll.u32 s1, $0x11  }
0xbb: {  	s0 =	sor.u32 s1, s0  }
0xbc: {  	s0 =	sadd.s32 $0x8F2B, s0  }
0xbd: {  	[sflag:s0] =	ssyncadd.remote.s32 $0x1  }
0xbe: {  	_ =	sfence.sel $0xFFFF  }
0xbf: {  	[dreg:$0x0] =	wrdreg $0xFFFFFFFF;
	(pc) =	sbr.abs _section_cstart, $3  }
0xc0: {  	[dreg:$0x1] =	wrdreg $0xFFFFFFFF  }
0xc1: {  	_ =	task.clear_ibuf [dreg:s6], $0x2FFFF;
	_ =	strace $0x9FFFFFFF  }
0xc2: {  	(tm) =	ssettm $0x7FFFFFFF  }
0xc3: {  	_ =	shalt  }
tec
execute0_lowered:
.L_overlay_start_1:
0x0: {  	(tag) =	ssettag $0x1  }
0x1: {  	s13 =	rddreg [dreg:$0x0]  }
0x2: {  	s1 =	rddreg [dreg:$0x1]  }
0x3: {  	s0 =	rddreg [dreg:$0x2];
	s3 =	simm.s32 $0x0  }
0x4: {  	s4 =	srdreg.scid;
	s2 =	stileid.u32;
	s18 =	simm.s32 $0x69600  }
0x5: {  	s19 =	simm.s32 $0x80;
	s20 =	simm.s32 $0x6800;
	s21 =	simm.s32 $0x1  }
0x6: {  	s22 =	simm.s32 $0x2;
	s23 =	simm.s32 $0x2700;
	s24 =	simm.s32 $0x2780  }
0x7: {  	[smem:$0x7FF] =	sst s3;
	s10 =	sand.u32 $0x1, s4;
	s5 =	smul.u32 $0x50000, s2  }
0x8: {  	s4 =	sadd.s32 $0x19600, s13;
	s14 =	sadd.s32 $0x5600, s13;
	s15 =	sadd.s32 $0xF600, s13  }
0x9: {  	s17 =	smul.u32 $0x2800, s2;
	_ =	strace $0x8000004D;
	s6 =	ssub.s32 $0x2, s10  }
0xa: {  	s8 =	sshll.u32 s10, $0x4;
	p0 =	seq.s32 s10, $0x1;
	s7 =	sshrl.u32 s6, $0x1  }
0xb: {  	s5 =	sshrl.u32 s5, $0x2;
	s12 =	sor.u32 s2, s8;
	s18 =	simm.s32 @!p0 $0x41600  }
0xc: {  	s11 =	ssub.s32 s6, s7;
	s5 =	sadd.s32 s5, s1;
	s16 =	smul.u32 $0x500, s12  }
0xd: {  	s18 =	sadd.s32 s18, s13;
	s6 =	sadd.s32 $0x4000, s5;
	s7 =	sadd.s32 $0x8000, s5  }
0xe: {  	s8 =	sadd.s32 $0xC000, s5;
	s9 =	sadd.s32 $0x10000, s5;
	s10 =	smax.u32 s11, $0x1  }
0xf: {  	s11 =	sadd.s32 s14, s16;
	s12 =	sadd.s32 s15, s16;
	s16 =	sadd.s32 $0x280, s16  }
0x10: {  	s13 =	sadd.s32 s14, s16;
	s14 =	sadd.s32 s15, s16;
	s15 =	sadd.s32 s18, s17  }
0x11: {  	v0 =	vimm.f32 $0.0e+00;
	s16 =	simm.s32 $0x2800;
	s17 =	simm.s32 $0x3;
	s18 =	simm.s32 $0x1400  }
.LBB2_1:
0x12: {  	s25 =	simm.s32 $0x0;
	s26 =	simm.s32 $0x200  }
.LBB2_2:
0x13: {  	p0 =	sne.s32 s26, $0xFE00;
	[tilespmem:s25+$0x2870] =	vst v0  }
0x14: {  	[tilespmem:s25+$0x2800] =	vst v0  }
0x15: {  	[tilespmem:s25+$0x2810] =	vst v0  }
.Ltmp0:
0x16: {  	[tilespmem:s25+$0x2820] =	vst v0;
	(pc) =	sbr.rel @p0 .LBB2_2-.Ltmp0, $4  }
0x17: {  	[tilespmem:s25+$0x2830] =	vst v0  }
0x18: {  	[tilespmem:s25+$0x2840] =	vst v0  }
0x19: {  	[tilespmem:s25+$0x2850] =	vst v0  }
0x1a: {  	[tilespmem:s25+$0x2860] =	vst v0;
	s25 =	sshra.s32 s26, $0x2;
	s26 =	sadd.s32 $0x200, s26  }
0x1b: {  	[tilespmem:s25+$0x2870] =	vst v0  }
0x1c: {  	[tilespmem:s25+$0x2800] =	vst v0  }
0x1d: {  	[tilespmem:s25+$0x2810] =	vst v0  }
0x1e: {  	[tilespmem:s25+$0x2820] =	vst v0  }
0x1f: {  	[tilespmem:s25+$0x2830] =	vst v0  }
0x20: {  	[tilespmem:s25+$0x2840] =	vst v0  }
0x21: {  	[tilespmem:s25+$0x2850] =	vst v0  }
0x22: {  	[tilespmem:s25+$0x2860] =	vst v0  }
0x23: {  	[spmem:s5] =	stream.linear.scatter [tilespmem:s16], [sflag:$0x3], $0x4000, $0x38;
	[tilespmem:$0x1E800] =	vst v63  }
0x24: {  	_ =	swait.ge [sflag:s17], $0x4000  }
0x25: {  	[sflag:s17] =	ssyncset.done $0x0  }
0x26: {  	[sflag:s17] =	ssyncadd.s32 $0xFFFFC000  }
0x27: {  	[spmem:s6] =	stream.linear.scatter [tilespmem:s16], [sflag:$0x3], $0x4000, $0x38;
	[tilespmem:$0x1E800] =	vst v63  }
0x28: {  	_ =	swait.ge [sflag:s17], $0x4000  }
0x29: {  	[sflag:s17] =	ssyncset.done $0x0  }
0x2a: {  	[sflag:s17] =	ssyncadd.s32 $0xFFFFC000  }
0x2b: {  	[spmem:s7] =	stream.linear.scatter [tilespmem:s16], [sflag:$0x3], $0x4000, $0x38;
	[tilespmem:$0x1E800] =	vst v63  }
0x2c: {  	_ =	swait.ge [sflag:s17], $0x4000  }
0x2d: {  	[sflag:s17] =	ssyncset.done $0x0  }
0x2e: {  	[sflag:s17] =	ssyncadd.s32 $0xFFFFC000  }
0x2f: {  	[spmem:s8] =	stream.linear.scatter [tilespmem:s16], [sflag:$0x3], $0x4000, $0x38;
	[tilespmem:$0x1E800] =	vst v63  }
0x30: {  	_ =	swait.ge [sflag:s17], $0x4000  }
0x31: {  	[sflag:s17] =	ssyncset.done $0x0  }
0x32: {  	[sflag:s17] =	ssyncadd.s32 $0xFFFFC000  }
0x33: {  	[spmem:s9] =	stream.linear.scatter [tilespmem:s16], [sflag:$0x3], $0x4000, $0x38;
	[tilespmem:$0x1E800] =	vst v63  }
0x34: {  	_ =	swait.ge [sflag:s17], $0x4000  }
0x35: {  	[sflag:s17] =	ssyncset.done $0x0  }
0x36: {  	[sflag:s17] =	ssyncadd.s32 $0xFFFFC000  }
0x37: {  	s28 =	simm.s32 $0x0;
	[bflag:$0x0] =	sbarrier.arrive $0xFFFF  }
0x38: {  	[tilespmem:s28], [sflag:$0x3] =	stream.linear.gather [hbm4b:s11+s28], $0x1400, $0x38;
	[tilespmem:$0x1E800] =	vst v63  }
0x39: {  	_ =	swait.ge [sflag:s17], $0x1400  }
0x3a: {  	[sflag:s17] =	ssyncset.done $0x0  }
0x3b: {  	[sflag:s17] =	ssyncadd.s32 $0xFFFFEC00  }
0x3c: {  	[tilespmem:s18], [sflag:$0x3] =	stream.linear.gather [hbm4b:s12+s28], $0x1400, $0x38;
	[tilespmem:$0x1E800] =	vst v63  }
0x3d: {  	_ =	swait.ge [sflag:s17], $0x1400  }
0x3e: {  	[sflag:s17] =	ssyncset.done $0x0  }
0x3f: {  	[sflag:s17] =	ssyncadd.s32 $0xFFFFEC00  }
0x40: {  	[tilespmem:s16], [sflag:$0x1] =	stream.indirect.gather [hbm4b:s4+s19], $0x80, s28, s19, $0xb8;
	[tilespmem:$0x1E800] =	vst v63  }
0x41: {  	_ = 	snop  }
0x42: {  	[tilespmem:s20], [sflag:$0x2] =	stream.indirect.gather [hbm4b:s4+s19], $0x80, s19, s19, $0xb8;
	[tilespmem:$0x1E800] =	vst v63  }
0x43: {  	_ =	swait.ge [sflag:s21], $0x4000  }
0x44: {  	[sflag:s21] =	ssyncset.done $0x0  }
0x45: {  	s29 =	simm.s32 $0x1400;
	[sflag:s21] =	ssyncadd.s32 $0xFFFFC000  }
0x46: {  	[spmem:s1] =	stream.indirect.scatter.add.f32 [tilespmem:s16], [sflag:$0x3], $0x80, s29, s19, $0xb8;
	[tilespmem:$0x1E800] =	vst v63  }
0x47: {  	_ =	swait.ge [sflag:s17], $0x4000  }
0x48: {  	[sflag:s17] =	ssyncset.done $0x0  }
0x49: {  	s30 =	simm.s32 $0x100;
	[sflag:s17] =	ssyncadd.s32 $0xFFFFC000  }
0x4a: {  	[tilespmem:s16], [sflag:$0x1] =	stream.indirect.gather [hbm4b:s4+s19], $0x80, s30, s19, $0xb8;
	[tilespmem:$0x1E800] =	vst v63  }
0x4b: {  	_ =	swait.ge [sflag:s22], $0x4000  }
0x4c: {  	[sflag:s22] =	ssyncset.done $0x0  }
0x4d: {  	s31 =	simm.s32 $0x1480;
	[sflag:s22] =	ssyncadd.s32 $0xFFFFC000  }
0x4e: {  	[spmem:s1] =	stream.indirect.scatter.add.f32 [tilespmem:s20], [sflag:$0x3], $0x80, s31, s19, $0xb8;
	[tilespmem:$0x1E800] =	vst v63  }
0x4f: {  	_ =	swait.ge [sflag:s17], $0x4000  }
0x50: {  	[sflag:s17] =	ssyncset.done $0x0  }
0x51: {  	s25 =	simm.s32 $0x400;
	s26 =	simm.s32 $0x180;
	[sflag:s17] =	ssyncadd.s32 $0xFFFFC000  }
.LBB2_4:
0x52: {  	[tilespmem:s20], [sflag:$0x2] =	stream.indirect.gather [hbm4b:s4+s19], $0x80, s26, s19, $0xb8;
	[tilespmem:$0x1E800] =	vst v63  }
0x53: {  	s26 =	smov.u32 s25  }
0x54: {  	p0 =	sne.s32 s25, $0x4800;
	s25 =	sadd.s32 $0x400, s25;
	_ =	swait.ge [sflag:s21], $0x4000  }
0x55: {  	s26 =	sshra.s32 s26, $0x2;
	[sflag:s21] =	ssyncset.done $0x0  }
0x56: {  	s28 =	sadd.s32 $0x1400, s26;
	[sflag:s21] =	ssyncadd.s32 $0xFFFFC000  }
0x57: {  	[spmem:s1] =	stream.indirect.scatter.add.f32 [tilespmem:s16], [sflag:$0x3], $0x80, s28, s19, $0xb8;
	[tilespmem:$0x1E800] =	vst v63  }
0x58: {  	_ =	swait.ge [sflag:s17], $0x4000  }
0x59: {  	[sflag:s17] =	ssyncset.done $0x0  }
0x5a: {  	s28 =	sadd.s32 $0x100, s26;
	[sflag:s17] =	ssyncadd.s32 $0xFFFFC000  }
0x5b: {  	[tilespmem:s16], [sflag:$0x1] =	stream.indirect.gather [hbm4b:s4+s19], $0x80, s28, s19, $0xb8;
	[tilespmem:$0x1E800] =	vst v63  }
0x5c: {  	_ =	swait.ge [sflag:s22], $0x4000  }
0x5d: {  	[sflag:s22] =	ssyncset.done $0x0  }
.Ltmp1:
0x5e: {  	s28 =	sadd.s32 $0x1480, s26;
	[sflag:s22] =	ssyncadd.s32 $0xFFFFC000;
	(pc) =	sbr.rel @p0 .LBB2_4-.Ltmp1, $4  }
0x5f: {  	[spmem:s1] =	stream.indirect.scatter.add.f32 [tilespmem:s20], [sflag:$0x3], $0x80, s28, s19, $0xb8;
	[tilespmem:$0x1E800] =	vst v63  }
0x60: {  	_ =	swait.ge [sflag:s17], $0x4000  }
0x61: {  	[sflag:s17] =	ssyncset.done $0x0  }
0x62: {  	s26 =	sadd.s32 $0x180, s26;
	[sflag:s17] =	ssyncadd.s32 $0xFFFFC000  }
0x63: {  	[tilespmem:s20], [sflag:$0x2] =	stream.indirect.gather [hbm4b:s4+s19], $0x80, s26, s19, $0xb8;
	[tilespmem:$0x1E800] =	vst v63  }
0x64: {  	_ =	swait.ge [sflag:s21], $0x4000  }
0x65: {  	[sflag:s21] =	ssyncset.done $0x0  }
0x66: {  	[sflag:s21] =	ssyncadd.s32 $0xFFFFC000  }
0x67: {  	[spmem:s1] =	stream.indirect.scatter.add.f32 [tilespmem:s16], [sflag:$0x3], $0x80, s23, s19, $0xb8;
	[tilespmem:$0x1E800] =	vst v63  }
0x68: {  	_ =	swait.ge [sflag:s17], $0x4000  }
0x69: {  	[sflag:s17] =	ssyncset.done $0x0  }
0x6a: {  	[sflag:s17] =	ssyncadd.s32 $0xFFFFC000  }
0x6b: {  	_ =	swait.ge [sflag:s22], $0x4000  }
0x6c: {  	[sflag:s22] =	ssyncset.done $0x0  }
0x6d: {  	[sflag:s22] =	ssyncadd.s32 $0xFFFFC000  }
0x6e: {  	[spmem:s1] =	stream.indirect.scatter.add.f32 [tilespmem:s20], [sflag:$0x3], $0x80, s24, s19, $0xb8;
	[tilespmem:$0x1E800] =	vst v63  }
0x6f: {  	_ =	swait.ge [sflag:s17], $0x4000  }
0x70: {  	[sflag:s17] =	ssyncset.done $0x0  }
0x71: {  	s25 =	simm.s32 $0x0;
	[sflag:s17] =	ssyncadd.s32 $0xFFFFC000  }
0x72: {  	[tilespmem:s25], [sflag:$0x3] =	stream.linear.gather [hbm4b:s13+s25], $0x1400, $0x38;
	[tilespmem:$0x1E800] =	vst v63  }
0x73: {  	_ =	swait.ge [sflag:s17], $0x1400  }
0x74: {  	[sflag:s17] =	ssyncset.done $0x0  }
0x75: {  	[sflag:s17] =	ssyncadd.s32 $0xFFFFEC00  }
0x76: {  	[tilespmem:s18], [sflag:$0x3] =	stream.linear.gather [hbm4b:s14+s25], $0x1400, $0x38;
	[tilespmem:$0x1E800] =	vst v63  }
0x77: {  	_ =	swait.ge [sflag:s17], $0x1400  }
0x78: {  	[sflag:s17] =	ssyncset.done $0x0  }
0x79: {  	[sflag:s17] =	ssyncadd.s32 $0xFFFFEC00  }
0x7a: {  	[tilespmem:s16], [sflag:$0x1] =	stream.indirect.gather [hbm4b:s4+s19], $0x80, s25, s19, $0xb8;
	[tilespmem:$0x1E800] =	vst v63  }
0x7b: {  	_ = 	snop  }
0x7c: {  	[tilespmem:s20], [sflag:$0x2] =	stream.indirect.gather [hbm4b:s4+s19], $0x80, s19, s19, $0xb8;
	[tilespmem:$0x1E800] =	vst v63  }
0x7d: {  	_ =	swait.ge [sflag:s21], $0x4000  }
0x7e: {  	[sflag:s21] =	ssyncset.done $0x0  }
0x7f: {  	s29 =	simm.s32 $0x1400;
	[sflag:s21] =	ssyncadd.s32 $0xFFFFC000  }
0x80: {  	[spmem:s1] =	stream.indirect.scatter.add.f32 [tilespmem:s16], [sflag:$0x3], $0x80, s29, s19, $0xb8;
	[tilespmem:$0x1E800] =	vst v63  }
0x81: {  	_ =	swait.ge [sflag:s17], $0x4000  }
0x82: {  	[sflag:s17] =	ssyncset.done $0x0  }
0x83: {  	s30 =	simm.s32 $0x100;
	[sflag:s17] =	ssyncadd.s32 $0xFFFFC000  }
0x84: {  	[tilespmem:s16], [sflag:$0x1] =	stream.indirect.gather [hbm4b:s4+s19], $0x80, s30, s19, $0xb8;
	[tilespmem:$0x1E800] =	vst v63  }
0x85: {  	_ =	swait.ge [sflag:s22], $0x4000  }
0x86: {  	[sflag:s22] =	ssyncset.done $0x0  }
0x87: {  	s31 =	simm.s32 $0x1480;
	[sflag:s22] =	ssyncadd.s32 $0xFFFFC000  }
0x88: {  	[spmem:s1] =	stream.indirect.scatter.add.f32 [tilespmem:s20], [sflag:$0x3], $0x80, s31, s19, $0xb8;
	[tilespmem:$0x1E800] =	vst v63  }
0x89: {  	_ =	swait.ge [sflag:s17], $0x4000  }
0x8a: {  	[sflag:s17] =	ssyncset.done $0x0  }
0x8b: {  	s26 =	simm.s32 $0x180;
	s25 =	simm.s32 $0x400;
	[sflag:s17] =	ssyncadd.s32 $0xFFFFC000  }
.LBB2_6:
0x8c: {  	[tilespmem:s20], [sflag:$0x2] =	stream.indirect.gather [hbm4b:s4+s19], $0x80, s26, s19, $0xb8;
	[tilespmem:$0x1E800] =	vst v63  }
0x8d: {  	s26 =	smov.u32 s25  }
0x8e: {  	p0 =	sne.s32 s25, $0x4800;
	s25 =	sadd.s32 $0x400, s25;
	_ =	swait.ge [sflag:s21], $0x4000  }
0x8f: {  	s26 =	sshra.s32 s26, $0x2;
	[sflag:s21] =	ssyncset.done $0x0  }
0x90: {  	s28 =	sadd.s32 $0x1400, s26;
	[sflag:s21] =	ssyncadd.s32 $0xFFFFC000  }
0x91: {  	[spmem:s1] =	stream.indirect.scatter.add.f32 [tilespmem:s16], [sflag:$0x3], $0x80, s28, s19, $0xb8;
	[tilespmem:$0x1E800] =	vst v63  }
0x92: {  	_ =	swait.ge [sflag:s17], $0x4000  }
0x93: {  	[sflag:s17] =	ssyncset.done $0x0  }
0x94: {  	s28 =	sadd.s32 $0x100, s26;
	[sflag:s17] =	ssyncadd.s32 $0xFFFFC000  }
0x95: {  	[tilespmem:s16], [sflag:$0x1] =	stream.indirect.gather [hbm4b:s4+s19], $0x80, s28, s19, $0xb8;
	[tilespmem:$0x1E800] =	vst v63  }
0x96: {  	_ =	swait.ge [sflag:s22], $0x4000  }
0x97: {  	[sflag:s22] =	ssyncset.done $0x0  }
.Ltmp2:
0x98: {  	s28 =	sadd.s32 $0x1480, s26;
	[sflag:s22] =	ssyncadd.s32 $0xFFFFC000;
	(pc) =	sbr.rel @p0 .LBB2_6-.Ltmp2, $4  }
0x99: {  	[spmem:s1] =	stream.indirect.scatter.add.f32 [tilespmem:s20], [sflag:$0x3], $0x80, s28, s19, $0xb8;
	[tilespmem:$0x1E800] =	vst v63  }
0x9a: {  	_ =	swait.ge [sflag:s17], $0x4000  }
0x9b: {  	[sflag:s17] =	ssyncset.done $0x0  }
0x9c: {  	s26 =	sadd.s32 $0x180, s26;
	[sflag:s17] =	ssyncadd.s32 $0xFFFFC000  }
0x9d: {  	[tilespmem:s20], [sflag:$0x2] =	stream.indirect.gather [hbm4b:s4+s19], $0x80, s26, s19, $0xb8;
	[tilespmem:$0x1E800] =	vst v63  }
0x9e: {  	_ =	swait.ge [sflag:s21], $0x4000  }
0x9f: {  	[sflag:s21] =	ssyncset.done $0x0  }
0xa0: {  	[sflag:s21] =	ssyncadd.s32 $0xFFFFC000  }
0xa1: {  	[spmem:s1] =	stream.indirect.scatter.add.f32 [tilespmem:s16], [sflag:$0x3], $0x80, s23, s19, $0xb8;
	[tilespmem:$0x1E800] =	vst v63  }
0xa2: {  	_ =	swait.ge [sflag:s17], $0x4000  }
0xa3: {  	[sflag:s17] =	ssyncset.done $0x0  }
0xa4: {  	[sflag:s17] =	ssyncadd.s32 $0xFFFFC000  }
0xa5: {  	_ =	swait.ge [sflag:s22], $0x4000  }
0xa6: {  	[sflag:s22] =	ssyncset.done $0x0  }
0xa7: {  	[sflag:s22] =	ssyncadd.s32 $0xFFFFC000  }
0xa8: {  	[spmem:s1] =	stream.indirect.scatter.add.f32 [tilespmem:s20], [sflag:$0x3], $0x80, s24, s19, $0xb8;
	[tilespmem:$0x1E800] =	vst v63  }
0xa9: {  	_ =	swait.ge [sflag:s17], $0x4000  }
0xaa: {  	s25 =	sshll.u32 s2, $0x6;
	s3 =	sadd.s32 $0x1, s3;
	[sflag:s17] =	ssyncset.done $0x0  }
0xab: {  	s31 =	sshrl.u32 s5, $0x3;
	p0 =	sne.s32 s3, s10;
	[sflag:s17] =	ssyncadd.s32 $0xFFFFC000  }
.Ltmp3:
0xac: {  	s25 =	sor.u32 $0x1C03, s25;
	[bflag:$0x0] =	sbarrier.arrive $0xFFFF;
	(pc) =	sbr.rel @p0 .LBB2_1-.Ltmp3, $4  }
0xad: {  	[hbm:s15], [sflag:s25] =	dma.local [spmem:s31], $0x2800  }
0xae: {  	_ =	swait.ge [sflag:s17], $0x2800  }
0xaf: {  	[sflag:s17] =	ssyncset.done $0x0  }
0xb0: {  	[sflag:s17] =	ssyncadd.s32 $0xFFFFD800  }
0xb1: {  	_ =	sfence.sel $0x180000  }
0xb2: {  	[bflag:$0x0] =	sbarrier.arrive $0xFFFF  }
0xb3: {  	p0 =	sne.s32 s2, $0x0;
	_ =	strace $0x9000004D  }
0xb4: {  	s0 =	sadd.s32 @!p0 $0x100000, s0;
	[bflag:$0x2] =	sbarrier.arrive $0xFFFF  }
0xb5: {  	[sflag:s0] =	ssyncadd.tile.s32 @!p0 $0x1;
	_ =	shalt  }
.Lfunc_end2:
_tile_overlayer_lowered:
.L_overlay_start_2:
0xb6: {  	(tag) =	ssettag $0x2  }
0xb7: {  	s0 =	rddreg [dreg:$0x0];
	s2 =	stileid.u32  }
0xb8: {  	s1 =	rddreg [dreg:$0x1];
	p0 =	sne.s32 s2, $0x0  }
0xb9: {  	s3 =	rddreg [dreg:$0x2];
	[bflag:$0x3] =	sbarrier.arrive $0xFFFF;
	s2 =	simm.s32 @!p0 $0x1C03  }
0xba: {  	[timem:s3], [sflag:s2] =	dma.local @!p0 [hbm:s0], s1  }
0xbb: {  	s0 =	simm.s32 @!p0 $0x3  }
0xbc: {  	_ =	swait.ge @!p0 [sflag:s0], s1  }
0xbd: {  	s1 =	ssub.s32 @!p0 $0x0, s1;
	[sflag:s0] =	ssyncset.done @!p0 $0x0  }
0xbe: {  	[sflag:s0] =	ssyncadd.s32 @!p0 s1  }
0xbf: {  	[bflag:$0x3] =	sbarrier.arrive $0xFFFF  }
0xc0: {  	_ =	shalt  }

// kernel: kernel.19.cloned.1.call-start
scs
__scs_entry_jumppad:
0x0: {  	(pc) =	sbr.rel $0x88, $3  }
0x1: {  	(tag) =	ssettag $0x0;
	lr =	simm.s32 $0x1  }
0x2: {  	[smem:$0x3F90] =	sst lr;
	_ =	strace $0xD0000000  }
0x3: {  	_ = 	snop  }
0x4: {  	_ = 	snop  }
0x5: {  	_ = 	snop  }
0x6: {  	_ = 	snop  }
0x7: {  	_ = 	snop  }
__scs_overlays_trampoline_lowered:
0x8: {  	[smem:$0x3F9F] =	sst s0  }
0x9: {  	[smem:$0x3FA0] =	sst s1  }
0xa: {  	[smem:$0x3FA1] =	sst s2  }
0xb: {  	[smem:$0x3FA2] =	sst s3  }
0xc: {  	[smem:$0x3FA3] =	sst s4  }
0xd: {  	[smem:$0x3FA4] =	sst s5  }
0xe: {  	[smem:$0x3FA5] =	sst s6  }
0xf: {  	[smem:$0x3FA6] =	sst s7  }
0x10: {  	[smem:$0x3FA7] =	sst s8  }
0x11: {  	[smem:$0x3FA8] =	sst s9;
	s0 =	simm.s32 @!p0 $0x0  }
0x12: {  	s1 =	sld [smem:$0x3F8E];
	s0 =	simm.s32 @p0 $0x1  }
0x13: {  	[smem:$0x3FA9] =	sst s0;
	s0 =	simm.s32 @!p1 $0x0  }
0x14: {  	s2 =	sld [smem:$0x3F8D];
	s0 =	simm.s32 @p1 $0x1  }
0x15: {  	[smem:$0x3FAA] =	sst s0;
	s0 =	simm.s32 @!p2 $0x0  }
0x16: {  	s3 =	sld [smem:$0x3FDB];
	s0 =	simm.s32 @p2 $0x1  }
0x17: {  	s4 =	simm.s32 $0x1BF5;
	[smem:$0x3FAC] =	sst s0  }
0x18: {  	s0 =	sld [smem:$0x3F8F];
	_ =	swait.ge [sflag:s4], $0x0  }
0x19: {  	s7 =	sld [smem:$0x3F90]  }
0x1a: {  	s8 =	sadd.s32 $0xFFFFE003, lr  }
0x1b: {  	s9 =	sadd.s32 $0xFFFFFEF7, lr;
	s5 =	simm.s32 $0xFFFFFFFF;
	p2 =	slt.u32 s8, $0xFFFFF086  }
0x1c: {  	p1 =	slt.u32 s9, $0xF7A;
	s5 =	simm.s32 @!p2 $0x0  }
0x1d: {  	s5 =	simm.s32 @p1 $0x1;
	p0 =	seq.s32 s7, s2  }
0x1e: {  	s7 =	smul.u32 @!p0 $0xF7A, s2;
	p2 =	seq.s32 @!p0 s5, $0x0  }
0x1f: {  	s9 =	smul.u32 $0xF7A, s1;
	s8 =	simm.s32 @!p0 $0x1BF5;
	p2 =	por !p2, p0  }
0x20: {  	[sflag:s8] =	ssyncset.s32 @!p0 $0xFFFFF086;
	s6 =	sadd.s32 @!p0 s3, s7;
	s7 =	simm.s32 @!p0 $0x108  }
0x21: {  	s3 =	sadd.s32 s3, s9;
	s6 =	sadd.s32 @!p0 $0x88, s6;
	s7 =	simm.s32 @p2 $0x1082  }
0x22: {  	[simem:s7], [sflag:s8] =	dma.local @!p0 [hbm:s6], $0xF7A  }
0x23: {  	s9 =	sor.u32 $0xD0000000, s2;
	s6 =	simm.s32 $0x108;
	_ =	swait.ge @!p0 [sflag:s8], $0x0  }
0x24: {  	s3 =	sadd.s32 $0x88, s3;
	s6 =	simm.s32 @!p1 $0x1082;
	[sflag:s4] =	ssyncset.s32 $0xFFFFF086  }
0x25: {  	[simem:s6], [sflag:s4] =	dma.local [hbm:s3], $0xF7A  }
0x26: {  	[smem:$0x3F90] =	sst s1;
	(tag) =	ssettag s2;
	_ =	strace s9  }
0x27: {  	s1 =	sld [smem:$0x3FA0]  }
0x28: {  	s2 =	sld [smem:$0x3FA1]  }
0x29: {  	s4 =	sld [smem:$0x3FA3]  }
0x2a: {  	p0 =	seq.s32 s5, $0x0;
	s5 =	sld [smem:$0x3FA4]  }
0x2b: {  	s6 =	sld [smem:$0x3FA5]  }
0x2c: {  	s7 =	sld [smem:$0x3FA6]  }
0x2d: {  	s3 =	simm.s32 $0x108;
	s8 =	sld [smem:$0x3FA7]  }
0x2e: {  	s3 =	simm.s32 @!p0 $0x1082;
	s9 =	sld [smem:$0x3FA8]  }
0x2f: {  	lr =	sadd.s32 s0, s3;
	s0 =	sld [smem:$0x3F9F]  }
0x30: {  	s3 =	sld [smem:$0x3FA2]  }
0x31: {  	[smem:$0x3FAB] =	sst s10  }
0x32: {  	s10 =	sld [smem:$0x3FA9];
	_ =	sdelay $0x3  }
0x33: {  	p0 =	seq.s32 s10, $0x1;
	s10 =	sld [smem:$0x3FAB];
	_ =	sdelay $0x3  }
0x34: {  	[smem:$0x3FAB] =	sst s10  }
0x35: {  	s10 =	sld [smem:$0x3FAA];
	_ =	sdelay $0x3  }
0x36: {  	p1 =	seq.s32 s10, $0x1;
	s10 =	sld [smem:$0x3FAB];
	_ =	sdelay $0x3  }
0x37: {  	[smem:$0x3FAB] =	sst s10  }
0x38: {  	s10 =	sld [smem:$0x3FAC]  }
0x39: {  	_ = 	snop;
	(pc) =	sbr.ind lr, $3  }
0x3a: {  	_ = 	snop  }
0x3b: {  	_ = 	snop  }
0x3c: {  	p2 =	seq.s32 s10, $0x1;
	s10 =	sld [smem:$0x3FAB]  }
0x3d: {  	_ =	shalt  }
0x3e: {  	_ =	shalt  }
0x3f: {  	_ =	shalt  }
0x40: {  	_ =	shalt  }
0x41: {  	_ =	shalt  }
0x42: {  	_ =	shalt  }
0x43: {  	_ =	shalt  }
0x44: {  	_ =	shalt  }
0x45: {  	_ =	shalt  }
0x46: {  	_ =	shalt  }
0x47: {  	_ =	shalt  }
0x48: {  	_ =	shalt  }
0x49: {  	_ =	shalt  }
0x4a: {  	_ =	shalt  }
0x4b: {  	_ =	shalt  }
0x4c: {  	_ =	shalt  }
0x4d: {  	_ =	shalt  }
0x4e: {  	_ =	shalt  }
0x4f: {  	_ =	shalt  }
0x50: {  	_ =	shalt  }
0x51: {  	_ =	shalt  }
0x52: {  	_ =	shalt  }
0x53: {  	_ =	shalt  }
0x54: {  	_ =	shalt  }
0x55: {  	_ =	shalt  }
0x56: {  	_ =	shalt  }
0x57: {  	_ =	shalt  }
0x58: {  	_ =	shalt  }
0x59: {  	_ =	shalt  }
0x5a: {  	_ =	shalt  }
0x5b: {  	_ =	shalt  }
0x5c: {  	_ =	shalt  }
0x5d: {  	_ =	shalt  }
0x5e: {  	_ =	shalt  }
0x5f: {  	_ =	shalt  }
0x60: {  	_ =	shalt  }
0x61: {  	_ =	shalt  }
0x62: {  	_ =	shalt  }
0x63: {  	_ =	shalt  }
0x64: {  	_ =	shalt  }
0x65: {  	_ =	shalt  }
0x66: {  	_ =	shalt  }
0x67: {  	_ =	shalt  }
0x68: {  	_ =	shalt  }
0x69: {  	_ =	shalt  }
0x6a: {  	_ =	shalt  }
0x6b: {  	_ =	shalt  }
0x6c: {  	_ =	shalt  }
0x6d: {  	_ =	shalt  }
0x6e: {  	_ =	shalt  }
0x6f: {  	_ =	shalt  }
0x70: {  	_ =	shalt  }
0x71: {  	_ =	shalt  }
0x72: {  	_ =	shalt  }
0x73: {  	_ =	shalt  }
0x74: {  	_ =	shalt  }
0x75: {  	_ =	shalt  }
0x76: {  	_ =	shalt  }
0x77: {  	_ =	shalt  }
0x78: {  	_ =	shalt  }
0x79: {  	_ =	shalt  }
0x7a: {  	_ =	shalt  }
0x7b: {  	_ =	shalt  }
0x7c: {  	_ =	shalt  }
0x7d: {  	_ =	shalt  }
0x7e: {  	_ =	shalt  }
0x7f: {  	_ =	shalt  }
0x80: {  	_ =	shalt  }
0x81: {  	_ =	shalt  }
0x82: {  	_ =	shalt  }
0x83: {  	_ =	shalt  }
0x84: {  	_ =	shalt  }
0x85: {  	_ =	shalt  }
0x86: {  	_ =	shalt  }
0x87: {  	_ =	shalt  }
.Lfunc_end0:
.L_simem_size_0:
called_computation.3_lowered:
.L_overlay_start_0:
0x88: {  	s2 =	sld [smem:$0x3FD9]  }
0x89: {  	s3 =	sld [smem:$0x3FFE];
	_ =	sdelay $0x1  }
0x8a: {  	s1 =	srdreg.scid  }
0x8b: {  	s0 =	sand.u32 $0x1, s1  }
0x8c: {  	s16 =	sshll.u32 s0, $0xA;
	s2 =	sadd.s32 s3, s2  }
0x8d: {  	s2 =	sadd.s32 s2, s16  }
0x8e: {  	[smem:$0x3FB7] =	sst s2  }
0x8f: {  	_ = 	snop  }
0x90: {  	(tm) =	ssettm $0x1  }
0x91: {  	s17 =	sld [smem:$0x3FFB];
	_ =	sdelay $0x3  }
0x92: {  	_ =	strace s17  }
0x93: {  	s2 =	sld [smem:$0x3FFC];
	_ =	sdelay $0x3  }
0x94: {  	_ =	strace s2  }
0x95: {  	s2 =	sld [smem:$0x3FFD];
	_ =	sdelay $0x3  }
0x96: {  	_ =	strace s2  }
0x97: {  	_ =	strace $0x8FFFFFFF  }
0x98: {  	s18 =	sld [smem:$0x3FDB];
	_ =	sdelay $0x1  }
0x99: {  	s19 =	simm.s32 $_scs_section_size  }
0x9a: {  	s4 =	simm.s32 $_size__tile_overlayer_lowered;
	s5 =	simm.s32 $_tile_overlayer_lowered  }
0x9b: {  	s22 =	simm.s32 $0x1BFF;
	s21 =	sshll.u32 s5, $0x1;
	s2 =	sadd.s32 s19, s18  }
0x9c: {  	s6 =	simm.s32 $0x0;
	s20 =	sshll.u32 s4, $0x1;
	s4 =	sadd.s32 s21, s2  }
0x9d: {  	[timem:s6], [sflag:s22] =	dma.local [hbm:s4], s20  }
0x9e: {  	_ =	swait.ge [sflag:s22], s20  }
0x9f: {  	s3 =	ssub.s32 $0x0, s20;
	[sflag:s22] =	ssyncset.done $0x0  }
0xa0: {  	[sflag:s22] =	ssyncadd.s32 s3;
	_ =	sdelay $0x1  }
0xa1: {  	s23 =	simm.s32 $0x1B8B  }
0xa2: {  	_ =	swait.ge [sflag:s23], $0x1  }
0xa3: {  	[sflag:s23] =	ssyncset.done $0x0  }
0xa4: {  	s25 =	simm.s32 $0x1B8E;
	s24 =	sld [smem:$0x3FFE];
	[sflag:s23] =	ssyncadd.s32 $0xFFFFFFFF  }
0xa5: {  	s26 =	simm.s32 $execute0_lowered;
	[smem:$0x3FD2] =	sst s25  }
0xa6: {  	s4 =	sshll.u32 s26, $0x1;
	_ =	strace $0x8000004F;
	[dreg:$0x1] =	wrdreg $0xFFFFFFFF  }
0xa7: {  	s28 =	simm.s32 $_size_execute0_lowered;
	s2 =	sadd.s32 s2, s4;
	[dreg:$0x0] =	wrdreg $0x0  }
0xa8: {  	s4 =	sshll.u32 s28, $0x1;
	[dreg:$0x2] =	wrdreg s2  }
0xa9: {  	[dreg:$0x3] =	wrdreg s4  }
0xaa: {  	[dreg:$0x4] =	wrdreg $0xC0  }
0xab: {  	_ =	task [dreg:s6], $0x5FFFF  }
0xac: {  	[dreg:$0x1] =	wrdreg $0xFFFFFFFF  }
0xad: {  	[dreg:$0x0] =	wrdreg $0x60  }
0xae: {  	[dreg:$0x2] =	wrdreg s24  }
0xaf: {  	[dreg:$0x3] =	wrdreg $0xA8000  }
0xb0: {  	[dreg:$0x4] =	wrdreg $0x9  }
0xb1: {  	_ =	task.clear_ibuf [dreg:s6], $0x5FFFF;
	_ =	strace $0x9000004F  }
0xb2: {  	s29 =	simm.s32 $0x9;
	_ =	strace $0x80000051  }
0xb3: {  	_ =	swait.ge [sflag:s29], $0x1  }
0xb4: {  	[sflag:s29] =	ssyncadd.s32 $0xFFFFFFFF  }
0xb5: {  	_ =	strace $0x90000051  }
0xb6: {  	_ =	sfence  }
0xb7: {  	s30 =	sld [smem:$0x0];
	_ =	sdelay $0x2  }
0xb8: {  	s31 =	sshll.u32 s1, $0xD;
	s1 =	sshrl.u32 s1, $0x2  }
0xb9: {  	s3 =	sand.u32 $0x4000, s31;
	s1 =	sadd.s32 s1, s30  }
0xba: {  	s0 =	sor.u32 s3, s0;
	s1 =	sshll.u32 s1, $0x11  }
0xbb: {  	s0 =	sor.u32 s1, s0  }
0xbc: {  	s0 =	sadd.s32 $0x8F2B, s0  }
0xbd: {  	[sflag:s0] =	ssyncadd.remote.s32 $0x1  }
0xbe: {  	_ =	sfence.sel $0xFFFF  }
0xbf: {  	[dreg:$0x0] =	wrdreg $0xFFFFFFFF;
	(pc) =	sbr.abs _section_cstart, $3  }
0xc0: {  	[dreg:$0x1] =	wrdreg $0xFFFFFFFF  }
0xc1: {  	_ =	task.clear_ibuf [dreg:s6], $0x2FFFF;
	_ =	strace $0x9FFFFFFF  }
0xc2: {  	(tm) =	ssettm $0x7FFFFFFF  }
0xc3: {  	_ =	shalt  }
tec
execute0_lowered:
.L_overlay_start_1:
0x0: {  	(tag) =	ssettag $0x1  }
0x1: {  	s13 =	rddreg [dreg:$0x0]  }
0x2: {  	s1 =	rddreg [dreg:$0x1]  }
0x3: {  	s0 =	rddreg [dreg:$0x2];
	s3 =	simm.s32 $0x0  }
0x4: {  	s4 =	srdreg.scid;
	s2 =	stileid.u32;
	s18 =	simm.s32 $0x69600  }
0x5: {  	s19 =	simm.s32 $0x80;
	s20 =	simm.s32 $0x6800;
	s21 =	simm.s32 $0x1  }
0x6: {  	s22 =	simm.s32 $0x2;
	s23 =	simm.s32 $0x2700;
	s24 =	simm.s32 $0x2780  }
0x7: {  	[smem:$0x7FF] =	sst s3;
	s10 =	sand.u32 $0x1, s4;
	s5 =	smul.u32 $0x50000, s2  }
0x8: {  	s4 =	sadd.s32 $0x19600, s13;
	s14 =	sadd.s32 $0x5600, s13;
	s15 =	sadd.s32 $0xF600, s13  }
0x9: {  	s17 =	smul.u32 $0x2800, s2;
	_ =	strace $0x80000050;
	s6 =	ssub.s32 $0x2, s10  }
0xa: {  	s8 =	sshll.u32 s10, $0x4;
	p0 =	seq.s32 s10, $0x1;
	s7 =	sshrl.u32 s6, $0x1  }
0xb: {  	s5 =	sshrl.u32 s5, $0x2;
	s12 =	sor.u32 s2, s8;
	s18 =	simm.s32 @!p0 $0x41600  }
0xc: {  	s11 =	ssub.s32 s6, s7;
	s5 =	sadd.s32 s5, s1;
	s16 =	smul.u32 $0x500, s12  }
0xd: {  	s18 =	sadd.s32 s18, s13;
	s6 =	sadd.s32 $0x4000, s5;
	s7 =	sadd.s32 $0x8000, s5  }
0xe: {  	s8 =	sadd.s32 $0xC000, s5;
	s9 =	sadd.s32 $0x10000, s5;
	s10 =	smax.u32 s11, $0x1  }
0xf: {  	s11 =	sadd.s32 s14, s16;
	s12 =	sadd.s32 s15, s16;
	s16 =	sadd.s32 $0x280, s16  }
0x10: {  	s13 =	sadd.s32 s14, s16;
	s14 =	sadd.s32 s15, s16;
	s15 =	sadd.s32 s18, s17  }
0x11: {  	v0 =	vimm.f32 $0.0e+00;
	s16 =	simm.s32 $0x2800;
	s17 =	simm.s32 $0x3;
	s18 =	simm.s32 $0x1400  }
.LBB2_1:
0x12: {  	s25 =	simm.s32 $0x0;
	s26 =	simm.s32 $0x200  }
.LBB2_2:
0x13: {  	p0 =	sne.s32 s26, $0xFE00;
	[tilespmem:s25+$0x2870] =	vst v0  }
0x14: {  	[tilespmem:s25+$0x2800] =	vst v0  }
0x15: {  	[tilespmem:s25+$0x2810] =	vst v0  }
.Ltmp0:
0x16: {  	[tilespmem:s25+$0x2820] =	vst v0;
	(pc) =	sbr.rel @p0 .LBB2_2-.Ltmp0, $4  }
0x17: {  	[tilespmem:s25+$0x2830] =	vst v0  }
0x18: {  	[tilespmem:s25+$0x2840] =	vst v0  }
0x19: {  	[tilespmem:s25+$0x2850] =	vst v0  }
0x1a: {  	[tilespmem:s25+$0x2860] =	vst v0;
	s25 =	sshra.s32 s26, $0x2;
	s26 =	sadd.s32 $0x200, s26  }
0x1b: {  	[tilespmem:s25+$0x2870] =	vst v0  }
0x1c: {  	[tilespmem:s25+$0x2800] =	vst v0  }
0x1d: {  	[tilespmem:s25+$0x2810] =	vst v0  }
0x1e: {  	[tilespmem:s25+$0x2820] =	vst v0  }
0x1f: {  	[tilespmem:s25+$0x2830] =	vst v0  }
0x20: {  	[tilespmem:s25+$0x2840] =	vst v0  }
0x21: {  	[tilespmem:s25+$0x2850] =	vst v0  }
0x22: {  	[tilespmem:s25+$0x2860] =	vst v0  }
0x23: {  	[spmem:s5] =	stream.linear.scatter [tilespmem:s16], [sflag:$0x3], $0x4000, $0x38;
	[tilespmem:$0x1E800] =	vst v63  }
0x24: {  	_ =	swait.ge [sflag:s17], $0x4000  }
0x25: {  	[sflag:s17] =	ssyncset.done $0x0  }
0x26: {  	[sflag:s17] =	ssyncadd.s32 $0xFFFFC000  }
0x27: {  	[spmem:s6] =	stream.linear.scatter [tilespmem:s16], [sflag:$0x3], $0x4000, $0x38;
	[tilespmem:$0x1E800] =	vst v63  }
0x28: {  	_ =	swait.ge [sflag:s17], $0x4000  }
0x29: {  	[sflag:s17] =	ssyncset.done $0x0  }
0x2a: {  	[sflag:s17] =	ssyncadd.s32 $0xFFFFC000  }
0x2b: {  	[spmem:s7] =	stream.linear.scatter [tilespmem:s16], [sflag:$0x3], $0x4000, $0x38;
	[tilespmem:$0x1E800] =	vst v63  }
0x2c: {  	_ =	swait.ge [sflag:s17], $0x4000  }
0x2d: {  	[sflag:s17] =	ssyncset.done $0x0  }
0x2e: {  	[sflag:s17] =	ssyncadd.s32 $0xFFFFC000  }
0x2f: {  	[spmem:s8] =	stream.linear.scatter [tilespmem:s16], [sflag:$0x3], $0x4000, $0x38;
	[tilespmem:$0x1E800] =	vst v63  }
0x30: {  	_ =	swait.ge [sflag:s17], $0x4000  }
0x31: {  	[sflag:s17] =	ssyncset.done $0x0  }
0x32: {  	[sflag:s17] =	ssyncadd.s32 $0xFFFFC000  }
0x33: {  	[spmem:s9] =	stream.linear.scatter [tilespmem:s16], [sflag:$0x3], $0x4000, $0x38;
	[tilespmem:$0x1E800] =	vst v63  }
0x34: {  	_ =	swait.ge [sflag:s17], $0x4000  }
0x35: {  	[sflag:s17] =	ssyncset.done $0x0  }
0x36: {  	[sflag:s17] =	ssyncadd.s32 $0xFFFFC000  }
0x37: {  	s28 =	simm.s32 $0x0;
	[bflag:$0x0] =	sbarrier.arrive $0xFFFF  }
0x38: {  	[tilespmem:s28], [sflag:$0x3] =	stream.linear.gather [hbm4b:s11+s28], $0x1400, $0x38;
	[tilespmem:$0x1E800] =	vst v63  }
0x39: {  	_ =	swait.ge [sflag:s17], $0x1400  }
0x3a: {  	[sflag:s17] =	ssyncset.done $0x0  }
0x3b: {  	[sflag:s17] =	ssyncadd.s32 $0xFFFFEC00  }
0x3c: {  	[tilespmem:s18], [sflag:$0x3] =	stream.linear.gather [hbm4b:s12+s28], $0x1400, $0x38;
	[tilespmem:$0x1E800] =	vst v63  }
0x3d: {  	_ =	swait.ge [sflag:s17], $0x1400  }
0x3e: {  	[sflag:s17] =	ssyncset.done $0x0  }
0x3f: {  	[sflag:s17] =	ssyncadd.s32 $0xFFFFEC00  }
0x40: {  	[tilespmem:s16], [sflag:$0x1] =	stream.indirect.gather [hbm4b:s4+s19], $0x80, s28, s19, $0xb8;
	[tilespmem:$0x1E800] =	vst v63  }
0x41: {  	_ = 	snop  }
0x42: {  	[tilespmem:s20], [sflag:$0x2] =	stream.indirect.gather [hbm4b:s4+s19], $0x80, s19, s19, $0xb8;
	[tilespmem:$0x1E800] =	vst v63  }
0x43: {  	_ =	swait.ge [sflag:s21], $0x4000  }
0x44: {  	[sflag:s21] =	ssyncset.done $0x0  }
0x45: {  	s29 =	simm.s32 $0x1400;
	[sflag:s21] =	ssyncadd.s32 $0xFFFFC000  }
0x46: {  	[spmem:s1] =	stream.indirect.scatter.add.f32 [tilespmem:s16], [sflag:$0x3], $0x80, s29, s19, $0xb8;
	[tilespmem:$0x1E800] =	vst v63  }
0x47: {  	_ =	swait.ge [sflag:s17], $0x4000  }
0x48: {  	[sflag:s17] =	ssyncset.done $0x0  }
0x49: {  	s30 =	simm.s32 $0x100;
	[sflag:s17] =	ssyncadd.s32 $0xFFFFC000  }
0x4a: {  	[tilespmem:s16], [sflag:$0x1] =	stream.indirect.gather [hbm4b:s4+s19], $0x80, s30, s19, $0xb8;
	[tilespmem:$0x1E800] =	vst v63  }
0x4b: {  	_ =	swait.ge [sflag:s22], $0x4000  }
0x4c: {  	[sflag:s22] =	ssyncset.done $0x0  }
0x4d: {  	s31 =	simm.s32 $0x1480;
	[sflag:s22] =	ssyncadd.s32 $0xFFFFC000  }
0x4e: {  	[spmem:s1] =	stream.indirect.scatter.add.f32 [tilespmem:s20], [sflag:$0x3], $0x80, s31, s19, $0xb8;
	[tilespmem:$0x1E800] =	vst v63  }
0x4f: {  	_ =	swait.ge [sflag:s17], $0x4000  }
0x50: {  	[sflag:s17] =	ssyncset.done $0x0  }
0x51: {  	s25 =	simm.s32 $0x400;
	s26 =	simm.s32 $0x180;
	[sflag:s17] =	ssyncadd.s32 $0xFFFFC000  }
.LBB2_4:
0x52: {  	[tilespmem:s20], [sflag:$0x2] =	stream.indirect.gather [hbm4b:s4+s19], $0x80, s26, s19, $0xb8;
	[tilespmem:$0x1E800] =	vst v63  }
0x53: {  	s26 =	smov.u32 s25  }
0x54: {  	p0 =	sne.s32 s25, $0x4800;
	s25 =	sadd.s32 $0x400, s25;
	_ =	swait.ge [sflag:s21], $0x4000  }
0x55: {  	s26 =	sshra.s32 s26, $0x2;
	[sflag:s21] =	ssyncset.done $0x0  }
0x56: {  	s28 =	sadd.s32 $0x1400, s26;
	[sflag:s21] =	ssyncadd.s32 $0xFFFFC000  }
0x57: {  	[spmem:s1] =	stream.indirect.scatter.add.f32 [tilespmem:s16], [sflag:$0x3], $0x80, s28, s19, $0xb8;
	[tilespmem:$0x1E800] =	vst v63  }
0x58: {  	_ =	swait.ge [sflag:s17], $0x4000  }
0x59: {  	[sflag:s17] =	ssyncset.done $0x0  }
0x5a: {  	s28 =	sadd.s32 $0x100, s26;
	[sflag:s17] =	ssyncadd.s32 $0xFFFFC000  }
0x5b: {  	[tilespmem:s16], [sflag:$0x1] =	stream.indirect.gather [hbm4b:s4+s19], $0x80, s28, s19, $0xb8;
	[tilespmem:$0x1E800] =	vst v63  }
0x5c: {  	_ =	swait.ge [sflag:s22], $0x4000  }
0x5d: {  	[sflag:s22] =	ssyncset.done $0x0  }
.Ltmp1:
0x5e: {  	s28 =	sadd.s32 $0x1480, s26;
	[sflag:s22] =	ssyncadd.s32 $0xFFFFC000;
	(pc) =	sbr.rel @p0 .LBB2_4-.Ltmp1, $4  }
0x5f: {  	[spmem:s1] =	stream.indirect.scatter.add.f32 [tilespmem:s20], [sflag:$0x3], $0x80, s28, s19, $0xb8;
	[tilespmem:$0x1E800] =	vst v63  }
0x60: {  	_ =	swait.ge [sflag:s17], $0x4000  }
0x61: {  	[sflag:s17] =	ssyncset.done $0x0  }
0x62: {  	s26 =	sadd.s32 $0x180, s26;
	[sflag:s17] =	ssyncadd.s32 $0xFFFFC000  }
0x63: {  	[tilespmem:s20], [sflag:$0x2] =	stream.indirect.gather [hbm4b:s4+s19], $0x80, s26, s19, $0xb8;
	[tilespmem:$0x1E800] =	vst v63  }
0x64: {  	_ =	swait.ge [sflag:s21], $0x4000  }
0x65: {  	[sflag:s21] =	ssyncset.done $0x0  }
0x66: {  	[sflag:s21] =	ssyncadd.s32 $0xFFFFC000  }
0x67: {  	[spmem:s1] =	stream.indirect.scatter.add.f32 [tilespmem:s16], [sflag:$0x3], $0x80, s23, s19, $0xb8;
	[tilespmem:$0x1E800] =	vst v63  }
0x68: {  	_ =	swait.ge [sflag:s17], $0x4000  }
0x69: {  	[sflag:s17] =	ssyncset.done $0x0  }
0x6a: {  	[sflag:s17] =	ssyncadd.s32 $0xFFFFC000  }
0x6b: {  	_ =	swait.ge [sflag:s22], $0x4000  }
0x6c: {  	[sflag:s22] =	ssyncset.done $0x0  }
0x6d: {  	[sflag:s22] =	ssyncadd.s32 $0xFFFFC000  }
0x6e: {  	[spmem:s1] =	stream.indirect.scatter.add.f32 [tilespmem:s20], [sflag:$0x3], $0x80, s24, s19, $0xb8;
	[tilespmem:$0x1E800] =	vst v63  }
0x6f: {  	_ =	swait.ge [sflag:s17], $0x4000  }
0x70: {  	[sflag:s17] =	ssyncset.done $0x0  }
0x71: {  	s25 =	simm.s32 $0x0;
	[sflag:s17] =	ssyncadd.s32 $0xFFFFC000  }
0x72: {  	[tilespmem:s25], [sflag:$0x3] =	stream.linear.gather [hbm4b:s13+s25], $0x1400, $0x38;
	[tilespmem:$0x1E800] =	vst v63  }
0x73: {  	_ =	swait.ge [sflag:s17], $0x1400  }
0x74: {  	[sflag:s17] =	ssyncset.done $0x0  }
0x75: {  	[sflag:s17] =	ssyncadd.s32 $0xFFFFEC00  }
0x76: {  	[tilespmem:s18], [sflag:$0x3] =	stream.linear.gather [hbm4b:s14+s25], $0x1400, $0x38;
	[tilespmem:$0x1E800] =	vst v63  }
0x77: {  	_ =	swait.ge [sflag:s17], $0x1400  }
0x78: {  	[sflag:s17] =	ssyncset.done $0x0  }
0x79: {  	[sflag:s17] =	ssyncadd.s32 $0xFFFFEC00  }
0x7a: {  	[tilespmem:s16], [sflag:$0x1] =	stream.indirect.gather [hbm4b:s4+s19], $0x80, s25, s19, $0xb8;
	[tilespmem:$0x1E800] =	vst v63  }
0x7b: {  	_ = 	snop  }
0x7c: {  	[tilespmem:s20], [sflag:$0x2] =	stream.indirect.gather [hbm4b:s4+s19], $0x80, s19, s19, $0xb8;
	[tilespmem:$0x1E800] =	vst v63  }
0x7d: {  	_ =	swait.ge [sflag:s21], $0x4000  }
0x7e: {  	[sflag:s21] =	ssyncset.done $0x0  }
0x7f: {  	s29 =	simm.s32 $0x1400;
	[sflag:s21] =	ssyncadd.s32 $0xFFFFC000  }
0x80: {  	[spmem:s1] =	stream.indirect.scatter.add.f32 [tilespmem:s16], [sflag:$0x3], $0x80, s29, s19, $0xb8;
	[tilespmem:$0x1E800] =	vst v63  }
0x81: {  	_ =	swait.ge [sflag:s17], $0x4000  }
0x82: {  	[sflag:s17] =	ssyncset.done $0x0  }
0x83: {  	s30 =	simm.s32 $0x100;
	[sflag:s17] =	ssyncadd.s32 $0xFFFFC000  }
0x84: {  	[tilespmem:s16], [sflag:$0x1] =	stream.indirect.gather [hbm4b:s4+s19], $0x80, s30, s19, $0xb8;
	[tilespmem:$0x1E800] =	vst v63  }
0x85: {  	_ =	swait.ge [sflag:s22], $0x4000  }
0x86: {  	[sflag:s22] =	ssyncset.done $0x0  }
0x87: {  	s31 =	simm.s32 $0x1480;
	[sflag:s22] =	ssyncadd.s32 $0xFFFFC000  }
0x88: {  	[spmem:s1] =	stream.indirect.scatter.add.f32 [tilespmem:s20], [sflag:$0x3], $0x80, s31, s19, $0xb8;
	[tilespmem:$0x1E800] =	vst v63  }
0x89: {  	_ =	swait.ge [sflag:s17], $0x4000  }
0x8a: {  	[sflag:s17] =	ssyncset.done $0x0  }
0x8b: {  	s26 =	simm.s32 $0x180;
	s25 =	simm.s32 $0x400;
	[sflag:s17] =	ssyncadd.s32 $0xFFFFC000  }
.LBB2_6:
0x8c: {  	[tilespmem:s20], [sflag:$0x2] =	stream.indirect.gather [hbm4b:s4+s19], $0x80, s26, s19, $0xb8;
	[tilespmem:$0x1E800] =	vst v63  }
0x8d: {  	s26 =	smov.u32 s25  }
0x8e: {  	p0 =	sne.s32 s25, $0x4800;
	s25 =	sadd.s32 $0x400, s25;
	_ =	swait.ge [sflag:s21], $0x4000  }
0x8f: {  	s26 =	sshra.s32 s26, $0x2;
	[sflag:s21] =	ssyncset.done $0x0  }
0x90: {  	s28 =	sadd.s32 $0x1400, s26;
	[sflag:s21] =	ssyncadd.s32 $0xFFFFC000  }
0x91: {  	[spmem:s1] =	stream.indirect.scatter.add.f32 [tilespmem:s16], [sflag:$0x3], $0x80, s28, s19, $0xb8;
	[tilespmem:$0x1E800] =	vst v63  }
0x92: {  	_ =	swait.ge [sflag:s17], $0x4000  }
0x93: {  	[sflag:s17] =	ssyncset.done $0x0  }
0x94: {  	s28 =	sadd.s32 $0x100, s26;
	[sflag:s17] =	ssyncadd.s32 $0xFFFFC000  }
0x95: {  	[tilespmem:s16], [sflag:$0x1] =	stream.indirect.gather [hbm4b:s4+s19], $0x80, s28, s19, $0xb8;
	[tilespmem:$0x1E800] =	vst v63  }
0x96: {  	_ =	swait.ge [sflag:s22], $0x4000  }
0x97: {  	[sflag:s22] =	ssyncset.done $0x0  }
.Ltmp2:
0x98: {  	s28 =	sadd.s32 $0x1480, s26;
	[sflag:s22] =	ssyncadd.s32 $0xFFFFC000;
	(pc) =	sbr.rel @p0 .LBB2_6-.Ltmp2, $4  }
0x99: {  	[spmem:s1] =	stream.indirect.scatter.add.f32 [tilespmem:s20], [sflag:$0x3], $0x80, s28, s19, $0xb8;
	[tilespmem:$0x1E800] =	vst v63  }
0x9a: {  	_ =	swait.ge [sflag:s17], $0x4000  }
0x9b: {  	[sflag:s17] =	ssyncset.done $0x0  }
0x9c: {  	s26 =	sadd.s32 $0x180, s26;
	[sflag:s17] =	ssyncadd.s32 $0xFFFFC000  }
0x9d: {  	[tilespmem:s20], [sflag:$0x2] =	stream.indirect.gather [hbm4b:s4+s19], $0x80, s26, s19, $0xb8;
	[tilespmem:$0x1E800] =	vst v63  }
0x9e: {  	_ =	swait.ge [sflag:s21], $0x4000  }
0x9f: {  	[sflag:s21] =	ssyncset.done $0x0  }
0xa0: {  	[sflag:s21] =	ssyncadd.s32 $0xFFFFC000  }
0xa1: {  	[spmem:s1] =	stream.indirect.scatter.add.f32 [tilespmem:s16], [sflag:$0x3], $0x80, s23, s19, $0xb8;
	[tilespmem:$0x1E800] =	vst v63  }
0xa2: {  	_ =	swait.ge [sflag:s17], $0x4000  }
0xa3: {  	[sflag:s17] =	ssyncset.done $0x0  }
0xa4: {  	[sflag:s17] =	ssyncadd.s32 $0xFFFFC000  }
0xa5: {  	_ =	swait.ge [sflag:s22], $0x4000  }
0xa6: {  	[sflag:s22] =	ssyncset.done $0x0  }
0xa7: {  	[sflag:s22] =	ssyncadd.s32 $0xFFFFC000  }
0xa8: {  	[spmem:s1] =	stream.indirect.scatter.add.f32 [tilespmem:s20], [sflag:$0x3], $0x80, s24, s19, $0xb8;
	[tilespmem:$0x1E800] =	vst v63  }
0xa9: {  	_ =	swait.ge [sflag:s17], $0x4000  }
0xaa: {  	s25 =	sshll.u32 s2, $0x6;
	s3 =	sadd.s32 $0x1, s3;
	[sflag:s17] =	ssyncset.done $0x0  }
0xab: {  	s31 =	sshrl.u32 s5, $0x3;
	p0 =	sne.s32 s3, s10;
	[sflag:s17] =	ssyncadd.s32 $0xFFFFC000  }
.Ltmp3:
0xac: {  	s25 =	sor.u32 $0x1C03, s25;
	[bflag:$0x0] =	sbarrier.arrive $0xFFFF;
	(pc) =	sbr.rel @p0 .LBB2_1-.Ltmp3, $4  }
0xad: {  	[hbm:s15], [sflag:s25] =	dma.local [spmem:s31], $0x2800  }
0xae: {  	_ =	swait.ge [sflag:s17], $0x2800  }
0xaf: {  	[sflag:s17] =	ssyncset.done $0x0  }
0xb0: {  	[sflag:s17] =	ssyncadd.s32 $0xFFFFD800  }
0xb1: {  	_ =	sfence.sel $0x180000  }
0xb2: {  	[bflag:$0x0] =	sbarrier.arrive $0xFFFF  }
0xb3: {  	p0 =	sne.s32 s2, $0x0;
	_ =	strace $0x90000050  }
0xb4: {  	s0 =	sadd.s32 @!p0 $0x100000, s0;
	[bflag:$0x2] =	sbarrier.arrive $0xFFFF  }
0xb5: {  	[sflag:s0] =	ssyncadd.tile.s32 @!p0 $0x1;
	_ =	shalt  }
.Lfunc_end2:
_tile_overlayer_lowered:
.L_overlay_start_2:
0xb6: {  	(tag) =	ssettag $0x2  }
0xb7: {  	s0 =	rddreg [dreg:$0x0];
	s2 =	stileid.u32  }
0xb8: {  	s1 =	rddreg [dreg:$0x1];
	p0 =	sne.s32 s2, $0x0  }
0xb9: {  	s3 =	rddreg [dreg:$0x2];
	[bflag:$0x3] =	sbarrier.arrive $0xFFFF;
	s2 =	simm.s32 @!p0 $0x1C03  }
0xba: {  	[timem:s3], [sflag:s2] =	dma.local @!p0 [hbm:s0], s1  }
0xbb: {  	s0 =	simm.s32 @!p0 $0x3  }
0xbc: {  	_ =	swait.ge @!p0 [sflag:s0], s1  }
0xbd: {  	s1 =	ssub.s32 @!p0 $0x0, s1;
	[sflag:s0] =	ssyncset.done @!p0 $0x0  }
0xbe: {  	[sflag:s0] =	ssyncadd.s32 @!p0 s1  }
0xbf: {  	[bflag:$0x3] =	sbarrier.arrive $0xFFFF  }
0xc0: {  	_ =	shalt  }

</sc_bundles>
